<compile_context>
chip_gen: v7x
topology: tpu7x:2x2x1
jax: 0.10.2.dev20260603
libtpu: 0.0.44.dev20260713+nightly
codegen_flags: <defaults>
</compile_context>

<pallas_src>
import functools

import jax
import jax.numpy as jnp
from jax import lax
from jax.experimental import pallas as pl
from jax.experimental.pallas import tpu as pltpu
from jax.experimental.pallas import tpu_sc as plsc

_N = 10000
_E = 320000
_F_IN = 128
_HID = 64
_NCLS = 16
_NGRAPH = 64

_NP = 10240
_CH = 128
_NW = 32
_CHUNKS_PER_W = 79
_NCHP = _NW * _CHUNKS_PER_W
_EP = _NCHP * _CH
_DEGW = 16
_RB = 2000
_NRB = 5

_mesh = plsc.VectorSubcoreMesh(core_axis_name="c", subcore_axis_name="s")



@functools.partial(
    pl.kernel,
    out_type=jax.ShapeDtypeStruct((2, _NP, _DEGW), jnp.float32),
    mesh=_mesh,
    compiler_params=pltpu.CompilerParams(use_tc_tiling_on_sc=False),
    scratch_types=[
        pltpu.VMEM((_CH,), jnp.int32),
        pltpu.VMEM((_CH, _DEGW), jnp.float32),
        pltpu.VMEM_SHARED((_NP, _DEGW), jnp.float32),
    ],
)
def _sc_degree(dst_hbm, ones_hbm, zero_hbm, out_hbm, idx_d, buf, deg_sp):
    c = lax.axis_index("c")
    s = lax.axis_index("s")
    w = s * 2 + c

    pltpu.sync_copy(zero_hbm, buf)
    for k in range(5):
        base = s * 640 + k * _CH
        pltpu.sync_copy(buf, deg_sp.at[pl.ds(base, _CH)])
    pltpu.sync_copy(ones_hbm, buf)
    plsc.subcore_barrier()

    def body(j, carry):
        q = w * _CHUNKS_PER_W + j
        pltpu.sync_copy(dst_hbm.at[q], idx_d)
        pltpu.sync_copy(buf, deg_sp.at[idx_d], add=True)
        return carry

    lax.fori_loop(0, _CHUNKS_PER_W, body, 0)
    plsc.subcore_barrier()
    for k in range(5):
        base = s * 640 + k * _CH
        pltpu.sync_copy(deg_sp.at[pl.ds(base, _CH)], buf)
        pltpu.sync_copy(buf, out_hbm.at[c, pl.ds(base, _CH)])


@functools.partial(
    pl.kernel,
    out_type=jax.ShapeDtypeStruct((2, _NP, _HID), jnp.float32),
    mesh=_mesh,
    compiler_params=pltpu.CompilerParams(use_tc_tiling_on_sc=False),
    scratch_types=[
        pltpu.VMEM((_CH,), jnp.int32),
        pltpu.VMEM((_CH,), jnp.int32),
        pltpu.VMEM((_CH, _HID), jnp.float32),
        pltpu.VMEM_SHARED((_NP, _HID), jnp.float32),
        pltpu.SemaphoreType.DMA,
    ],
)
def _sc_scatter(g_hbm, src_hbm, dst_hbm, zero_hbm, out_hbm,
                idx_s, idx_d, rows, acc_sp, sem):
    c = lax.axis_index("c")
    s = lax.axis_index("s")
    w = s * 2 + c

    pltpu.sync_copy(zero_hbm, rows)
    for k in range(5):
        base = s * 640 + k * _CH
        pltpu.sync_copy(rows, acc_sp.at[pl.ds(base, _CH)])
    plsc.subcore_barrier()

    def body(j, carry):
        q = w * _CHUNKS_PER_W + j
        pltpu.sync_copy(src_hbm.at[q], idx_s)
        pltpu.sync_copy(dst_hbm.at[q], idx_d)
        pltpu.async_copy(g_hbm.at[idx_s], rows, sem).wait()
        pltpu.sync_copy(rows, acc_sp.at[idx_d], add=True)
        return carry

    lax.fori_loop(0, _CHUNKS_PER_W, body, 0)
    plsc.subcore_barrier()
    for k in range(5):
        base = s * 640 + k * _CH
        pltpu.sync_copy(acc_sp.at[pl.ds(base, _CH)], rows)
        pltpu.sync_copy(rows, out_hbm.at[c, pl.ds(base, _CH)])



def _dinv_block(d0, d1):
    deg = 1.0 + d0[0, :, 0:1] + d1[0, :, 0:1]
    return lax.rsqrt(deg)


def _tc_in_body(x_ref, w_ref, d0_ref, d1_ref, o_ref):
    dinv = _dinv_block(d0_ref, d1_ref)
    h = jnp.dot(x_ref[...], w_ref[...], preferred_element_type=jnp.float32)
    o_ref[...] = h * dinv


def _tc_in(x, W1, degp):
    return pl.pallas_call(
        _tc_in_body,
        grid=(_NRB,),
        in_specs=[
            pl.BlockSpec((_RB, _F_IN), lambda i: (i, 0)),
            pl.BlockSpec((_F_IN, _HID), lambda i: (0, 0)),
            pl.BlockSpec((1, _RB, _DEGW), lambda i: (0, i, 0)),
            pl.BlockSpec((1, _RB, _DEGW), lambda i: (1, i, 0)),
        ],
        out_specs=pl.BlockSpec((_RB, _HID), lambda i: (i, 0)),
        out_shape=jax.ShapeDtypeStruct((_NP, _HID), jnp.float32),
    )(x, W1, degp, degp)


def _tc_mid_body(p0_ref, p1_ref, g_ref, d0_ref, d1_ref, b_ref, w_ref, o_ref):
    dinv = _dinv_block(d0_ref, d1_ref)
    acc = p0_ref[0] + p1_ref[0] + g_ref[...]
    h = jnp.maximum(acc * dinv + b_ref[...], 0.0)
    o_ref[...] = jnp.dot(h, w_ref[...], preferred_element_type=jnp.float32) * dinv


def _tc_mid(p, g, degp, b, W):
    return pl.pallas_call(
        _tc_mid_body,
        grid=(_NRB,),
        in_specs=[
            pl.BlockSpec((1, _RB, _HID), lambda i: (0, i, 0)),
            pl.BlockSpec((1, _RB, _HID), lambda i: (1, i, 0)),
            pl.BlockSpec((_RB, _HID), lambda i: (i, 0)),
            pl.BlockSpec((1, _RB, _DEGW), lambda i: (0, i, 0)),
            pl.BlockSpec((1, _RB, _DEGW), lambda i: (1, i, 0)),
            pl.BlockSpec((1, _HID), lambda i: (0, 0)),
            pl.BlockSpec((_HID, _HID), lambda i: (0, 0)),
        ],
        out_specs=pl.BlockSpec((_RB, _HID), lambda i: (i, 0)),
        out_shape=jax.ShapeDtypeStruct((_NP, _HID), jnp.float32),
    )(p, p, g, degp, degp, b.reshape(1, _HID), W)


def _tc_final_body(p0_ref, p1_ref, g_ref, d0_ref, d1_ref, b_ref, bt_ref,
                   wc_ref, bc_ref, o_ref, sums, counts):
    i = pl.program_id(0)
    dinv = _dinv_block(d0_ref, d1_ref)
    acc = p0_ref[0] + p1_ref[0] + g_ref[...]
    h = jnp.maximum(acc * dinv + b_ref[...], 0.0)
    bt = bt_ref[0, 0, :]
    gids = lax.broadcasted_iota(jnp.int32, (_RB, _NGRAPH), 1)
    oh = (bt[:, None] == gids).astype(jnp.float32)
    ps = lax.dot_general(oh, h, (((0,), (0,)), ((), ())),
                         preferred_element_type=jnp.float32)
    pc = lax.dot_general(oh, jnp.ones((_RB, _HID), jnp.float32),
                         (((0,), (0,)), ((), ())),
                         preferred_element_type=jnp.float32)

    @pl.when(i == 0)
    def _():
        sums[...] = jnp.zeros_like(sums)
        counts[...] = jnp.zeros_like(counts)

    sums[...] += ps
    counts[...] += pc
    pooled = sums[...] / jnp.maximum(counts[...], 1.0)
    o_ref[...] = (jnp.dot(pooled, wc_ref[...],
                          preferred_element_type=jnp.float32) + bc_ref[...])


def _tc_final(p, g, degp, b, batch3, Wc, bc):
    return pl.pallas_call(
        _tc_final_body,
        grid=(_NRB,),
        in_specs=[
            pl.BlockSpec((1, _RB, _HID), lambda i: (0, i, 0)),
            pl.BlockSpec((1, _RB, _HID), lambda i: (1, i, 0)),
            pl.BlockSpec((_RB, _HID), lambda i: (i, 0)),
            pl.BlockSpec((1, _RB, _DEGW), lambda i: (0, i, 0)),
            pl.BlockSpec((1, _RB, _DEGW), lambda i: (1, i, 0)),
            pl.BlockSpec((1, _HID), lambda i: (0, 0)),
            pl.BlockSpec((1, 1, _RB), lambda i: (i, 0, 0)),
            pl.BlockSpec((_HID, _NCLS), lambda i: (0, 0)),
            pl.BlockSpec((1, _NCLS), lambda i: (0, 0)),
        ],
        out_specs=pl.BlockSpec((_NGRAPH, _NCLS), lambda i: (0, 0)),
        out_shape=jax.ShapeDtypeStruct((_NGRAPH, _NCLS), jnp.float32),
        scratch_shapes=[
            pltpu.VMEM((_NGRAPH, _HID), jnp.float32),
            pltpu.VMEM((_NGRAPH, _HID), jnp.float32),
        ],
    )(p, p, g, degp, degp, b.reshape(1, _HID), batch3, Wc,
      bc.reshape(1, _NCLS))



def kernel(x, edge_index, edge_attr, batch, W1, b1, W2, b2, W3, b3, Wc, bc):
    pad = jnp.full((_EP - _E,), _N, dtype=jnp.int32)
    src2 = jnp.concatenate([edge_index[0], pad]).reshape(_NCHP, _CH)
    dst2 = jnp.concatenate([edge_index[1], pad]).reshape(_NCHP, _CH)
    ones16 = jnp.ones((_CH, _DEGW), jnp.float32)
    zero16 = jnp.zeros((_CH, _DEGW), jnp.float32)
    zero64 = jnp.zeros((_CH, _HID), jnp.float32)
    batch3 = batch.reshape(_NRB, 1, _RB)

    degp = _sc_degree(dst2, ones16, zero16)
    g1 = _tc_in(x, W1, degp)
    p1 = _sc_scatter(g1, src2, dst2, zero64)
    g2 = _tc_mid(p1, g1, degp, b1, W2)
    p2 = _sc_scatter(g2, src2, dst2, zero64)
    g3 = _tc_mid(p2, g2, degp, b2, W3)
    p3 = _sc_scatter(g3, src2, dst2, zero64)
    return _tc_final(p3, g3, degp, b3, batch3, Wc, bc)

# --- scband reference (transcript-rebuilt; emitter-appended) ---
"""Pipeline reference for scband-malware-gnn-8718783610906 (READ-ONLY COPY).

The authoritative reference and input builder live on the scoring server;
editing this copy changes nothing except your own understanding.
"""

import jax, jax.numpy as jnp
import numpy as np

N = 10000
E = 320000
F_IN = 128
HID = 64
NUM_CLASSES = 16
NUM_GRAPHS = 64


def setup_inputs(seed: int = 0) -> dict:
    key = jax.random.key(seed)
    ks = jax.random.split(key, 12)
    x = jax.random.normal(ks[0], (N, F_IN), dtype=jnp.float32)
    edge_index = jax.random.randint(ks[1], (2, E), 0, N, dtype=jnp.int32)
    edge_attr = jax.random.normal(ks[2], (E, 4), dtype=jnp.float32)
    batch = jnp.sort(jax.random.randint(ks[3], (N,), 0, NUM_GRAPHS, dtype=jnp.int32))
    W1 = jax.random.normal(ks[4], (F_IN, HID), dtype=jnp.float32) * (1.0 / np.sqrt(F_IN))
    b1 = jnp.zeros((HID,), dtype=jnp.float32)
    W2 = jax.random.normal(ks[5], (HID, HID), dtype=jnp.float32) * (1.0 / np.sqrt(HID))
    b2 = jnp.zeros((HID,), dtype=jnp.float32)
    W3 = jax.random.normal(ks[6], (HID, HID), dtype=jnp.float32) * (1.0 / np.sqrt(HID))
    b3 = jnp.zeros((HID,), dtype=jnp.float32)
    Wc = jax.random.normal(ks[7], (HID, NUM_CLASSES), dtype=jnp.float32) * (1.0 / np.sqrt(HID))
    bc = jnp.zeros((NUM_CLASSES,), dtype=jnp.float32)
    return {"x": x, "edge_index": edge_index, "edge_attr": edge_attr, "batch": batch,
            "W1": W1, "b1": b1, "W2": W2, "b2": b2, "W3": W3, "b3": b3, "Wc": Wc, "bc": bc}


def _gcn_conv(h_in, src, dst, W, b):
    # PyG GCNConv: x @ W, then symmetric-normalized scatter-add aggregation, then bias
    h = h_in @ W
    deg = jnp.zeros((N,), dtype=jnp.float32).at[dst].add(1.0)
    dinv = jnp.where(deg > 0, jax.lax.rsqrt(jnp.maximum(deg, 1e-12)), 0.0)
    norm = dinv[src] * dinv[dst]
    msg = h[src] * norm[:, None]
    out = jnp.zeros((N, h.shape[1]), dtype=h.dtype).at[dst].add(msg)
    return out + b


def reference(x, edge_index, edge_attr, batch, W1, b1, W2, b2, W3, b3, Wc, bc):
    # add self loops (GCNConv default add_self_loops=True)
    loop = jnp.arange(N, dtype=edge_index.dtype)
    src = jnp.concatenate([edge_index[0], loop])
    dst = jnp.concatenate([edge_index[1], loop])
    h = jax.nn.relu(_gcn_conv(x, src, dst, W1, b1))
    h = jax.nn.relu(_gcn_conv(h, src, dst, W2, b2))
    h = jax.nn.relu(_gcn_conv(h, src, dst, W3, b3))
    # global_mean_pool over batch assignment
    sums = jax.ops.segment_sum(h, batch, num_segments=NUM_GRAPHS)
    counts = jax.ops.segment_sum(jnp.ones((N, 1), dtype=jnp.float32), batch, num_segments=NUM_GRAPHS)
    pooled = sums / jnp.maximum(counts, 1.0)
    return pooled @ Wc + bc

if __name__ == "__main__":
    import jax
    _d = setup_inputs()
    print(jax.jit(kernel)(*tuple(_d.values())))

</pallas_src>

<mosaic_0001>
#map = affine_map<(d0, d1) -> (0, 0)>
#map1 = affine_map<(d0, d1) -> (0, 0, 0)>
module attributes {stable_mosaic.version = 14 : i64} {
  func.func @_sc_scatter(%arg0: i32, %arg1: i32, %arg2: memref<10240x64xf32, #tpu.memory_space<hbm>>, %arg3: memref<2528x128xi32, #tpu.memory_space<hbm>>, %arg4: memref<2528x128xi32, #tpu.memory_space<hbm>>, %arg5: memref<128x64xf32, #tpu.memory_space<hbm>>, %arg6: memref<2x10240x64xf32, #tpu.memory_space<hbm>>, %arg7: memref<128xi32, #tpu.memory_space<vmem>>, %arg8: memref<128xi32, #tpu.memory_space<vmem>>, %arg9: memref<128x64xf32, #tpu.memory_space<vmem>>, %arg10: memref<10240x64xf32, #tpu.memory_space<vmem_shared>>, %arg11: memref<!tpu.dma_semaphore, #tpu.memory_space<semaphore_mem>>) attributes {dimension_semantics = [#tpu.dimension_semantics<core_parallel>, #tpu.dimension_semantics<subcore_parallel>], iteration_bounds = array<i64: 2, 16>, scalar_prefetch = 0 : i64, scratch_operands = 5 : i64, tpu.core_type = #tpu.core_type<sc_vector_subcore>, window_params = [{transform_indices = #map}, {transform_indices = #map}, {transform_indices = #map}, {transform_indices = #map}, {transform_indices = #map1}]} {
    %mul3A = arith.constant 2 : i32
    %mul3A_0 = arith.muli %arg1, %mul3A : i32
    %add3A = arith.addi %mul3A_0, %arg0 : i32
    "tpu.region"() ({
      %run_scoped3A = tpu.sem_alloc : memref<!tpu.dma_semaphore, #tpu.memory_space<semaphore_mem>>
      tpu.enqueue_dma source(%arg5 : memref<128x64xf32, #tpu.memory_space<hbm>>) target(%arg9 : memref<128x64xf32, #tpu.memory_space<vmem>>) target_semaphore(%run_scoped3A : memref<!tpu.dma_semaphore, #tpu.memory_space<semaphore_mem>>)
      tpu.wait_dma2 semaphore(%run_scoped3A : memref<!tpu.dma_semaphore, #tpu.memory_space<semaphore_mem>>) src(%arg5 : memref<128x64xf32, #tpu.memory_space<hbm>>) dst(%arg9 : memref<128x64xf32, #tpu.memory_space<vmem>>)
      tpu.yield
    }) : () -> ()
    %mul3A_1 = arith.constant 640 : i32
    %mul3A_2 = arith.muli %arg1, %mul3A_1 : i32
    %add3A_3 = arith.constant 0 : i32
    %add3A_4 = arith.addi %mul3A_2, %add3A_3 : i32
    "tpu.region"() ({
      %run_scoped3A = tpu.sem_alloc : memref<!tpu.dma_semaphore, #tpu.memory_space<semaphore_mem>>
      %dma_start3A = arith.constant 0 : i32
      %dma_start3A_47 = tpu.memref_slice %arg10[%add3A_4, %dma_start3A] : memref<10240x64xf32, #tpu.memory_space<vmem_shared>> -> memref<128x64xf32, #tpu.memory_space<vmem_shared>>
      %dma_start3A_48 = arith.constant 0 : i32
      %dma_start3A_49 = tpu.memref_slice %arg10[%add3A_4, %dma_start3A_48] : memref<10240x64xf32, #tpu.memory_space<vmem_shared>> -> memref<128x64xf32, #tpu.memory_space<vmem_shared>>
      tpu.enqueue_dma source(%arg9 : memref<128x64xf32, #tpu.memory_space<vmem>>) target(%dma_start3A_49 : memref<128x64xf32, #tpu.memory_space<vmem_shared>>) target_semaphore(%run_scoped3A : memref<!tpu.dma_semaphore, #tpu.memory_space<semaphore_mem>>)
      %dma_wait3A = arith.constant 0 : i32
      %dma_wait3A_50 = tpu.memref_slice %arg10[%add3A_4, %dma_wait3A] : memref<10240x64xf32, #tpu.memory_space<vmem_shared>> -> memref<128x64xf32, #tpu.memory_space<vmem_shared>>
      %dma_wait3A_51 = arith.constant 0 : i32
      %dma_wait3A_52 = tpu.memref_slice %arg10[%add3A_4, %dma_wait3A_51] : memref<10240x64xf32, #tpu.memory_space<vmem_shared>> -> memref<128x64xf32, #tpu.memory_space<vmem_shared>>
      tpu.wait_dma2 semaphore(%run_scoped3A : memref<!tpu.dma_semaphore, #tpu.memory_space<semaphore_mem>>) src(%arg9 : memref<128x64xf32, #tpu.memory_space<vmem>>) dst(%dma_wait3A_52 : memref<128x64xf32, #tpu.memory_space<vmem_shared>>)
      tpu.yield
    }) : () -> ()
    %mul3A_5 = arith.constant 640 : i32
    %mul3A_6 = arith.muli %arg1, %mul3A_5 : i32
    %add3A_7 = arith.constant 128 : i32
    %add3A_8 = arith.addi %mul3A_6, %add3A_7 : i32
    "tpu.region"() ({
      %run_scoped3A = tpu.sem_alloc : memref<!tpu.dma_semaphore, #tpu.memory_space<semaphore_mem>>
      %dma_start3A = arith.constant 0 : i32
      %dma_start3A_47 = tpu.memref_slice %arg10[%add3A_8, %dma_start3A] : memref<10240x64xf32, #tpu.memory_space<vmem_shared>> -> memref<128x64xf32, #tpu.memory_space<vmem_shared>>
      %dma_start3A_48 = arith.constant 0 : i32
      %dma_start3A_49 = tpu.memref_slice %arg10[%add3A_8, %dma_start3A_48] : memref<10240x64xf32, #tpu.memory_space<vmem_shared>> -> memref<128x64xf32, #tpu.memory_space<vmem_shared>>
      tpu.enqueue_dma source(%arg9 : memref<128x64xf32, #tpu.memory_space<vmem>>) target(%dma_start3A_49 : memref<128x64xf32, #tpu.memory_space<vmem_shared>>) target_semaphore(%run_scoped3A : memref<!tpu.dma_semaphore, #tpu.memory_space<semaphore_mem>>)
      %dma_wait3A = arith.constant 0 : i32
      %dma_wait3A_50 = tpu.memref_slice %arg10[%add3A_8, %dma_wait3A] : memref<10240x64xf32, #tpu.memory_space<vmem_shared>> -> memref<128x64xf32, #tpu.memory_space<vmem_shared>>
      %dma_wait3A_51 = arith.constant 0 : i32
      %dma_wait3A_52 = tpu.memref_slice %arg10[%add3A_8, %dma_wait3A_51] : memref<10240x64xf32, #tpu.memory_space<vmem_shared>> -> memref<128x64xf32, #tpu.memory_space<vmem_shared>>
      tpu.wait_dma2 semaphore(%run_scoped3A : memref<!tpu.dma_semaphore, #tpu.memory_space<semaphore_mem>>) src(%arg9 : memref<128x64xf32, #tpu.memory_space<vmem>>) dst(%dma_wait3A_52 : memref<128x64xf32, #tpu.memory_space<vmem_shared>>)
      tpu.yield
    }) : () -> ()
    %mul3A_9 = arith.constant 640 : i32
    %mul3A_10 = arith.muli %arg1, %mul3A_9 : i32
    %add3A_11 = arith.constant 256 : i32
    %add3A_12 = arith.addi %mul3A_10, %add3A_11 : i32
    "tpu.region"() ({
      %run_scoped3A = tpu.sem_alloc : memref<!tpu.dma_semaphore, #tpu.memory_space<semaphore_mem>>
      %dma_start3A = arith.constant 0 : i32
      %dma_start3A_47 = tpu.memref_slice %arg10[%add3A_12, %dma_start3A] : memref<10240x64xf32, #tpu.memory_space<vmem_shared>> -> memref<128x64xf32, #tpu.memory_space<vmem_shared>>
      %dma_start3A_48 = arith.constant 0 : i32
      %dma_start3A_49 = tpu.memref_slice %arg10[%add3A_12, %dma_start3A_48] : memref<10240x64xf32, #tpu.memory_space<vmem_shared>> -> memref<128x64xf32, #tpu.memory_space<vmem_shared>>
      tpu.enqueue_dma source(%arg9 : memref<128x64xf32, #tpu.memory_space<vmem>>) target(%dma_start3A_49 : memref<128x64xf32, #tpu.memory_space<vmem_shared>>) target_semaphore(%run_scoped3A : memref<!tpu.dma_semaphore, #tpu.memory_space<semaphore_mem>>)
      %dma_wait3A = arith.constant 0 : i32
      %dma_wait3A_50 = tpu.memref_slice %arg10[%add3A_12, %dma_wait3A] : memref<10240x64xf32, #tpu.memory_space<vmem_shared>> -> memref<128x64xf32, #tpu.memory_space<vmem_shared>>
      %dma_wait3A_51 = arith.constant 0 : i32
      %dma_wait3A_52 = tpu.memref_slice %arg10[%add3A_12, %dma_wait3A_51] : memref<10240x64xf32, #tpu.memory_space<vmem_shared>> -> memref<128x64xf32, #tpu.memory_space<vmem_shared>>
      tpu.wait_dma2 semaphore(%run_scoped3A : memref<!tpu.dma_semaphore, #tpu.memory_space<semaphore_mem>>) src(%arg9 : memref<128x64xf32, #tpu.memory_space<vmem>>) dst(%dma_wait3A_52 : memref<128x64xf32, #tpu.memory_space<vmem_shared>>)
      tpu.yield
    }) : () -> ()
    %mul3A_13 = arith.constant 640 : i32
    %mul3A_14 = arith.muli %arg1, %mul3A_13 : i32
    %add3A_15 = arith.constant 384 : i32
    %add3A_16 = arith.addi %mul3A_14, %add3A_15 : i32
    "tpu.region"() ({
      %run_scoped3A = tpu.sem_alloc : memref<!tpu.dma_semaphore, #tpu.memory_space<semaphore_mem>>
      %dma_start3A = arith.constant 0 : i32
      %dma_start3A_47 = tpu.memref_slice %arg10[%add3A_16, %dma_start3A] : memref<10240x64xf32, #tpu.memory_space<vmem_shared>> -> memref<128x64xf32, #tpu.memory_space<vmem_shared>>
      %dma_start3A_48 = arith.constant 0 : i32
      %dma_start3A_49 = tpu.memref_slice %arg10[%add3A_16, %dma_start3A_48] : memref<10240x64xf32, #tpu.memory_space<vmem_shared>> -> memref<128x64xf32, #tpu.memory_space<vmem_shared>>
      tpu.enqueue_dma source(%arg9 : memref<128x64xf32, #tpu.memory_space<vmem>>) target(%dma_start3A_49 : memref<128x64xf32, #tpu.memory_space<vmem_shared>>) target_semaphore(%run_scoped3A : memref<!tpu.dma_semaphore, #tpu.memory_space<semaphore_mem>>)
      %dma_wait3A = arith.constant 0 : i32
      %dma_wait3A_50 = tpu.memref_slice %arg10[%add3A_16, %dma_wait3A] : memref<10240x64xf32, #tpu.memory_space<vmem_shared>> -> memref<128x64xf32, #tpu.memory_space<vmem_shared>>
      %dma_wait3A_51 = arith.constant 0 : i32
      %dma_wait3A_52 = tpu.memref_slice %arg10[%add3A_16, %dma_wait3A_51] : memref<10240x64xf32, #tpu.memory_space<vmem_shared>> -> memref<128x64xf32, #tpu.memory_space<vmem_shared>>
      tpu.wait_dma2 semaphore(%run_scoped3A : memref<!tpu.dma_semaphore, #tpu.memory_space<semaphore_mem>>) src(%arg9 : memref<128x64xf32, #tpu.memory_space<vmem>>) dst(%dma_wait3A_52 : memref<128x64xf32, #tpu.memory_space<vmem_shared>>)
      tpu.yield
    }) : () -> ()
    %mul3A_17 = arith.constant 640 : i32
    %mul3A_18 = arith.muli %arg1, %mul3A_17 : i32
    %add3A_19 = arith.constant 512 : i32
    %add3A_20 = arith.addi %mul3A_18, %add3A_19 : i32
    "tpu.region"() ({
      %run_scoped3A = tpu.sem_alloc : memref<!tpu.dma_semaphore, #tpu.memory_space<semaphore_mem>>
      %dma_start3A = arith.constant 0 : i32
      %dma_start3A_47 = tpu.memref_slice %arg10[%add3A_20, %dma_start3A] : memref<10240x64xf32, #tpu.memory_space<vmem_shared>> -> memref<128x64xf32, #tpu.memory_space<vmem_shared>>
      %dma_start3A_48 = arith.constant 0 : i32
      %dma_start3A_49 = tpu.memref_slice %arg10[%add3A_20, %dma_start3A_48] : memref<10240x64xf32, #tpu.memory_space<vmem_shared>> -> memref<128x64xf32, #tpu.memory_space<vmem_shared>>
      tpu.enqueue_dma source(%arg9 : memref<128x64xf32, #tpu.memory_space<vmem>>) target(%dma_start3A_49 : memref<128x64xf32, #tpu.memory_space<vmem_shared>>) target_semaphore(%run_scoped3A : memref<!tpu.dma_semaphore, #tpu.memory_space<semaphore_mem>>)
      %dma_wait3A = arith.constant 0 : i32
      %dma_wait3A_50 = tpu.memref_slice %arg10[%add3A_20, %dma_wait3A] : memref<10240x64xf32, #tpu.memory_space<vmem_shared>> -> memref<128x64xf32, #tpu.memory_space<vmem_shared>>
      %dma_wait3A_51 = arith.constant 0 : i32
      %dma_wait3A_52 = tpu.memref_slice %arg10[%add3A_20, %dma_wait3A_51] : memref<10240x64xf32, #tpu.memory_space<vmem_shared>> -> memref<128x64xf32, #tpu.memory_space<vmem_shared>>
      tpu.wait_dma2 semaphore(%run_scoped3A : memref<!tpu.dma_semaphore, #tpu.memory_space<semaphore_mem>>) src(%arg9 : memref<128x64xf32, #tpu.memory_space<vmem>>) dst(%dma_wait3A_52 : memref<128x64xf32, #tpu.memory_space<vmem_shared>>)
      tpu.yield
    }) : () -> ()
    %barrier3A = arith.constant 0 : index
    tpu.barrier barrier_id(%barrier3A)
    %scan3A = arith.constant 0 : i32
    %scan3A_21 = arith.constant 0 : i32
    %scan3A_22 = arith.constant 79 : i32
    %scan3A_23 = arith.addi %scan3A_21, %scan3A_22 : i32
    %scan3A_24 = arith.constant 1 : i32
    scf.for %scan3A_47 = %scan3A_21 to %scan3A_23 step %scan3A_24  : i32 {
      %mul3A_48 = arith.constant 79 : i32
      %mul3A_49 = arith.muli %add3A, %mul3A_48 : i32
      %add3A_50 = arith.addi %mul3A_49, %scan3A_47 : i32
      "tpu.region"() ({
        %run_scoped3A = tpu.sem_alloc : memref<!tpu.dma_semaphore, #tpu.memory_space<semaphore_mem>>
        %dma_start3A_55 = arith.constant 0 : i32
        %dma_start3A_56 = tpu.memref_slice %arg3[%add3A_50, %dma_start3A_55] : memref<2528x128xi32, #tpu.memory_space<hbm>> -> memref<1x128xi32, #tpu.memory_space<hbm>>
        %dma_start3A_57 = tpu.memref_squeeze %dma_start3A_56 : memref<1x128xi32, #tpu.memory_space<hbm>> -> memref<128xi32, #tpu.memory_space<hbm>>
        %dma_start3A_58 = arith.constant 0 : i32
        %dma_start3A_59 = tpu.memref_slice %arg3[%add3A_50, %dma_start3A_58] : memref<2528x128xi32, #tpu.memory_space<hbm>> -> memref<1x128xi32, #tpu.memory_space<hbm>>
        %dma_start3A_60 = tpu.memref_squeeze %dma_start3A_59 : memref<1x128xi32, #tpu.memory_space<hbm>> -> memref<128xi32, #tpu.memory_space<hbm>>
        tpu.enqueue_dma source(%dma_start3A_60 : memref<128xi32, #tpu.memory_space<hbm>>) target(%arg7 : memref<128xi32, #tpu.memory_space<vmem>>) target_semaphore(%run_scoped3A : memref<!tpu.dma_semaphore, #tpu.memory_space<semaphore_mem>>)
        %dma_wait3A_61 = arith.constant 0 : i32
        %dma_wait3A_62 = tpu.memref_slice %arg3[%add3A_50, %dma_wait3A_61] : memref<2528x128xi32, #tpu.memory_space<hbm>> -> memref<1x128xi32, #tpu.memory_space<hbm>>
        %dma_wait3A_63 = tpu.memref_squeeze %dma_wait3A_62 : memref<1x128xi32, #tpu.memory_space<hbm>> -> memref<128xi32, #tpu.memory_space<hbm>>
        %dma_wait3A_64 = arith.constant 0 : i32
        %dma_wait3A_65 = tpu.memref_slice %arg3[%add3A_50, %dma_wait3A_64] : memref<2528x128xi32, #tpu.memory_space<hbm>> -> memref<1x128xi32, #tpu.memory_space<hbm>>
        %dma_wait3A_66 = tpu.memref_squeeze %dma_wait3A_65 : memref<1x128xi32, #tpu.memory_space<hbm>> -> memref<128xi32, #tpu.memory_space<hbm>>
        tpu.wait_dma2 semaphore(%run_scoped3A : memref<!tpu.dma_semaphore, #tpu.memory_space<semaphore_mem>>) src(%dma_wait3A_66 : memref<128xi32, #tpu.memory_space<hbm>>) dst(%arg7 : memref<128xi32, #tpu.memory_space<vmem>>)
        tpu.yield
      }) : () -> ()
      "tpu.region"() ({
        %run_scoped3A = tpu.sem_alloc : memref<!tpu.dma_semaphore, #tpu.memory_space<semaphore_mem>>
        %dma_start3A_55 = arith.constant 0 : i32
        %dma_start3A_56 = tpu.memref_slice %arg4[%add3A_50, %dma_start3A_55] : memref<2528x128xi32, #tpu.memory_space<hbm>> -> memref<1x128xi32, #tpu.memory_space<hbm>>
        %dma_start3A_57 = tpu.memref_squeeze %dma_start3A_56 : memref<1x128xi32, #tpu.memory_space<hbm>> -> memref<128xi32, #tpu.memory_space<hbm>>
        %dma_start3A_58 = arith.constant 0 : i32
        %dma_start3A_59 = tpu.memref_slice %arg4[%add3A_50, %dma_start3A_58] : memref<2528x128xi32, #tpu.memory_space<hbm>> -> memref<1x128xi32, #tpu.memory_space<hbm>>
        %dma_start3A_60 = tpu.memref_squeeze %dma_start3A_59 : memref<1x128xi32, #tpu.memory_space<hbm>> -> memref<128xi32, #tpu.memory_space<hbm>>
        tpu.enqueue_dma source(%dma_start3A_60 : memref<128xi32, #tpu.memory_space<hbm>>) target(%arg8 : memref<128xi32, #tpu.memory_space<vmem>>) target_semaphore(%run_scoped3A : memref<!tpu.dma_semaphore, #tpu.memory_space<semaphore_mem>>)
        %dma_wait3A_61 = arith.constant 0 : i32
        %dma_wait3A_62 = tpu.memref_slice %arg4[%add3A_50, %dma_wait3A_61] : memref<2528x128xi32, #tpu.memory_space<hbm>> -> memref<1x128xi32, #tpu.memory_space<hbm>>
        %dma_wait3A_63 = tpu.memref_squeeze %dma_wait3A_62 : memref<1x128xi32, #tpu.memory_space<hbm>> -> memref<128xi32, #tpu.memory_space<hbm>>
        %dma_wait3A_64 = arith.constant 0 : i32
        %dma_wait3A_65 = tpu.memref_slice %arg4[%add3A_50, %dma_wait3A_64] : memref<2528x128xi32, #tpu.memory_space<hbm>> -> memref<1x128xi32, #tpu.memory_space<hbm>>
        %dma_wait3A_66 = tpu.memref_squeeze %dma_wait3A_65 : memref<1x128xi32, #tpu.memory_space<hbm>> -> memref<128xi32, #tpu.memory_space<hbm>>
        tpu.wait_dma2 semaphore(%run_scoped3A : memref<!tpu.dma_semaphore, #tpu.memory_space<semaphore_mem>>) src(%dma_wait3A_66 : memref<128xi32, #tpu.memory_space<hbm>>) dst(%arg8 : memref<128xi32, #tpu.memory_space<vmem>>)
        tpu.yield
      }) : () -> ()
      %dma_start3A = arith.constant 0 : i32
      %dma_start3A_51 = arith.constant 0 : i32
      %dma_start3A_52 = tpu.memref_slice %arg2[%dma_start3A, %dma_start3A_51] : memref<10240x64xf32, #tpu.memory_space<hbm>> -> memref<10240x64xf32, #tpu.memory_space<hbm>>
      tpu.enqueue_indirect_dma source(%dma_start3A_52 : memref<10240x64xf32, #tpu.memory_space<hbm>>) target(%arg9 : memref<128x64xf32, #tpu.memory_space<vmem>>) offsets(%arg7 : memref<128xi32, #tpu.memory_space<vmem>>) semaphore(%arg11 : memref<!tpu.dma_semaphore, #tpu.memory_space<semaphore_mem>>)
      %dma_wait3A = arith.constant 0 : i32
      %dma_wait3A_53 = arith.constant 0 : i32
      %dma_wait3A_54 = tpu.memref_slice %arg2[%dma_wait3A, %dma_wait3A_53] : memref<10240x64xf32, #tpu.memory_space<hbm>> -> memref<10240x64xf32, #tpu.memory_space<hbm>>
      tpu.wait_indirect_dma semaphore(%arg11 : memref<!tpu.dma_semaphore, #tpu.memory_space<semaphore_mem>>) src(%dma_wait3A_54 : memref<10240x64xf32, #tpu.memory_space<hbm>>) dst(%arg9 : memref<128x64xf32, #tpu.memory_space<vmem>>)
      "tpu.region"() ({
        %run_scoped3A = tpu.sem_alloc : memref<!tpu.dma_semaphore, #tpu.memory_space<semaphore_mem>>
        %dma_start3A_55 = arith.constant 0 : i32
        %dma_start3A_56 = arith.constant 0 : i32
        %dma_start3A_57 = tpu.memref_slice %arg10[%dma_start3A_55, %dma_start3A_56] : memref<10240x64xf32, #tpu.memory_space<vmem_shared>> -> memref<10240x64xf32, #tpu.memory_space<vmem_shared>>
        tpu.enqueue_indirect_dma source(%arg9 : memref<128x64xf32, #tpu.memory_space<vmem>>) target(%dma_start3A_57 : memref<10240x64xf32, #tpu.memory_space<vmem_shared>>) offsets(%arg8 : memref<128xi32, #tpu.memory_space<vmem>>) semaphore(%run_scoped3A : memref<!tpu.dma_semaphore, #tpu.memory_space<semaphore_mem>>) {add = true}
        %dma_wait3A_58 = arith.constant 0 : i32
        %dma_wait3A_59 = arith.constant 0 : i32
        %dma_wait3A_60 = tpu.memref_slice %arg10[%dma_wait3A_58, %dma_wait3A_59] : memref<10240x64xf32, #tpu.memory_space<vmem_shared>> -> memref<10240x64xf32, #tpu.memory_space<vmem_shared>>
        tpu.wait_indirect_dma semaphore(%run_scoped3A : memref<!tpu.dma_semaphore, #tpu.memory_space<semaphore_mem>>) src(%arg9 : memref<128x64xf32, #tpu.memory_space<vmem>>) dst(%dma_wait3A_60 : memref<10240x64xf32, #tpu.memory_space<vmem_shared>>)
        tpu.yield
      }) : () -> ()
    }
    %scan3A_25 = arith.constant 79 : i32
    %barrier3A_26 = arith.constant 0 : index
    tpu.barrier barrier_id(%barrier3A_26)
    %mul3A_27 = arith.constant 640 : i32
    %mul3A_28 = arith.muli %arg1, %mul3A_27 : i32
    %add3A_29 = arith.constant 0 : i32
    %add3A_30 = arith.addi %mul3A_28, %add3A_29 : i32
    "tpu.region"() ({
      %run_scoped3A = tpu.sem_alloc : memref<!tpu.dma_semaphore, #tpu.memory_space<semaphore_mem>>
      %dma_start3A = arith.constant 0 : i32
      %dma_start3A_47 = tpu.memref_slice %arg10[%add3A_30, %dma_start3A] : memref<10240x64xf32, #tpu.memory_space<vmem_shared>> -> memref<128x64xf32, #tpu.memory_space<vmem_shared>>
      %dma_start3A_48 = arith.constant 0 : i32
      %dma_start3A_49 = tpu.memref_slice %arg10[%add3A_30, %dma_start3A_48] : memref<10240x64xf32, #tpu.memory_space<vmem_shared>> -> memref<128x64xf32, #tpu.memory_space<vmem_shared>>
      tpu.enqueue_dma source(%dma_start3A_49 : memref<128x64xf32, #tpu.memory_space<vmem_shared>>) target(%arg9 : memref<128x64xf32, #tpu.memory_space<vmem>>) target_semaphore(%run_scoped3A : memref<!tpu.dma_semaphore, #tpu.memory_space<semaphore_mem>>)
      %dma_wait3A = arith.constant 0 : i32
      %dma_wait3A_50 = tpu.memref_slice %arg10[%add3A_30, %dma_wait3A] : memref<10240x64xf32, #tpu.memory_space<vmem_shared>> -> memref<128x64xf32, #tpu.memory_space<vmem_shared>>
      %dma_wait3A_51 = arith.constant 0 : i32
      %dma_wait3A_52 = tpu.memref_slice %arg10[%add3A_30, %dma_wait3A_51] : memref<10240x64xf32, #tpu.memory_space<vmem_shared>> -> memref<128x64xf32, #tpu.memory_space<vmem_shared>>
      tpu.wait_dma2 semaphore(%run_scoped3A : memref<!tpu.dma_semaphore, #tpu.memory_space<semaphore_mem>>) src(%dma_wait3A_52 : memref<128x64xf32, #tpu.memory_space<vmem_shared>>) dst(%arg9 : memref<128x64xf32, #tpu.memory_space<vmem>>)
      tpu.yield
    }) : () -> ()
    "tpu.region"() ({
      %run_scoped3A = tpu.sem_alloc : memref<!tpu.dma_semaphore, #tpu.memory_space<semaphore_mem>>
      %dma_start3A = arith.constant 0 : i32
      %dma_start3A_47 = tpu.memref_slice %arg6[%arg0, %add3A_30, %dma_start3A] : memref<2x10240x64xf32, #tpu.memory_space<hbm>> -> memref<1x128x64xf32, #tpu.memory_space<hbm>>
      %dma_start3A_48 = tpu.memref_squeeze %dma_start3A_47 : memref<1x128x64xf32, #tpu.memory_space<hbm>> -> memref<128x64xf32, #tpu.memory_space<hbm>>
      %dma_start3A_49 = arith.constant 0 : i32
      %dma_start3A_50 = tpu.memref_slice %arg6[%arg0, %add3A_30, %dma_start3A_49] : memref<2x10240x64xf32, #tpu.memory_space<hbm>> -> memref<1x128x64xf32, #tpu.memory_space<hbm>>
      %dma_start3A_51 = tpu.memref_squeeze %dma_start3A_50 : memref<1x128x64xf32, #tpu.memory_space<hbm>> -> memref<128x64xf32, #tpu.memory_space<hbm>>
      tpu.enqueue_dma source(%arg9 : memref<128x64xf32, #tpu.memory_space<vmem>>) target(%dma_start3A_51 : memref<128x64xf32, #tpu.memory_space<hbm>>) target_semaphore(%run_scoped3A : memref<!tpu.dma_semaphore, #tpu.memory_space<semaphore_mem>>)
      %dma_wait3A = arith.constant 0 : i32
      %dma_wait3A_52 = tpu.memref_slice %arg6[%arg0, %add3A_30, %dma_wait3A] : memref<2x10240x64xf32, #tpu.memory_space<hbm>> -> memref<1x128x64xf32, #tpu.memory_space<hbm>>
      %dma_wait3A_53 = tpu.memref_squeeze %dma_wait3A_52 : memref<1x128x64xf32, #tpu.memory_space<hbm>> -> memref<128x64xf32, #tpu.memory_space<hbm>>
      %dma_wait3A_54 = arith.constant 0 : i32
      %dma_wait3A_55 = tpu.memref_slice %arg6[%arg0, %add3A_30, %dma_wait3A_54] : memref<2x10240x64xf32, #tpu.memory_space<hbm>> -> memref<1x128x64xf32, #tpu.memory_space<hbm>>
      %dma_wait3A_56 = tpu.memref_squeeze %dma_wait3A_55 : memref<1x128x64xf32, #tpu.memory_space<hbm>> -> memref<128x64xf32, #tpu.memory_space<hbm>>
      tpu.wait_dma2 semaphore(%run_scoped3A : memref<!tpu.dma_semaphore, #tpu.memory_space<semaphore_mem>>) src(%arg9 : memref<128x64xf32, #tpu.memory_space<vmem>>) dst(%dma_wait3A_56 : memref<128x64xf32, #tpu.memory_space<hbm>>)
      tpu.yield
    }) : () -> ()
    %mul3A_31 = arith.constant 640 : i32
    %mul3A_32 = arith.muli %arg1, %mul3A_31 : i32
    %add3A_33 = arith.constant 128 : i32
    %add3A_34 = arith.addi %mul3A_32, %add3A_33 : i32
    "tpu.region"() ({
      %run_scoped3A = tpu.sem_alloc : memref<!tpu.dma_semaphore, #tpu.memory_space<semaphore_mem>>
      %dma_start3A = arith.constant 0 : i32
      %dma_start3A_47 = tpu.memref_slice %arg10[%add3A_34, %dma_start3A] : memref<10240x64xf32, #tpu.memory_space<vmem_shared>> -> memref<128x64xf32, #tpu.memory_space<vmem_shared>>
      %dma_start3A_48 = arith.constant 0 : i32
      %dma_start3A_49 = tpu.memref_slice %arg10[%add3A_34, %dma_start3A_48] : memref<10240x64xf32, #tpu.memory_space<vmem_shared>> -> memref<128x64xf32, #tpu.memory_space<vmem_shared>>
      tpu.enqueue_dma source(%dma_start3A_49 : memref<128x64xf32, #tpu.memory_space<vmem_shared>>) target(%arg9 : memref<128x64xf32, #tpu.memory_space<vmem>>) target_semaphore(%run_scoped3A : memref<!tpu.dma_semaphore, #tpu.memory_space<semaphore_mem>>)
      %dma_wait3A = arith.constant 0 : i32
      %dma_wait3A_50 = tpu.memref_slice %arg10[%add3A_34, %dma_wait3A] : memref<10240x64xf32, #tpu.memory_space<vmem_shared>> -> memref<128x64xf32, #tpu.memory_space<vmem_shared>>
      %dma_wait3A_51 = arith.constant 0 : i32
      %dma_wait3A_52 = tpu.memref_slice %arg10[%add3A_34, %dma_wait3A_51] : memref<10240x64xf32, #tpu.memory_space<vmem_shared>> -> memref<128x64xf32, #tpu.memory_space<vmem_shared>>
      tpu.wait_dma2 semaphore(%run_scoped3A : memref<!tpu.dma_semaphore, #tpu.memory_space<semaphore_mem>>) src(%dma_wait3A_52 : memref<128x64xf32, #tpu.memory_space<vmem_shared>>) dst(%arg9 : memref<128x64xf32, #tpu.memory_space<vmem>>)
      tpu.yield
    }) : () -> ()
    "tpu.region"() ({
      %run_scoped3A = tpu.sem_alloc : memref<!tpu.dma_semaphore, #tpu.memory_space<semaphore_mem>>
      %dma_start3A = arith.constant 0 : i32
      %dma_start3A_47 = tpu.memref_slice %arg6[%arg0, %add3A_34, %dma_start3A] : memref<2x10240x64xf32, #tpu.memory_space<hbm>> -> memref<1x128x64xf32, #tpu.memory_space<hbm>>
      %dma_start3A_48 = tpu.memref_squeeze %dma_start3A_47 : memref<1x128x64xf32, #tpu.memory_space<hbm>> -> memref<128x64xf32, #tpu.memory_space<hbm>>
      %dma_start3A_49 = arith.constant 0 : i32
      %dma_start3A_50 = tpu.memref_slice %arg6[%arg0, %add3A_34, %dma_start3A_49] : memref<2x10240x64xf32, #tpu.memory_space<hbm>> -> memref<1x128x64xf32, #tpu.memory_space<hbm>>
      %dma_start3A_51 = tpu.memref_squeeze %dma_start3A_50 : memref<1x128x64xf32, #tpu.memory_space<hbm>> -> memref<128x64xf32, #tpu.memory_space<hbm>>
      tpu.enqueue_dma source(%arg9 : memref<128x64xf32, #tpu.memory_space<vmem>>) target(%dma_start3A_51 : memref<128x64xf32, #tpu.memory_space<hbm>>) target_semaphore(%run_scoped3A : memref<!tpu.dma_semaphore, #tpu.memory_space<semaphore_mem>>)
      %dma_wait3A = arith.constant 0 : i32
      %dma_wait3A_52 = tpu.memref_slice %arg6[%arg0, %add3A_34, %dma_wait3A] : memref<2x10240x64xf32, #tpu.memory_space<hbm>> -> memref<1x128x64xf32, #tpu.memory_space<hbm>>
      %dma_wait3A_53 = tpu.memref_squeeze %dma_wait3A_52 : memref<1x128x64xf32, #tpu.memory_space<hbm>> -> memref<128x64xf32, #tpu.memory_space<hbm>>
      %dma_wait3A_54 = arith.constant 0 : i32
      %dma_wait3A_55 = tpu.memref_slice %arg6[%arg0, %add3A_34, %dma_wait3A_54] : memref<2x10240x64xf32, #tpu.memory_space<hbm>> -> memref<1x128x64xf32, #tpu.memory_space<hbm>>
      %dma_wait3A_56 = tpu.memref_squeeze %dma_wait3A_55 : memref<1x128x64xf32, #tpu.memory_space<hbm>> -> memref<128x64xf32, #tpu.memory_space<hbm>>
      tpu.wait_dma2 semaphore(%run_scoped3A : memref<!tpu.dma_semaphore, #tpu.memory_space<semaphore_mem>>) src(%arg9 : memref<128x64xf32, #tpu.memory_space<vmem>>) dst(%dma_wait3A_56 : memref<128x64xf32, #tpu.memory_space<hbm>>)
      tpu.yield
    }) : () -> ()
    %mul3A_35 = arith.constant 640 : i32
    %mul3A_36 = arith.muli %arg1, %mul3A_35 : i32
    %add3A_37 = arith.constant 256 : i32
    %add3A_38 = arith.addi %mul3A_36, %add3A_37 : i32
    "tpu.region"() ({
      %run_scoped3A = tpu.sem_alloc : memref<!tpu.dma_semaphore, #tpu.memory_space<semaphore_mem>>
      %dma_start3A = arith.constant 0 : i32
      %dma_start3A_47 = tpu.memref_slice %arg10[%add3A_38, %dma_start3A] : memref<10240x64xf32, #tpu.memory_space<vmem_shared>> -> memref<128x64xf32, #tpu.memory_space<vmem_shared>>
      %dma_start3A_48 = arith.constant 0 : i32
      %dma_start3A_49 = tpu.memref_slice %arg10[%add3A_38, %dma_start3A_48] : memref<10240x64xf32, #tpu.memory_space<vmem_shared>> -> memref<128x64xf32, #tpu.memory_space<vmem_shared>>
      tpu.enqueue_dma source(%dma_start3A_49 : memref<128x64xf32, #tpu.memory_space<vmem_shared>>) target(%arg9 : memref<128x64xf32, #tpu.memory_space<vmem>>) target_semaphore(%run_scoped3A : memref<!tpu.dma_semaphore, #tpu.memory_space<semaphore_mem>>)
      %dma_wait3A = arith.constant 0 : i32
      %dma_wait3A_50 = tpu.memref_slice %arg10[%add3A_38, %dma_wait3A] : memref<10240x64xf32, #tpu.memory_space<vmem_shared>> -> memref<128x64xf32, #tpu.memory_space<vmem_shared>>
      %dma_wait3A_51 = arith.constant 0 : i32
      %dma_wait3A_52 = tpu.memref_slice %arg10[%add3A_38, %dma_wait3A_51] : memref<10240x64xf32, #tpu.memory_space<vmem_shared>> -> memref<128x64xf32, #tpu.memory_space<vmem_shared>>
      tpu.wait_dma2 semaphore(%run_scoped3A : memref<!tpu.dma_semaphore, #tpu.memory_space<semaphore_mem>>) src(%dma_wait3A_52 : memref<128x64xf32, #tpu.memory_space<vmem_shared>>) dst(%arg9 : memref<128x64xf32, #tpu.memory_space<vmem>>)
      tpu.yield
    }) : () -> ()
    "tpu.region"() ({
      %run_scoped3A = tpu.sem_alloc : memref<!tpu.dma_semaphore, #tpu.memory_space<semaphore_mem>>
      %dma_start3A = arith.constant 0 : i32
      %dma_start3A_47 = tpu.memref_slice %arg6[%arg0, %add3A_38, %dma_start3A] : memref<2x10240x64xf32, #tpu.memory_space<hbm>> -> memref<1x128x64xf32, #tpu.memory_space<hbm>>
      %dma_start3A_48 = tpu.memref_squeeze %dma_start3A_47 : memref<1x128x64xf32, #tpu.memory_space<hbm>> -> memref<128x64xf32, #tpu.memory_space<hbm>>
      %dma_start3A_49 = arith.constant 0 : i32
      %dma_start3A_50 = tpu.memref_slice %arg6[%arg0, %add3A_38, %dma_start3A_49] : memref<2x10240x64xf32, #tpu.memory_space<hbm>> -> memref<1x128x64xf32, #tpu.memory_space<hbm>>
      %dma_start3A_51 = tpu.memref_squeeze %dma_start3A_50 : memref<1x128x64xf32, #tpu.memory_space<hbm>> -> memref<128x64xf32, #tpu.memory_space<hbm>>
      tpu.enqueue_dma source(%arg9 : memref<128x64xf32, #tpu.memory_space<vmem>>) target(%dma_start3A_51 : memref<128x64xf32, #tpu.memory_space<hbm>>) target_semaphore(%run_scoped3A : memref<!tpu.dma_semaphore, #tpu.memory_space<semaphore_mem>>)
      %dma_wait3A = arith.constant 0 : i32
      %dma_wait3A_52 = tpu.memref_slice %arg6[%arg0, %add3A_38, %dma_wait3A] : memref<2x10240x64xf32, #tpu.memory_space<hbm>> -> memref<1x128x64xf32, #tpu.memory_space<hbm>>
      %dma_wait3A_53 = tpu.memref_squeeze %dma_wait3A_52 : memref<1x128x64xf32, #tpu.memory_space<hbm>> -> memref<128x64xf32, #tpu.memory_space<hbm>>
      %dma_wait3A_54 = arith.constant 0 : i32
      %dma_wait3A_55 = tpu.memref_slice %arg6[%arg0, %add3A_38, %dma_wait3A_54] : memref<2x10240x64xf32, #tpu.memory_space<hbm>> -> memref<1x128x64xf32, #tpu.memory_space<hbm>>
      %dma_wait3A_56 = tpu.memref_squeeze %dma_wait3A_55 : memref<1x128x64xf32, #tpu.memory_space<hbm>> -> memref<128x64xf32, #tpu.memory_space<hbm>>
      tpu.wait_dma2 semaphore(%run_scoped3A : memref<!tpu.dma_semaphore, #tpu.memory_space<semaphore_mem>>) src(%arg9 : memref<128x64xf32, #tpu.memory_space<vmem>>) dst(%dma_wait3A_56 : memref<128x64xf32, #tpu.memory_space<hbm>>)
      tpu.yield
    }) : () -> ()
    %mul3A_39 = arith.constant 640 : i32
    %mul3A_40 = arith.muli %arg1, %mul3A_39 : i32
    %add3A_41 = arith.constant 384 : i32
    %add3A_42 = arith.addi %mul3A_40, %add3A_41 : i32
    "tpu.region"() ({
      %run_scoped3A = tpu.sem_alloc : memref<!tpu.dma_semaphore, #tpu.memory_space<semaphore_mem>>
      %dma_start3A = arith.constant 0 : i32
      %dma_start3A_47 = tpu.memref_slice %arg10[%add3A_42, %dma_start3A] : memref<10240x64xf32, #tpu.memory_space<vmem_shared>> -> memref<128x64xf32, #tpu.memory_space<vmem_shared>>
      %dma_start3A_48 = arith.constant 0 : i32
      %dma_start3A_49 = tpu.memref_slice %arg10[%add3A_42, %dma_start3A_48] : memref<10240x64xf32, #tpu.memory_space<vmem_shared>> -> memref<128x64xf32, #tpu.memory_space<vmem_shared>>
      tpu.enqueue_dma source(%dma_start3A_49 : memref<128x64xf32, #tpu.memory_space<vmem_shared>>) target(%arg9 : memref<128x64xf32, #tpu.memory_space<vmem>>) target_semaphore(%run_scoped3A : memref<!tpu.dma_semaphore, #tpu.memory_space<semaphore_mem>>)
      %dma_wait3A = arith.constant 0 : i32
      %dma_wait3A_50 = tpu.memref_slice %arg10[%add3A_42, %dma_wait3A] : memref<10240x64xf32, #tpu.memory_space<vmem_shared>> -> memref<128x64xf32, #tpu.memory_space<vmem_shared>>
      %dma_wait3A_51 = arith.constant 0 : i32
      %dma_wait3A_52 = tpu.memref_slice %arg10[%add3A_42, %dma_wait3A_51] : memref<10240x64xf32, #tpu.memory_space<vmem_shared>> -> memref<128x64xf32, #tpu.memory_space<vmem_shared>>
      tpu.wait_dma2 semaphore(%run_scoped3A : memref<!tpu.dma_semaphore, #tpu.memory_space<semaphore_mem>>) src(%dma_wait3A_52 : memref<128x64xf32, #tpu.memory_space<vmem_shared>>) dst(%arg9 : memref<128x64xf32, #tpu.memory_space<vmem>>)
      tpu.yield
    }) : () -> ()
    "tpu.region"() ({
      %run_scoped3A = tpu.sem_alloc : memref<!tpu.dma_semaphore, #tpu.memory_space<semaphore_mem>>
      %dma_start3A = arith.constant 0 : i32
      %dma_start3A_47 = tpu.memref_slice %arg6[%arg0, %add3A_42, %dma_start3A] : memref<2x10240x64xf32, #tpu.memory_space<hbm>> -> memref<1x128x64xf32, #tpu.memory_space<hbm>>
      %dma_start3A_48 = tpu.memref_squeeze %dma_start3A_47 : memref<1x128x64xf32, #tpu.memory_space<hbm>> -> memref<128x64xf32, #tpu.memory_space<hbm>>
      %dma_start3A_49 = arith.constant 0 : i32
      %dma_start3A_50 = tpu.memref_slice %arg6[%arg0, %add3A_42, %dma_start3A_49] : memref<2x10240x64xf32, #tpu.memory_space<hbm>> -> memref<1x128x64xf32, #tpu.memory_space<hbm>>
      %dma_start3A_51 = tpu.memref_squeeze %dma_start3A_50 : memref<1x128x64xf32, #tpu.memory_space<hbm>> -> memref<128x64xf32, #tpu.memory_space<hbm>>
      tpu.enqueue_dma source(%arg9 : memref<128x64xf32, #tpu.memory_space<vmem>>) target(%dma_start3A_51 : memref<128x64xf32, #tpu.memory_space<hbm>>) target_semaphore(%run_scoped3A : memref<!tpu.dma_semaphore, #tpu.memory_space<semaphore_mem>>)
      %dma_wait3A = arith.constant 0 : i32
      %dma_wait3A_52 = tpu.memref_slice %arg6[%arg0, %add3A_42, %dma_wait3A] : memref<2x10240x64xf32, #tpu.memory_space<hbm>> -> memref<1x128x64xf32, #tpu.memory_space<hbm>>
      %dma_wait3A_53 = tpu.memref_squeeze %dma_wait3A_52 : memref<1x128x64xf32, #tpu.memory_space<hbm>> -> memref<128x64xf32, #tpu.memory_space<hbm>>
      %dma_wait3A_54 = arith.constant 0 : i32
      %dma_wait3A_55 = tpu.memref_slice %arg6[%arg0, %add3A_42, %dma_wait3A_54] : memref<2x10240x64xf32, #tpu.memory_space<hbm>> -> memref<1x128x64xf32, #tpu.memory_space<hbm>>
      %dma_wait3A_56 = tpu.memref_squeeze %dma_wait3A_55 : memref<1x128x64xf32, #tpu.memory_space<hbm>> -> memref<128x64xf32, #tpu.memory_space<hbm>>
      tpu.wait_dma2 semaphore(%run_scoped3A : memref<!tpu.dma_semaphore, #tpu.memory_space<semaphore_mem>>) src(%arg9 : memref<128x64xf32, #tpu.memory_space<vmem>>) dst(%dma_wait3A_56 : memref<128x64xf32, #tpu.memory_space<hbm>>)
      tpu.yield
    }) : () -> ()
    %mul3A_43 = arith.constant 640 : i32
    %mul3A_44 = arith.muli %arg1, %mul3A_43 : i32
    %add3A_45 = arith.constant 512 : i32
    %add3A_46 = arith.addi %mul3A_44, %add3A_45 : i32
    "tpu.region"() ({
      %run_scoped3A = tpu.sem_alloc : memref<!tpu.dma_semaphore, #tpu.memory_space<semaphore_mem>>
      %dma_start3A = arith.constant 0 : i32
      %dma_start3A_47 = tpu.memref_slice %arg10[%add3A_46, %dma_start3A] : memref<10240x64xf32, #tpu.memory_space<vmem_shared>> -> memref<128x64xf32, #tpu.memory_space<vmem_shared>>
      %dma_start3A_48 = arith.constant 0 : i32
      %dma_start3A_49 = tpu.memref_slice %arg10[%add3A_46, %dma_start3A_48] : memref<10240x64xf32, #tpu.memory_space<vmem_shared>> -> memref<128x64xf32, #tpu.memory_space<vmem_shared>>
      tpu.enqueue_dma source(%dma_start3A_49 : memref<128x64xf32, #tpu.memory_space<vmem_shared>>) target(%arg9 : memref<128x64xf32, #tpu.memory_space<vmem>>) target_semaphore(%run_scoped3A : memref<!tpu.dma_semaphore, #tpu.memory_space<semaphore_mem>>)
      %dma_wait3A = arith.constant 0 : i32
      %dma_wait3A_50 = tpu.memref_slice %arg10[%add3A_46, %dma_wait3A] : memref<10240x64xf32, #tpu.memory_space<vmem_shared>> -> memref<128x64xf32, #tpu.memory_space<vmem_shared>>
      %dma_wait3A_51 = arith.constant 0 : i32
      %dma_wait3A_52 = tpu.memref_slice %arg10[%add3A_46, %dma_wait3A_51] : memref<10240x64xf32, #tpu.memory_space<vmem_shared>> -> memref<128x64xf32, #tpu.memory_space<vmem_shared>>
      tpu.wait_dma2 semaphore(%run_scoped3A : memref<!tpu.dma_semaphore, #tpu.memory_space<semaphore_mem>>) src(%dma_wait3A_52 : memref<128x64xf32, #tpu.memory_space<vmem_shared>>) dst(%arg9 : memref<128x64xf32, #tpu.memory_space<vmem>>)
      tpu.yield
    }) : () -> ()
    "tpu.region"() ({
      %run_scoped3A = tpu.sem_alloc : memref<!tpu.dma_semaphore, #tpu.memory_space<semaphore_mem>>
      %dma_start3A = arith.constant 0 : i32
      %dma_start3A_47 = tpu.memref_slice %arg6[%arg0, %add3A_46, %dma_start3A] : memref<2x10240x64xf32, #tpu.memory_space<hbm>> -> memref<1x128x64xf32, #tpu.memory_space<hbm>>
      %dma_start3A_48 = tpu.memref_squeeze %dma_start3A_47 : memref<1x128x64xf32, #tpu.memory_space<hbm>> -> memref<128x64xf32, #tpu.memory_space<hbm>>
      %dma_start3A_49 = arith.constant 0 : i32
      %dma_start3A_50 = tpu.memref_slice %arg6[%arg0, %add3A_46, %dma_start3A_49] : memref<2x10240x64xf32, #tpu.memory_space<hbm>> -> memref<1x128x64xf32, #tpu.memory_space<hbm>>
      %dma_start3A_51 = tpu.memref_squeeze %dma_start3A_50 : memref<1x128x64xf32, #tpu.memory_space<hbm>> -> memref<128x64xf32, #tpu.memory_space<hbm>>
      tpu.enqueue_dma source(%arg9 : memref<128x64xf32, #tpu.memory_space<vmem>>) target(%dma_start3A_51 : memref<128x64xf32, #tpu.memory_space<hbm>>) target_semaphore(%run_scoped3A : memref<!tpu.dma_semaphore, #tpu.memory_space<semaphore_mem>>)
      %dma_wait3A = arith.constant 0 : i32
      %dma_wait3A_52 = tpu.memref_slice %arg6[%arg0, %add3A_46, %dma_wait3A] : memref<2x10240x64xf32, #tpu.memory_space<hbm>> -> memref<1x128x64xf32, #tpu.memory_space<hbm>>
      %dma_wait3A_53 = tpu.memref_squeeze %dma_wait3A_52 : memref<1x128x64xf32, #tpu.memory_space<hbm>> -> memref<128x64xf32, #tpu.memory_space<hbm>>
      %dma_wait3A_54 = arith.constant 0 : i32
      %dma_wait3A_55 = tpu.memref_slice %arg6[%arg0, %add3A_46, %dma_wait3A_54] : memref<2x10240x64xf32, #tpu.memory_space<hbm>> -> memref<1x128x64xf32, #tpu.memory_space<hbm>>
      %dma_wait3A_56 = tpu.memref_squeeze %dma_wait3A_55 : memref<1x128x64xf32, #tpu.memory_space<hbm>> -> memref<128x64xf32, #tpu.memory_space<hbm>>
      tpu.wait_dma2 semaphore(%run_scoped3A : memref<!tpu.dma_semaphore, #tpu.memory_space<semaphore_mem>>) src(%arg9 : memref<128x64xf32, #tpu.memory_space<vmem>>) dst(%dma_wait3A_56 : memref<128x64xf32, #tpu.memory_space<hbm>>)
      tpu.yield
    }) : () -> ()
    return
  }
}

#map = affine_map<(d0, d1) -> (0, 0)>
#map1 = affine_map<(d0, d1) -> (0, 0, 0)>
module attributes {stable_mosaic.version = 14 : i64} {
  func.func @_sc_degree(%arg0: i32, %arg1: i32, %arg2: memref<2528x128xi32, #tpu.memory_space<hbm>>, %arg3: memref<128x16xf32, #tpu.memory_space<hbm>>, %arg4: memref<128x16xf32, #tpu.memory_space<hbm>>, %arg5: memref<2x10240x16xf32, #tpu.memory_space<hbm>>, %arg6: memref<128xi32, #tpu.memory_space<vmem>>, %arg7: memref<128x16xf32, #tpu.memory_space<vmem>>, %arg8: memref<10240x16xf32, #tpu.memory_space<vmem_shared>>) attributes {dimension_semantics = [#tpu.dimension_semantics<core_parallel>, #tpu.dimension_semantics<subcore_parallel>], iteration_bounds = array<i64: 2, 16>, scalar_prefetch = 0 : i64, scratch_operands = 3 : i64, tpu.core_type = #tpu.core_type<sc_vector_subcore>, window_params = [{transform_indices = #map}, {transform_indices = #map}, {transform_indices = #map}, {transform_indices = #map1}]} {
    %mul3A = arith.constant 2 : i32
    %mul3A_0 = arith.muli %arg1, %mul3A : i32
    %add3A = arith.addi %mul3A_0, %arg0 : i32
    "tpu.region"() ({
      %run_scoped3A = tpu.sem_alloc : memref<!tpu.dma_semaphore, #tpu.memory_space<semaphore_mem>>
      tpu.enqueue_dma source(%arg4 : memref<128x16xf32, #tpu.memory_space<hbm>>) target(%arg7 : memref<128x16xf32, #tpu.memory_space<vmem>>) target_semaphore(%run_scoped3A : memref<!tpu.dma_semaphore, #tpu.memory_space<semaphore_mem>>)
      tpu.wait_dma2 semaphore(%run_scoped3A : memref<!tpu.dma_semaphore, #tpu.memory_space<semaphore_mem>>) src(%arg4 : memref<128x16xf32, #tpu.memory_space<hbm>>) dst(%arg7 : memref<128x16xf32, #tpu.memory_space<vmem>>)
      tpu.yield
    }) : () -> ()
    %mul3A_1 = arith.constant 640 : i32
    %mul3A_2 = arith.muli %arg1, %mul3A_1 : i32
    %add3A_3 = arith.constant 0 : i32
    %add3A_4 = arith.addi %mul3A_2, %add3A_3 : i32
    "tpu.region"() ({
      %run_scoped3A = tpu.sem_alloc : memref<!tpu.dma_semaphore, #tpu.memory_space<semaphore_mem>>
      %dma_start3A = arith.constant 0 : i32
      %dma_start3A_47 = tpu.memref_slice %arg8[%add3A_4, %dma_start3A] : memref<10240x16xf32, #tpu.memory_space<vmem_shared>> -> memref<128x16xf32, #tpu.memory_space<vmem_shared>>
      %dma_start3A_48 = arith.constant 0 : i32
      %dma_start3A_49 = tpu.memref_slice %arg8[%add3A_4, %dma_start3A_48] : memref<10240x16xf32, #tpu.memory_space<vmem_shared>> -> memref<128x16xf32, #tpu.memory_space<vmem_shared>>
      tpu.enqueue_dma source(%arg7 : memref<128x16xf32, #tpu.memory_space<vmem>>) target(%dma_start3A_49 : memref<128x16xf32, #tpu.memory_space<vmem_shared>>) target_semaphore(%run_scoped3A : memref<!tpu.dma_semaphore, #tpu.memory_space<semaphore_mem>>)
      %dma_wait3A = arith.constant 0 : i32
      %dma_wait3A_50 = tpu.memref_slice %arg8[%add3A_4, %dma_wait3A] : memref<10240x16xf32, #tpu.memory_space<vmem_shared>> -> memref<128x16xf32, #tpu.memory_space<vmem_shared>>
      %dma_wait3A_51 = arith.constant 0 : i32
      %dma_wait3A_52 = tpu.memref_slice %arg8[%add3A_4, %dma_wait3A_51] : memref<10240x16xf32, #tpu.memory_space<vmem_shared>> -> memref<128x16xf32, #tpu.memory_space<vmem_shared>>
      tpu.wait_dma2 semaphore(%run_scoped3A : memref<!tpu.dma_semaphore, #tpu.memory_space<semaphore_mem>>) src(%arg7 : memref<128x16xf32, #tpu.memory_space<vmem>>) dst(%dma_wait3A_52 : memref<128x16xf32, #tpu.memory_space<vmem_shared>>)
      tpu.yield
    }) : () -> ()
    %mul3A_5 = arith.constant 640 : i32
    %mul3A_6 = arith.muli %arg1, %mul3A_5 : i32
    %add3A_7 = arith.constant 128 : i32
    %add3A_8 = arith.addi %mul3A_6, %add3A_7 : i32
    "tpu.region"() ({
      %run_scoped3A = tpu.sem_alloc : memref<!tpu.dma_semaphore, #tpu.memory_space<semaphore_mem>>
      %dma_start3A = arith.constant 0 : i32
      %dma_start3A_47 = tpu.memref_slice %arg8[%add3A_8, %dma_start3A] : memref<10240x16xf32, #tpu.memory_space<vmem_shared>> -> memref<128x16xf32, #tpu.memory_space<vmem_shared>>
      %dma_start3A_48 = arith.constant 0 : i32
      %dma_start3A_49 = tpu.memref_slice %arg8[%add3A_8, %dma_start3A_48] : memref<10240x16xf32, #tpu.memory_space<vmem_shared>> -> memref<128x16xf32, #tpu.memory_space<vmem_shared>>
      tpu.enqueue_dma source(%arg7 : memref<128x16xf32, #tpu.memory_space<vmem>>) target(%dma_start3A_49 : memref<128x16xf32, #tpu.memory_space<vmem_shared>>) target_semaphore(%run_scoped3A : memref<!tpu.dma_semaphore, #tpu.memory_space<semaphore_mem>>)
      %dma_wait3A = arith.constant 0 : i32
      %dma_wait3A_50 = tpu.memref_slice %arg8[%add3A_8, %dma_wait3A] : memref<10240x16xf32, #tpu.memory_space<vmem_shared>> -> memref<128x16xf32, #tpu.memory_space<vmem_shared>>
      %dma_wait3A_51 = arith.constant 0 : i32
      %dma_wait3A_52 = tpu.memref_slice %arg8[%add3A_8, %dma_wait3A_51] : memref<10240x16xf32, #tpu.memory_space<vmem_shared>> -> memref<128x16xf32, #tpu.memory_space<vmem_shared>>
      tpu.wait_dma2 semaphore(%run_scoped3A : memref<!tpu.dma_semaphore, #tpu.memory_space<semaphore_mem>>) src(%arg7 : memref<128x16xf32, #tpu.memory_space<vmem>>) dst(%dma_wait3A_52 : memref<128x16xf32, #tpu.memory_space<vmem_shared>>)
      tpu.yield
    }) : () -> ()
    %mul3A_9 = arith.constant 640 : i32
    %mul3A_10 = arith.muli %arg1, %mul3A_9 : i32
    %add3A_11 = arith.constant 256 : i32
    %add3A_12 = arith.addi %mul3A_10, %add3A_11 : i32
    "tpu.region"() ({
      %run_scoped3A = tpu.sem_alloc : memref<!tpu.dma_semaphore, #tpu.memory_space<semaphore_mem>>
      %dma_start3A = arith.constant 0 : i32
      %dma_start3A_47 = tpu.memref_slice %arg8[%add3A_12, %dma_start3A] : memref<10240x16xf32, #tpu.memory_space<vmem_shared>> -> memref<128x16xf32, #tpu.memory_space<vmem_shared>>
      %dma_start3A_48 = arith.constant 0 : i32
      %dma_start3A_49 = tpu.memref_slice %arg8[%add3A_12, %dma_start3A_48] : memref<10240x16xf32, #tpu.memory_space<vmem_shared>> -> memref<128x16xf32, #tpu.memory_space<vmem_shared>>
      tpu.enqueue_dma source(%arg7 : memref<128x16xf32, #tpu.memory_space<vmem>>) target(%dma_start3A_49 : memref<128x16xf32, #tpu.memory_space<vmem_shared>>) target_semaphore(%run_scoped3A : memref<!tpu.dma_semaphore, #tpu.memory_space<semaphore_mem>>)
      %dma_wait3A = arith.constant 0 : i32
      %dma_wait3A_50 = tpu.memref_slice %arg8[%add3A_12, %dma_wait3A] : memref<10240x16xf32, #tpu.memory_space<vmem_shared>> -> memref<128x16xf32, #tpu.memory_space<vmem_shared>>
      %dma_wait3A_51 = arith.constant 0 : i32
      %dma_wait3A_52 = tpu.memref_slice %arg8[%add3A_12, %dma_wait3A_51] : memref<10240x16xf32, #tpu.memory_space<vmem_shared>> -> memref<128x16xf32, #tpu.memory_space<vmem_shared>>
      tpu.wait_dma2 semaphore(%run_scoped3A : memref<!tpu.dma_semaphore, #tpu.memory_space<semaphore_mem>>) src(%arg7 : memref<128x16xf32, #tpu.memory_space<vmem>>) dst(%dma_wait3A_52 : memref<128x16xf32, #tpu.memory_space<vmem_shared>>)
      tpu.yield
    }) : () -> ()
    %mul3A_13 = arith.constant 640 : i32
    %mul3A_14 = arith.muli %arg1, %mul3A_13 : i32
    %add3A_15 = arith.constant 384 : i32
    %add3A_16 = arith.addi %mul3A_14, %add3A_15 : i32
    "tpu.region"() ({
      %run_scoped3A = tpu.sem_alloc : memref<!tpu.dma_semaphore, #tpu.memory_space<semaphore_mem>>
      %dma_start3A = arith.constant 0 : i32
      %dma_start3A_47 = tpu.memref_slice %arg8[%add3A_16, %dma_start3A] : memref<10240x16xf32, #tpu.memory_space<vmem_shared>> -> memref<128x16xf32, #tpu.memory_space<vmem_shared>>
      %dma_start3A_48 = arith.constant 0 : i32
      %dma_start3A_49 = tpu.memref_slice %arg8[%add3A_16, %dma_start3A_48] : memref<10240x16xf32, #tpu.memory_space<vmem_shared>> -> memref<128x16xf32, #tpu.memory_space<vmem_shared>>
      tpu.enqueue_dma source(%arg7 : memref<128x16xf32, #tpu.memory_space<vmem>>) target(%dma_start3A_49 : memref<128x16xf32, #tpu.memory_space<vmem_shared>>) target_semaphore(%run_scoped3A : memref<!tpu.dma_semaphore, #tpu.memory_space<semaphore_mem>>)
      %dma_wait3A = arith.constant 0 : i32
      %dma_wait3A_50 = tpu.memref_slice %arg8[%add3A_16, %dma_wait3A] : memref<10240x16xf32, #tpu.memory_space<vmem_shared>> -> memref<128x16xf32, #tpu.memory_space<vmem_shared>>
      %dma_wait3A_51 = arith.constant 0 : i32
      %dma_wait3A_52 = tpu.memref_slice %arg8[%add3A_16, %dma_wait3A_51] : memref<10240x16xf32, #tpu.memory_space<vmem_shared>> -> memref<128x16xf32, #tpu.memory_space<vmem_shared>>
      tpu.wait_dma2 semaphore(%run_scoped3A : memref<!tpu.dma_semaphore, #tpu.memory_space<semaphore_mem>>) src(%arg7 : memref<128x16xf32, #tpu.memory_space<vmem>>) dst(%dma_wait3A_52 : memref<128x16xf32, #tpu.memory_space<vmem_shared>>)
      tpu.yield
    }) : () -> ()
    %mul3A_17 = arith.constant 640 : i32
    %mul3A_18 = arith.muli %arg1, %mul3A_17 : i32
    %add3A_19 = arith.constant 512 : i32
    %add3A_20 = arith.addi %mul3A_18, %add3A_19 : i32
    "tpu.region"() ({
      %run_scoped3A = tpu.sem_alloc : memref<!tpu.dma_semaphore, #tpu.memory_space<semaphore_mem>>
      %dma_start3A = arith.constant 0 : i32
      %dma_start3A_47 = tpu.memref_slice %arg8[%add3A_20, %dma_start3A] : memref<10240x16xf32, #tpu.memory_space<vmem_shared>> -> memref<128x16xf32, #tpu.memory_space<vmem_shared>>
      %dma_start3A_48 = arith.constant 0 : i32
      %dma_start3A_49 = tpu.memref_slice %arg8[%add3A_20, %dma_start3A_48] : memref<10240x16xf32, #tpu.memory_space<vmem_shared>> -> memref<128x16xf32, #tpu.memory_space<vmem_shared>>
      tpu.enqueue_dma source(%arg7 : memref<128x16xf32, #tpu.memory_space<vmem>>) target(%dma_start3A_49 : memref<128x16xf32, #tpu.memory_space<vmem_shared>>) target_semaphore(%run_scoped3A : memref<!tpu.dma_semaphore, #tpu.memory_space<semaphore_mem>>)
      %dma_wait3A = arith.constant 0 : i32
      %dma_wait3A_50 = tpu.memref_slice %arg8[%add3A_20, %dma_wait3A] : memref<10240x16xf32, #tpu.memory_space<vmem_shared>> -> memref<128x16xf32, #tpu.memory_space<vmem_shared>>
      %dma_wait3A_51 = arith.constant 0 : i32
      %dma_wait3A_52 = tpu.memref_slice %arg8[%add3A_20, %dma_wait3A_51] : memref<10240x16xf32, #tpu.memory_space<vmem_shared>> -> memref<128x16xf32, #tpu.memory_space<vmem_shared>>
      tpu.wait_dma2 semaphore(%run_scoped3A : memref<!tpu.dma_semaphore, #tpu.memory_space<semaphore_mem>>) src(%arg7 : memref<128x16xf32, #tpu.memory_space<vmem>>) dst(%dma_wait3A_52 : memref<128x16xf32, #tpu.memory_space<vmem_shared>>)
      tpu.yield
    }) : () -> ()
    "tpu.region"() ({
      %run_scoped3A = tpu.sem_alloc : memref<!tpu.dma_semaphore, #tpu.memory_space<semaphore_mem>>
      tpu.enqueue_dma source(%arg3 : memref<128x16xf32, #tpu.memory_space<hbm>>) target(%arg7 : memref<128x16xf32, #tpu.memory_space<vmem>>) target_semaphore(%run_scoped3A : memref<!tpu.dma_semaphore, #tpu.memory_space<semaphore_mem>>)
      tpu.wait_dma2 semaphore(%run_scoped3A : memref<!tpu.dma_semaphore, #tpu.memory_space<semaphore_mem>>) src(%arg3 : memref<128x16xf32, #tpu.memory_space<hbm>>) dst(%arg7 : memref<128x16xf32, #tpu.memory_space<vmem>>)
      tpu.yield
    }) : () -> ()
    %barrier3A = arith.constant 0 : index
    tpu.barrier barrier_id(%barrier3A)
    %scan3A = arith.constant 0 : i32
    %scan3A_21 = arith.constant 0 : i32
    %scan3A_22 = arith.constant 79 : i32
    %scan3A_23 = arith.addi %scan3A_21, %scan3A_22 : i32
    %scan3A_24 = arith.constant 1 : i32
    scf.for %scan3A_47 = %scan3A_21 to %scan3A_23 step %scan3A_24  : i32 {
      %mul3A_48 = arith.constant 79 : i32
      %mul3A_49 = arith.muli %add3A, %mul3A_48 : i32
      %add3A_50 = arith.addi %mul3A_49, %scan3A_47 : i32
      "tpu.region"() ({
        %run_scoped3A = tpu.sem_alloc : memref<!tpu.dma_semaphore, #tpu.memory_space<semaphore_mem>>
        %dma_start3A = arith.constant 0 : i32
        %dma_start3A_51 = tpu.memref_slice %arg2[%add3A_50, %dma_start3A] : memref<2528x128xi32, #tpu.memory_space<hbm>> -> memref<1x128xi32, #tpu.memory_space<hbm>>
        %dma_start3A_52 = tpu.memref_squeeze %dma_start3A_51 : memref<1x128xi32, #tpu.memory_space<hbm>> -> memref<128xi32, #tpu.memory_space<hbm>>
        %dma_start3A_53 = arith.constant 0 : i32
        %dma_start3A_54 = tpu.memref_slice %arg2[%add3A_50, %dma_start3A_53] : memref<2528x128xi32, #tpu.memory_space<hbm>> -> memref<1x128xi32, #tpu.memory_space<hbm>>
        %dma_start3A_55 = tpu.memref_squeeze %dma_start3A_54 : memref<1x128xi32, #tpu.memory_space<hbm>> -> memref<128xi32, #tpu.memory_space<hbm>>
        tpu.enqueue_dma source(%dma_start3A_55 : memref<128xi32, #tpu.memory_space<hbm>>) target(%arg6 : memref<128xi32, #tpu.memory_space<vmem>>) target_semaphore(%run_scoped3A : memref<!tpu.dma_semaphore, #tpu.memory_space<semaphore_mem>>)
        %dma_wait3A = arith.constant 0 : i32
        %dma_wait3A_56 = tpu.memref_slice %arg2[%add3A_50, %dma_wait3A] : memref<2528x128xi32, #tpu.memory_space<hbm>> -> memref<1x128xi32, #tpu.memory_space<hbm>>
        %dma_wait3A_57 = tpu.memref_squeeze %dma_wait3A_56 : memref<1x128xi32, #tpu.memory_space<hbm>> -> memref<128xi32, #tpu.memory_space<hbm>>
        %dma_wait3A_58 = arith.constant 0 : i32
        %dma_wait3A_59 = tpu.memref_slice %arg2[%add3A_50, %dma_wait3A_58] : memref<2528x128xi32, #tpu.memory_space<hbm>> -> memref<1x128xi32, #tpu.memory_space<hbm>>
        %dma_wait3A_60 = tpu.memref_squeeze %dma_wait3A_59 : memref<1x128xi32, #tpu.memory_space<hbm>> -> memref<128xi32, #tpu.memory_space<hbm>>
        tpu.wait_dma2 semaphore(%run_scoped3A : memref<!tpu.dma_semaphore, #tpu.memory_space<semaphore_mem>>) src(%dma_wait3A_60 : memref<128xi32, #tpu.memory_space<hbm>>) dst(%arg6 : memref<128xi32, #tpu.memory_space<vmem>>)
        tpu.yield
      }) : () -> ()
      "tpu.region"() ({
        %run_scoped3A = tpu.sem_alloc : memref<!tpu.dma_semaphore, #tpu.memory_space<semaphore_mem>>
        %dma_start3A = arith.constant 0 : i32
        %dma_start3A_51 = arith.constant 0 : i32
        %dma_start3A_52 = tpu.memref_slice %arg8[%dma_start3A, %dma_start3A_51] : memref<10240x16xf32, #tpu.memory_space<vmem_shared>> -> memref<10240x16xf32, #tpu.memory_space<vmem_shared>>
        tpu.enqueue_indirect_dma source(%arg7 : memref<128x16xf32, #tpu.memory_space<vmem>>) target(%dma_start3A_52 : memref<10240x16xf32, #tpu.memory_space<vmem_shared>>) offsets(%arg6 : memref<128xi32, #tpu.memory_space<vmem>>) semaphore(%run_scoped3A : memref<!tpu.dma_semaphore, #tpu.memory_space<semaphore_mem>>) {add = true}
        %dma_wait3A = arith.constant 0 : i32
        %dma_wait3A_53 = arith.constant 0 : i32
        %dma_wait3A_54 = tpu.memref_slice %arg8[%dma_wait3A, %dma_wait3A_53] : memref<10240x16xf32, #tpu.memory_space<vmem_shared>> -> memref<10240x16xf32, #tpu.memory_space<vmem_shared>>
        tpu.wait_indirect_dma semaphore(%run_scoped3A : memref<!tpu.dma_semaphore, #tpu.memory_space<semaphore_mem>>) src(%arg7 : memref<128x16xf32, #tpu.memory_space<vmem>>) dst(%dma_wait3A_54 : memref<10240x16xf32, #tpu.memory_space<vmem_shared>>)
        tpu.yield
      }) : () -> ()
    }
    %scan3A_25 = arith.constant 79 : i32
    %barrier3A_26 = arith.constant 0 : index
    tpu.barrier barrier_id(%barrier3A_26)
    %mul3A_27 = arith.constant 640 : i32
    %mul3A_28 = arith.muli %arg1, %mul3A_27 : i32
    %add3A_29 = arith.constant 0 : i32
    %add3A_30 = arith.addi %mul3A_28, %add3A_29 : i32
    "tpu.region"() ({
      %run_scoped3A = tpu.sem_alloc : memref<!tpu.dma_semaphore, #tpu.memory_space<semaphore_mem>>
      %dma_start3A = arith.constant 0 : i32
      %dma_start3A_47 = tpu.memref_slice %arg8[%add3A_30, %dma_start3A] : memref<10240x16xf32, #tpu.memory_space<vmem_shared>> -> memref<128x16xf32, #tpu.memory_space<vmem_shared>>
      %dma_start3A_48 = arith.constant 0 : i32
      %dma_start3A_49 = tpu.memref_slice %arg8[%add3A_30, %dma_start3A_48] : memref<10240x16xf32, #tpu.memory_space<vmem_shared>> -> memref<128x16xf32, #tpu.memory_space<vmem_shared>>
      tpu.enqueue_dma source(%dma_start3A_49 : memref<128x16xf32, #tpu.memory_space<vmem_shared>>) target(%arg7 : memref<128x16xf32, #tpu.memory_space<vmem>>) target_semaphore(%run_scoped3A : memref<!tpu.dma_semaphore, #tpu.memory_space<semaphore_mem>>)
      %dma_wait3A = arith.constant 0 : i32
      %dma_wait3A_50 = tpu.memref_slice %arg8[%add3A_30, %dma_wait3A] : memref<10240x16xf32, #tpu.memory_space<vmem_shared>> -> memref<128x16xf32, #tpu.memory_space<vmem_shared>>
      %dma_wait3A_51 = arith.constant 0 : i32
      %dma_wait3A_52 = tpu.memref_slice %arg8[%add3A_30, %dma_wait3A_51] : memref<10240x16xf32, #tpu.memory_space<vmem_shared>> -> memref<128x16xf32, #tpu.memory_space<vmem_shared>>
      tpu.wait_dma2 semaphore(%run_scoped3A : memref<!tpu.dma_semaphore, #tpu.memory_space<semaphore_mem>>) src(%dma_wait3A_52 : memref<128x16xf32, #tpu.memory_space<vmem_shared>>) dst(%arg7 : memref<128x16xf32, #tpu.memory_space<vmem>>)
      tpu.yield
    }) : () -> ()
    "tpu.region"() ({
      %run_scoped3A = tpu.sem_alloc : memref<!tpu.dma_semaphore, #tpu.memory_space<semaphore_mem>>
      %dma_start3A = arith.constant 0 : i32
      %dma_start3A_47 = tpu.memref_slice %arg5[%arg0, %add3A_30, %dma_start3A] : memref<2x10240x16xf32, #tpu.memory_space<hbm>> -> memref<1x128x16xf32, #tpu.memory_space<hbm>>
      %dma_start3A_48 = tpu.memref_squeeze %dma_start3A_47 : memref<1x128x16xf32, #tpu.memory_space<hbm>> -> memref<128x16xf32, #tpu.memory_space<hbm>>
      %dma_start3A_49 = arith.constant 0 : i32
      %dma_start3A_50 = tpu.memref_slice %arg5[%arg0, %add3A_30, %dma_start3A_49] : memref<2x10240x16xf32, #tpu.memory_space<hbm>> -> memref<1x128x16xf32, #tpu.memory_space<hbm>>
      %dma_start3A_51 = tpu.memref_squeeze %dma_start3A_50 : memref<1x128x16xf32, #tpu.memory_space<hbm>> -> memref<128x16xf32, #tpu.memory_space<hbm>>
      tpu.enqueue_dma source(%arg7 : memref<128x16xf32, #tpu.memory_space<vmem>>) target(%dma_start3A_51 : memref<128x16xf32, #tpu.memory_space<hbm>>) target_semaphore(%run_scoped3A : memref<!tpu.dma_semaphore, #tpu.memory_space<semaphore_mem>>)
      %dma_wait3A = arith.constant 0 : i32
      %dma_wait3A_52 = tpu.memref_slice %arg5[%arg0, %add3A_30, %dma_wait3A] : memref<2x10240x16xf32, #tpu.memory_space<hbm>> -> memref<1x128x16xf32, #tpu.memory_space<hbm>>
      %dma_wait3A_53 = tpu.memref_squeeze %dma_wait3A_52 : memref<1x128x16xf32, #tpu.memory_space<hbm>> -> memref<128x16xf32, #tpu.memory_space<hbm>>
      %dma_wait3A_54 = arith.constant 0 : i32
      %dma_wait3A_55 = tpu.memref_slice %arg5[%arg0, %add3A_30, %dma_wait3A_54] : memref<2x10240x16xf32, #tpu.memory_space<hbm>> -> memref<1x128x16xf32, #tpu.memory_space<hbm>>
      %dma_wait3A_56 = tpu.memref_squeeze %dma_wait3A_55 : memref<1x128x16xf32, #tpu.memory_space<hbm>> -> memref<128x16xf32, #tpu.memory_space<hbm>>
      tpu.wait_dma2 semaphore(%run_scoped3A : memref<!tpu.dma_semaphore, #tpu.memory_space<semaphore_mem>>) src(%arg7 : memref<128x16xf32, #tpu.memory_space<vmem>>) dst(%dma_wait3A_56 : memref<128x16xf32, #tpu.memory_space<hbm>>)
      tpu.yield
    }) : () -> ()
    %mul3A_31 = arith.constant 640 : i32
    %mul3A_32 = arith.muli %arg1, %mul3A_31 : i32
    %add3A_33 = arith.constant 128 : i32
    %add3A_34 = arith.addi %mul3A_32, %add3A_33 : i32
    "tpu.region"() ({
      %run_scoped3A = tpu.sem_alloc : memref<!tpu.dma_semaphore, #tpu.memory_space<semaphore_mem>>
      %dma_start3A = arith.constant 0 : i32
      %dma_start3A_47 = tpu.memref_slice %arg8[%add3A_34, %dma_start3A] : memref<10240x16xf32, #tpu.memory_space<vmem_shared>> -> memref<128x16xf32, #tpu.memory_space<vmem_shared>>
      %dma_start3A_48 = arith.constant 0 : i32
      %dma_start3A_49 = tpu.memref_slice %arg8[%add3A_34, %dma_start3A_48] : memref<10240x16xf32, #tpu.memory_space<vmem_shared>> -> memref<128x16xf32, #tpu.memory_space<vmem_shared>>
      tpu.enqueue_dma source(%dma_start3A_49 : memref<128x16xf32, #tpu.memory_space<vmem_shared>>) target(%arg7 : memref<128x16xf32, #tpu.memory_space<vmem>>) target_semaphore(%run_scoped3A : memref<!tpu.dma_semaphore, #tpu.memory_space<semaphore_mem>>)
      %dma_wait3A = arith.constant 0 : i32
      %dma_wait3A_50 = tpu.memref_slice %arg8[%add3A_34, %dma_wait3A] : memref<10240x16xf32, #tpu.memory_space<vmem_shared>> -> memref<128x16xf32, #tpu.memory_space<vmem_shared>>
      %dma_wait3A_51 = arith.constant 0 : i32
      %dma_wait3A_52 = tpu.memref_slice %arg8[%add3A_34, %dma_wait3A_51] : memref<10240x16xf32, #tpu.memory_space<vmem_shared>> -> memref<128x16xf32, #tpu.memory_space<vmem_shared>>
      tpu.wait_dma2 semaphore(%run_scoped3A : memref<!tpu.dma_semaphore, #tpu.memory_space<semaphore_mem>>) src(%dma_wait3A_52 : memref<128x16xf32, #tpu.memory_space<vmem_shared>>) dst(%arg7 : memref<128x16xf32, #tpu.memory_space<vmem>>)
      tpu.yield
    }) : () -> ()
    "tpu.region"() ({
      %run_scoped3A = tpu.sem_alloc : memref<!tpu.dma_semaphore, #tpu.memory_space<semaphore_mem>>
      %dma_start3A = arith.constant 0 : i32
      %dma_start3A_47 = tpu.memref_slice %arg5[%arg0, %add3A_34, %dma_start3A] : memref<2x10240x16xf32, #tpu.memory_space<hbm>> -> memref<1x128x16xf32, #tpu.memory_space<hbm>>
      %dma_start3A_48 = tpu.memref_squeeze %dma_start3A_47 : memref<1x128x16xf32, #tpu.memory_space<hbm>> -> memref<128x16xf32, #tpu.memory_space<hbm>>
      %dma_start3A_49 = arith.constant 0 : i32
      %dma_start3A_50 = tpu.memref_slice %arg5[%arg0, %add3A_34, %dma_start3A_49] : memref<2x10240x16xf32, #tpu.memory_space<hbm>> -> memref<1x128x16xf32, #tpu.memory_space<hbm>>
      %dma_start3A_51 = tpu.memref_squeeze %dma_start3A_50 : memref<1x128x16xf32, #tpu.memory_space<hbm>> -> memref<128x16xf32, #tpu.memory_space<hbm>>
      tpu.enqueue_dma source(%arg7 : memref<128x16xf32, #tpu.memory_space<vmem>>) target(%dma_start3A_51 : memref<128x16xf32, #tpu.memory_space<hbm>>) target_semaphore(%run_scoped3A : memref<!tpu.dma_semaphore, #tpu.memory_space<semaphore_mem>>)
      %dma_wait3A = arith.constant 0 : i32
      %dma_wait3A_52 = tpu.memref_slice %arg5[%arg0, %add3A_34, %dma_wait3A] : memref<2x10240x16xf32, #tpu.memory_space<hbm>> -> memref<1x128x16xf32, #tpu.memory_space<hbm>>
      %dma_wait3A_53 = tpu.memref_squeeze %dma_wait3A_52 : memref<1x128x16xf32, #tpu.memory_space<hbm>> -> memref<128x16xf32, #tpu.memory_space<hbm>>
      %dma_wait3A_54 = arith.constant 0 : i32
      %dma_wait3A_55 = tpu.memref_slice %arg5[%arg0, %add3A_34, %dma_wait3A_54] : memref<2x10240x16xf32, #tpu.memory_space<hbm>> -> memref<1x128x16xf32, #tpu.memory_space<hbm>>
      %dma_wait3A_56 = tpu.memref_squeeze %dma_wait3A_55 : memref<1x128x16xf32, #tpu.memory_space<hbm>> -> memref<128x16xf32, #tpu.memory_space<hbm>>
      tpu.wait_dma2 semaphore(%run_scoped3A : memref<!tpu.dma_semaphore, #tpu.memory_space<semaphore_mem>>) src(%arg7 : memref<128x16xf32, #tpu.memory_space<vmem>>) dst(%dma_wait3A_56 : memref<128x16xf32, #tpu.memory_space<hbm>>)
      tpu.yield
    }) : () -> ()
    %mul3A_35 = arith.constant 640 : i32
    %mul3A_36 = arith.muli %arg1, %mul3A_35 : i32
    %add3A_37 = arith.constant 256 : i32
    %add3A_38 = arith.addi %mul3A_36, %add3A_37 : i32
    "tpu.region"() ({
      %run_scoped3A = tpu.sem_alloc : memref<!tpu.dma_semaphore, #tpu.memory_space<semaphore_mem>>
      %dma_start3A = arith.constant 0 : i32
      %dma_start3A_47 = tpu.memref_slice %arg8[%add3A_38, %dma_start3A] : memref<10240x16xf32, #tpu.memory_space<vmem_shared>> -> memref<128x16xf32, #tpu.memory_space<vmem_shared>>
      %dma_start3A_48 = arith.constant 0 : i32
      %dma_start3A_49 = tpu.memref_slice %arg8[%add3A_38, %dma_start3A_48] : memref<10240x16xf32, #tpu.memory_space<vmem_shared>> -> memref<128x16xf32, #tpu.memory_space<vmem_shared>>
      tpu.enqueue_dma source(%dma_start3A_49 : memref<128x16xf32, #tpu.memory_space<vmem_shared>>) target(%arg7 : memref<128x16xf32, #tpu.memory_space<vmem>>) target_semaphore(%run_scoped3A : memref<!tpu.dma_semaphore, #tpu.memory_space<semaphore_mem>>)
      %dma_wait3A = arith.constant 0 : i32
      %dma_wait3A_50 = tpu.memref_slice %arg8[%add3A_38, %dma_wait3A] : memref<10240x16xf32, #tpu.memory_space<vmem_shared>> -> memref<128x16xf32, #tpu.memory_space<vmem_shared>>
      %dma_wait3A_51 = arith.constant 0 : i32
      %dma_wait3A_52 = tpu.memref_slice %arg8[%add3A_38, %dma_wait3A_51] : memref<10240x16xf32, #tpu.memory_space<vmem_shared>> -> memref<128x16xf32, #tpu.memory_space<vmem_shared>>
      tpu.wait_dma2 semaphore(%run_scoped3A : memref<!tpu.dma_semaphore, #tpu.memory_space<semaphore_mem>>) src(%dma_wait3A_52 : memref<128x16xf32, #tpu.memory_space<vmem_shared>>) dst(%arg7 : memref<128x16xf32, #tpu.memory_space<vmem>>)
      tpu.yield
    }) : () -> ()
    "tpu.region"() ({
      %run_scoped3A = tpu.sem_alloc : memref<!tpu.dma_semaphore, #tpu.memory_space<semaphore_mem>>
      %dma_start3A = arith.constant 0 : i32
      %dma_start3A_47 = tpu.memref_slice %arg5[%arg0, %add3A_38, %dma_start3A] : memref<2x10240x16xf32, #tpu.memory_space<hbm>> -> memref<1x128x16xf32, #tpu.memory_space<hbm>>
      %dma_start3A_48 = tpu.memref_squeeze %dma_start3A_47 : memref<1x128x16xf32, #tpu.memory_space<hbm>> -> memref<128x16xf32, #tpu.memory_space<hbm>>
      %dma_start3A_49 = arith.constant 0 : i32
      %dma_start3A_50 = tpu.memref_slice %arg5[%arg0, %add3A_38, %dma_start3A_49] : memref<2x10240x16xf32, #tpu.memory_space<hbm>> -> memref<1x128x16xf32, #tpu.memory_space<hbm>>
      %dma_start3A_51 = tpu.memref_squeeze %dma_start3A_50 : memref<1x128x16xf32, #tpu.memory_space<hbm>> -> memref<128x16xf32, #tpu.memory_space<hbm>>
      tpu.enqueue_dma source(%arg7 : memref<128x16xf32, #tpu.memory_space<vmem>>) target(%dma_start3A_51 : memref<128x16xf32, #tpu.memory_space<hbm>>) target_semaphore(%run_scoped3A : memref<!tpu.dma_semaphore, #tpu.memory_space<semaphore_mem>>)
      %dma_wait3A = arith.constant 0 : i32
      %dma_wait3A_52 = tpu.memref_slice %arg5[%arg0, %add3A_38, %dma_wait3A] : memref<2x10240x16xf32, #tpu.memory_space<hbm>> -> memref<1x128x16xf32, #tpu.memory_space<hbm>>
      %dma_wait3A_53 = tpu.memref_squeeze %dma_wait3A_52 : memref<1x128x16xf32, #tpu.memory_space<hbm>> -> memref<128x16xf32, #tpu.memory_space<hbm>>
      %dma_wait3A_54 = arith.constant 0 : i32
      %dma_wait3A_55 = tpu.memref_slice %arg5[%arg0, %add3A_38, %dma_wait3A_54] : memref<2x10240x16xf32, #tpu.memory_space<hbm>> -> memref<1x128x16xf32, #tpu.memory_space<hbm>>
      %dma_wait3A_56 = tpu.memref_squeeze %dma_wait3A_55 : memref<1x128x16xf32, #tpu.memory_space<hbm>> -> memref<128x16xf32, #tpu.memory_space<hbm>>
      tpu.wait_dma2 semaphore(%run_scoped3A : memref<!tpu.dma_semaphore, #tpu.memory_space<semaphore_mem>>) src(%arg7 : memref<128x16xf32, #tpu.memory_space<vmem>>) dst(%dma_wait3A_56 : memref<128x16xf32, #tpu.memory_space<hbm>>)
      tpu.yield
    }) : () -> ()
    %mul3A_39 = arith.constant 640 : i32
    %mul3A_40 = arith.muli %arg1, %mul3A_39 : i32
    %add3A_41 = arith.constant 384 : i32
    %add3A_42 = arith.addi %mul3A_40, %add3A_41 : i32
    "tpu.region"() ({
      %run_scoped3A = tpu.sem_alloc : memref<!tpu.dma_semaphore, #tpu.memory_space<semaphore_mem>>
      %dma_start3A = arith.constant 0 : i32
      %dma_start3A_47 = tpu.memref_slice %arg8[%add3A_42, %dma_start3A] : memref<10240x16xf32, #tpu.memory_space<vmem_shared>> -> memref<128x16xf32, #tpu.memory_space<vmem_shared>>
      %dma_start3A_48 = arith.constant 0 : i32
      %dma_start3A_49 = tpu.memref_slice %arg8[%add3A_42, %dma_start3A_48] : memref<10240x16xf32, #tpu.memory_space<vmem_shared>> -> memref<128x16xf32, #tpu.memory_space<vmem_shared>>
      tpu.enqueue_dma source(%dma_start3A_49 : memref<128x16xf32, #tpu.memory_space<vmem_shared>>) target(%arg7 : memref<128x16xf32, #tpu.memory_space<vmem>>) target_semaphore(%run_scoped3A : memref<!tpu.dma_semaphore, #tpu.memory_space<semaphore_mem>>)
      %dma_wait3A = arith.constant 0 : i32
      %dma_wait3A_50 = tpu.memref_slice %arg8[%add3A_42, %dma_wait3A] : memref<10240x16xf32, #tpu.memory_space<vmem_shared>> -> memref<128x16xf32, #tpu.memory_space<vmem_shared>>
      %dma_wait3A_51 = arith.constant 0 : i32
      %dma_wait3A_52 = tpu.memref_slice %arg8[%add3A_42, %dma_wait3A_51] : memref<10240x16xf32, #tpu.memory_space<vmem_shared>> -> memref<128x16xf32, #tpu.memory_space<vmem_shared>>
      tpu.wait_dma2 semaphore(%run_scoped3A : memref<!tpu.dma_semaphore, #tpu.memory_space<semaphore_mem>>) src(%dma_wait3A_52 : memref<128x16xf32, #tpu.memory_space<vmem_shared>>) dst(%arg7 : memref<128x16xf32, #tpu.memory_space<vmem>>)
      tpu.yield
    }) : () -> ()
    "tpu.region"() ({
      %run_scoped3A = tpu.sem_alloc : memref<!tpu.dma_semaphore, #tpu.memory_space<semaphore_mem>>
      %dma_start3A = arith.constant 0 : i32
      %dma_start3A_47 = tpu.memref_slice %arg5[%arg0, %add3A_42, %dma_start3A] : memref<2x10240x16xf32, #tpu.memory_space<hbm>> -> memref<1x128x16xf32, #tpu.memory_space<hbm>>
      %dma_start3A_48 = tpu.memref_squeeze %dma_start3A_47 : memref<1x128x16xf32, #tpu.memory_space<hbm>> -> memref<128x16xf32, #tpu.memory_space<hbm>>
      %dma_start3A_49 = arith.constant 0 : i32
      %dma_start3A_50 = tpu.memref_slice %arg5[%arg0, %add3A_42, %dma_start3A_49] : memref<2x10240x16xf32, #tpu.memory_space<hbm>> -> memref<1x128x16xf32, #tpu.memory_space<hbm>>
      %dma_start3A_51 = tpu.memref_squeeze %dma_start3A_50 : memref<1x128x16xf32, #tpu.memory_space<hbm>> -> memref<128x16xf32, #tpu.memory_space<hbm>>
      tpu.enqueue_dma source(%arg7 : memref<128x16xf32, #tpu.memory_space<vmem>>) target(%dma_start3A_51 : memref<128x16xf32, #tpu.memory_space<hbm>>) target_semaphore(%run_scoped3A : memref<!tpu.dma_semaphore, #tpu.memory_space<semaphore_mem>>)
      %dma_wait3A = arith.constant 0 : i32
      %dma_wait3A_52 = tpu.memref_slice %arg5[%arg0, %add3A_42, %dma_wait3A] : memref<2x10240x16xf32, #tpu.memory_space<hbm>> -> memref<1x128x16xf32, #tpu.memory_space<hbm>>
      %dma_wait3A_53 = tpu.memref_squeeze %dma_wait3A_52 : memref<1x128x16xf32, #tpu.memory_space<hbm>> -> memref<128x16xf32, #tpu.memory_space<hbm>>
      %dma_wait3A_54 = arith.constant 0 : i32
      %dma_wait3A_55 = tpu.memref_slice %arg5[%arg0, %add3A_42, %dma_wait3A_54] : memref<2x10240x16xf32, #tpu.memory_space<hbm>> -> memref<1x128x16xf32, #tpu.memory_space<hbm>>
      %dma_wait3A_56 = tpu.memref_squeeze %dma_wait3A_55 : memref<1x128x16xf32, #tpu.memory_space<hbm>> -> memref<128x16xf32, #tpu.memory_space<hbm>>
      tpu.wait_dma2 semaphore(%run_scoped3A : memref<!tpu.dma_semaphore, #tpu.memory_space<semaphore_mem>>) src(%arg7 : memref<128x16xf32, #tpu.memory_space<vmem>>) dst(%dma_wait3A_56 : memref<128x16xf32, #tpu.memory_space<hbm>>)
      tpu.yield
    }) : () -> ()
    %mul3A_43 = arith.constant 640 : i32
    %mul3A_44 = arith.muli %arg1, %mul3A_43 : i32
    %add3A_45 = arith.constant 512 : i32
    %add3A_46 = arith.addi %mul3A_44, %add3A_45 : i32
    "tpu.region"() ({
      %run_scoped3A = tpu.sem_alloc : memref<!tpu.dma_semaphore, #tpu.memory_space<semaphore_mem>>
      %dma_start3A = arith.constant 0 : i32
      %dma_start3A_47 = tpu.memref_slice %arg8[%add3A_46, %dma_start3A] : memref<10240x16xf32, #tpu.memory_space<vmem_shared>> -> memref<128x16xf32, #tpu.memory_space<vmem_shared>>
      %dma_start3A_48 = arith.constant 0 : i32
      %dma_start3A_49 = tpu.memref_slice %arg8[%add3A_46, %dma_start3A_48] : memref<10240x16xf32, #tpu.memory_space<vmem_shared>> -> memref<128x16xf32, #tpu.memory_space<vmem_shared>>
      tpu.enqueue_dma source(%dma_start3A_49 : memref<128x16xf32, #tpu.memory_space<vmem_shared>>) target(%arg7 : memref<128x16xf32, #tpu.memory_space<vmem>>) target_semaphore(%run_scoped3A : memref<!tpu.dma_semaphore, #tpu.memory_space<semaphore_mem>>)
      %dma_wait3A = arith.constant 0 : i32
      %dma_wait3A_50 = tpu.memref_slice %arg8[%add3A_46, %dma_wait3A] : memref<10240x16xf32, #tpu.memory_space<vmem_shared>> -> memref<128x16xf32, #tpu.memory_space<vmem_shared>>
      %dma_wait3A_51 = arith.constant 0 : i32
      %dma_wait3A_52 = tpu.memref_slice %arg8[%add3A_46, %dma_wait3A_51] : memref<10240x16xf32, #tpu.memory_space<vmem_shared>> -> memref<128x16xf32, #tpu.memory_space<vmem_shared>>
      tpu.wait_dma2 semaphore(%run_scoped3A : memref<!tpu.dma_semaphore, #tpu.memory_space<semaphore_mem>>) src(%dma_wait3A_52 : memref<128x16xf32, #tpu.memory_space<vmem_shared>>) dst(%arg7 : memref<128x16xf32, #tpu.memory_space<vmem>>)
      tpu.yield
    }) : () -> ()
    "tpu.region"() ({
      %run_scoped3A = tpu.sem_alloc : memref<!tpu.dma_semaphore, #tpu.memory_space<semaphore_mem>>
      %dma_start3A = arith.constant 0 : i32
      %dma_start3A_47 = tpu.memref_slice %arg5[%arg0, %add3A_46, %dma_start3A] : memref<2x10240x16xf32, #tpu.memory_space<hbm>> -> memref<1x128x16xf32, #tpu.memory_space<hbm>>
      %dma_start3A_48 = tpu.memref_squeeze %dma_start3A_47 : memref<1x128x16xf32, #tpu.memory_space<hbm>> -> memref<128x16xf32, #tpu.memory_space<hbm>>
      %dma_start3A_49 = arith.constant 0 : i32
      %dma_start3A_50 = tpu.memref_slice %arg5[%arg0, %add3A_46, %dma_start3A_49] : memref<2x10240x16xf32, #tpu.memory_space<hbm>> -> memref<1x128x16xf32, #tpu.memory_space<hbm>>
      %dma_start3A_51 = tpu.memref_squeeze %dma_start3A_50 : memref<1x128x16xf32, #tpu.memory_space<hbm>> -> memref<128x16xf32, #tpu.memory_space<hbm>>
      tpu.enqueue_dma source(%arg7 : memref<128x16xf32, #tpu.memory_space<vmem>>) target(%dma_start3A_51 : memref<128x16xf32, #tpu.memory_space<hbm>>) target_semaphore(%run_scoped3A : memref<!tpu.dma_semaphore, #tpu.memory_space<semaphore_mem>>)
      %dma_wait3A = arith.constant 0 : i32
      %dma_wait3A_52 = tpu.memref_slice %arg5[%arg0, %add3A_46, %dma_wait3A] : memref<2x10240x16xf32, #tpu.memory_space<hbm>> -> memref<1x128x16xf32, #tpu.memory_space<hbm>>
      %dma_wait3A_53 = tpu.memref_squeeze %dma_wait3A_52 : memref<1x128x16xf32, #tpu.memory_space<hbm>> -> memref<128x16xf32, #tpu.memory_space<hbm>>
      %dma_wait3A_54 = arith.constant 0 : i32
      %dma_wait3A_55 = tpu.memref_slice %arg5[%arg0, %add3A_46, %dma_wait3A_54] : memref<2x10240x16xf32, #tpu.memory_space<hbm>> -> memref<1x128x16xf32, #tpu.memory_space<hbm>>
      %dma_wait3A_56 = tpu.memref_squeeze %dma_wait3A_55 : memref<1x128x16xf32, #tpu.memory_space<hbm>> -> memref<128x16xf32, #tpu.memory_space<hbm>>
      tpu.wait_dma2 semaphore(%run_scoped3A : memref<!tpu.dma_semaphore, #tpu.memory_space<semaphore_mem>>) src(%arg7 : memref<128x16xf32, #tpu.memory_space<vmem>>) dst(%dma_wait3A_56 : memref<128x16xf32, #tpu.memory_space<hbm>>)
      tpu.yield
    }) : () -> ()
    return
  }
}

#map = affine_map<(d0, d1) -> (0, 0)>
#map1 = affine_map<(d0, d1) -> (0, 0, 0)>
module attributes {stable_mosaic.version = 14 : i64} {
  func.func @_sc_scatter(%arg0: i32, %arg1: i32, %arg2: memref<10240x64xf32, #tpu.memory_space<hbm>>, %arg3: memref<2528x128xi32, #tpu.memory_space<hbm>>, %arg4: memref<2528x128xi32, #tpu.memory_space<hbm>>, %arg5: memref<128x64xf32, #tpu.memory_space<hbm>>, %arg6: memref<2x10240x64xf32, #tpu.memory_space<hbm>>, %arg7: memref<128xi32, #tpu.memory_space<vmem>>, %arg8: memref<128xi32, #tpu.memory_space<vmem>>, %arg9: memref<128x64xf32, #tpu.memory_space<vmem>>, %arg10: memref<10240x64xf32, #tpu.memory_space<vmem_shared>>, %arg11: memref<!tpu.dma_semaphore, #tpu.memory_space<semaphore_mem>>) attributes {dimension_semantics = [#tpu.dimension_semantics<core_parallel>, #tpu.dimension_semantics<subcore_parallel>], iteration_bounds = array<i64: 2, 16>, scalar_prefetch = 0 : i64, scratch_operands = 5 : i64, tpu.core_type = #tpu.core_type<sc_vector_subcore>, window_params = [{transform_indices = #map}, {transform_indices = #map}, {transform_indices = #map}, {transform_indices = #map}, {transform_indices = #map1}]} {
    %mul3A = arith.constant 2 : i32
    %mul3A_0 = arith.muli %arg1, %mul3A : i32
    %add3A = arith.addi %mul3A_0, %arg0 : i32
    "tpu.region"() ({
      %run_scoped3A = tpu.sem_alloc : memref<!tpu.dma_semaphore, #tpu.memory_space<semaphore_mem>>
      tpu.enqueue_dma source(%arg5 : memref<128x64xf32, #tpu.memory_space<hbm>>) target(%arg9 : memref<128x64xf32, #tpu.memory_space<vmem>>) target_semaphore(%run_scoped3A : memref<!tpu.dma_semaphore, #tpu.memory_space<semaphore_mem>>)
      tpu.wait_dma2 semaphore(%run_scoped3A : memref<!tpu.dma_semaphore, #tpu.memory_space<semaphore_mem>>) src(%arg5 : memref<128x64xf32, #tpu.memory_space<hbm>>) dst(%arg9 : memref<128x64xf32, #tpu.memory_space<vmem>>)
      tpu.yield
    }) : () -> ()
    %mul3A_1 = arith.constant 640 : i32
    %mul3A_2 = arith.muli %arg1, %mul3A_1 : i32
    %add3A_3 = arith.constant 0 : i32
    %add3A_4 = arith.addi %mul3A_2, %add3A_3 : i32
    "tpu.region"() ({
      %run_scoped3A = tpu.sem_alloc : memref<!tpu.dma_semaphore, #tpu.memory_space<semaphore_mem>>
      %dma_start3A = arith.constant 0 : i32
      %dma_start3A_47 = tpu.memref_slice %arg10[%add3A_4, %dma_start3A] : memref<10240x64xf32, #tpu.memory_space<vmem_shared>> -> memref<128x64xf32, #tpu.memory_space<vmem_shared>>
      %dma_start3A_48 = arith.constant 0 : i32
      %dma_start3A_49 = tpu.memref_slice %arg10[%add3A_4, %dma_start3A_48] : memref<10240x64xf32, #tpu.memory_space<vmem_shared>> -> memref<128x64xf32, #tpu.memory_space<vmem_shared>>
      tpu.enqueue_dma source(%arg9 : memref<128x64xf32, #tpu.memory_space<vmem>>) target(%dma_start3A_49 : memref<128x64xf32, #tpu.memory_space<vmem_shared>>) target_semaphore(%run_scoped3A : memref<!tpu.dma_semaphore, #tpu.memory_space<semaphore_mem>>)
      %dma_wait3A = arith.constant 0 : i32
      %dma_wait3A_50 = tpu.memref_slice %arg10[%add3A_4, %dma_wait3A] : memref<10240x64xf32, #tpu.memory_space<vmem_shared>> -> memref<128x64xf32, #tpu.memory_space<vmem_shared>>
      %dma_wait3A_51 = arith.constant 0 : i32
      %dma_wait3A_52 = tpu.memref_slice %arg10[%add3A_4, %dma_wait3A_51] : memref<10240x64xf32, #tpu.memory_space<vmem_shared>> -> memref<128x64xf32, #tpu.memory_space<vmem_shared>>
      tpu.wait_dma2 semaphore(%run_scoped3A : memref<!tpu.dma_semaphore, #tpu.memory_space<semaphore_mem>>) src(%arg9 : memref<128x64xf32, #tpu.memory_space<vmem>>) dst(%dma_wait3A_52 : memref<128x64xf32, #tpu.memory_space<vmem_shared>>)
      tpu.yield
    }) : () -> ()
    %mul3A_5 = arith.constant 640 : i32
    %mul3A_6 = arith.muli %arg1, %mul3A_5 : i32
    %add3A_7 = arith.constant 128 : i32
    %add3A_8 = arith.addi %mul3A_6, %add3A_7 : i32
    "tpu.region"() ({
      %run_scoped3A = tpu.sem_alloc : memref<!tpu.dma_semaphore, #tpu.memory_space<semaphore_mem>>
      %dma_start3A = arith.constant 0 : i32
      %dma_start3A_47 = tpu.memref_slice %arg10[%add3A_8, %dma_start3A] : memref<10240x64xf32, #tpu.memory_space<vmem_shared>> -> memref<128x64xf32, #tpu.memory_space<vmem_shared>>
      %dma_start3A_48 = arith.constant 0 : i32
      %dma_start3A_49 = tpu.memref_slice %arg10[%add3A_8, %dma_start3A_48] : memref<10240x64xf32, #tpu.memory_space<vmem_shared>> -> memref<128x64xf32, #tpu.memory_space<vmem_shared>>
      tpu.enqueue_dma source(%arg9 : memref<128x64xf32, #tpu.memory_space<vmem>>) target(%dma_start3A_49 : memref<128x64xf32, #tpu.memory_space<vmem_shared>>) target_semaphore(%run_scoped3A : memref<!tpu.dma_semaphore, #tpu.memory_space<semaphore_mem>>)
      %dma_wait3A = arith.constant 0 : i32
      %dma_wait3A_50 = tpu.memref_slice %arg10[%add3A_8, %dma_wait3A] : memref<10240x64xf32, #tpu.memory_space<vmem_shared>> -> memref<128x64xf32, #tpu.memory_space<vmem_shared>>
      %dma_wait3A_51 = arith.constant 0 : i32
      %dma_wait3A_52 = tpu.memref_slice %arg10[%add3A_8, %dma_wait3A_51] : memref<10240x64xf32, #tpu.memory_space<vmem_shared>> -> memref<128x64xf32, #tpu.memory_space<vmem_shared>>
      tpu.wait_dma2 semaphore(%run_scoped3A : memref<!tpu.dma_semaphore, #tpu.memory_space<semaphore_mem>>) src(%arg9 : memref<128x64xf32, #tpu.memory_space<vmem>>) dst(%dma_wait3A_52 : memref<128x64xf32, #tpu.memory_space<vmem_shared>>)
      tpu.yield
    }) : () -> ()
    %mul3A_9 = arith.constant 640 : i32
    %mul3A_10 = arith.muli %arg1, %mul3A_9 : i32
    %add3A_11 = arith.constant 256 : i32
    %add3A_12 = arith.addi %mul3A_10, %add3A_11 : i32
    "tpu.region"() ({
      %run_scoped3A = tpu.sem_alloc : memref<!tpu.dma_semaphore, #tpu.memory_space<semaphore_mem>>
      %dma_start3A = arith.constant 0 : i32
      %dma_start3A_47 = tpu.memref_slice %arg10[%add3A_12, %dma_start3A] : memref<10240x64xf32, #tpu.memory_space<vmem_shared>> -> memref<128x64xf32, #tpu.memory_space<vmem_shared>>
      %dma_start3A_48 = arith.constant 0 : i32
      %dma_start3A_49 = tpu.memref_slice %arg10[%add3A_12, %dma_start3A_48] : memref<10240x64xf32, #tpu.memory_space<vmem_shared>> -> memref<128x64xf32, #tpu.memory_space<vmem_shared>>
      tpu.enqueue_dma source(%arg9 : memref<128x64xf32, #tpu.memory_space<vmem>>) target(%dma_start3A_49 : memref<128x64xf32, #tpu.memory_space<vmem_shared>>) target_semaphore(%run_scoped3A : memref<!tpu.dma_semaphore, #tpu.memory_space<semaphore_mem>>)
      %dma_wait3A = arith.constant 0 : i32
      %dma_wait3A_50 = tpu.memref_slice %arg10[%add3A_12, %dma_wait3A] : memref<10240x64xf32, #tpu.memory_space<vmem_shared>> -> memref<128x64xf32, #tpu.memory_space<vmem_shared>>
      %dma_wait3A_51 = arith.constant 0 : i32
      %dma_wait3A_52 = tpu.memref_slice %arg10[%add3A_12, %dma_wait3A_51] : memref<10240x64xf32, #tpu.memory_space<vmem_shared>> -> memref<128x64xf32, #tpu.memory_space<vmem_shared>>
      tpu.wait_dma2 semaphore(%run_scoped3A : memref<!tpu.dma_semaphore, #tpu.memory_space<semaphore_mem>>) src(%arg9 : memref<128x64xf32, #tpu.memory_space<vmem>>) dst(%dma_wait3A_52 : memref<128x64xf32, #tpu.memory_space<vmem_shared>>)
      tpu.yield
    }) : () -> ()
    %mul3A_13 = arith.constant 640 : i32
    %mul3A_14 = arith.muli %arg1, %mul3A_13 : i32
    %add3A_15 = arith.constant 384 : i32
    %add3A_16 = arith.addi %mul3A_14, %add3A_15 : i32
    "tpu.region"() ({
      %run_scoped3A = tpu.sem_alloc : memref<!tpu.dma_semaphore, #tpu.memory_space<semaphore_mem>>
      %dma_start3A = arith.constant 0 : i32
      %dma_start3A_47 = tpu.memref_slice %arg10[%add3A_16, %dma_start3A] : memref<10240x64xf32, #tpu.memory_space<vmem_shared>> -> memref<128x64xf32, #tpu.memory_space<vmem_shared>>
      %dma_start3A_48 = arith.constant 0 : i32
      %dma_start3A_49 = tpu.memref_slice %arg10[%add3A_16, %dma_start3A_48] : memref<10240x64xf32, #tpu.memory_space<vmem_shared>> -> memref<128x64xf32, #tpu.memory_space<vmem_shared>>
      tpu.enqueue_dma source(%arg9 : memref<128x64xf32, #tpu.memory_space<vmem>>) target(%dma_start3A_49 : memref<128x64xf32, #tpu.memory_space<vmem_shared>>) target_semaphore(%run_scoped3A : memref<!tpu.dma_semaphore, #tpu.memory_space<semaphore_mem>>)
      %dma_wait3A = arith.constant 0 : i32
      %dma_wait3A_50 = tpu.memref_slice %arg10[%add3A_16, %dma_wait3A] : memref<10240x64xf32, #tpu.memory_space<vmem_shared>> -> memref<128x64xf32, #tpu.memory_space<vmem_shared>>
      %dma_wait3A_51 = arith.constant 0 : i32
      %dma_wait3A_52 = tpu.memref_slice %arg10[%add3A_16, %dma_wait3A_51] : memref<10240x64xf32, #tpu.memory_space<vmem_shared>> -> memref<128x64xf32, #tpu.memory_space<vmem_shared>>
      tpu.wait_dma2 semaphore(%run_scoped3A : memref<!tpu.dma_semaphore, #tpu.memory_space<semaphore_mem>>) src(%arg9 : memref<128x64xf32, #tpu.memory_space<vmem>>) dst(%dma_wait3A_52 : memref<128x64xf32, #tpu.memory_space<vmem_shared>>)
      tpu.yield
    }) : () -> ()
    %mul3A_17 = arith.constant 640 : i32
    %mul3A_18 = arith.muli %arg1, %mul3A_17 : i32
    %add3A_19 = arith.constant 512 : i32
    %add3A_20 = arith.addi %mul3A_18, %add3A_19 : i32
    "tpu.region"() ({
      %run_scoped3A = tpu.sem_alloc : memref<!tpu.dma_semaphore, #tpu.memory_space<semaphore_mem>>
      %dma_start3A = arith.constant 0 : i32
      %dma_start3A_47 = tpu.memref_slice %arg10[%add3A_20, %dma_start3A] : memref<10240x64xf32, #tpu.memory_space<vmem_shared>> -> memref<128x64xf32, #tpu.memory_space<vmem_shared>>
      %dma_start3A_48 = arith.constant 0 : i32
      %dma_start3A_49 = tpu.memref_slice %arg10[%add3A_20, %dma_start3A_48] : memref<10240x64xf32, #tpu.memory_space<vmem_shared>> -> memref<128x64xf32, #tpu.memory_space<vmem_shared>>
      tpu.enqueue_dma source(%arg9 : memref<128x64xf32, #tpu.memory_space<vmem>>) target(%dma_start3A_49 : memref<128x64xf32, #tpu.memory_space<vmem_shared>>) target_semaphore(%run_scoped3A : memref<!tpu.dma_semaphore, #tpu.memory_space<semaphore_mem>>)
      %dma_wait3A = arith.constant 0 : i32
      %dma_wait3A_50 = tpu.memref_slice %arg10[%add3A_20, %dma_wait3A] : memref<10240x64xf32, #tpu.memory_space<vmem_shared>> -> memref<128x64xf32, #tpu.memory_space<vmem_shared>>
      %dma_wait3A_51 = arith.constant 0 : i32
      %dma_wait3A_52 = tpu.memref_slice %arg10[%add3A_20, %dma_wait3A_51] : memref<10240x64xf32, #tpu.memory_space<vmem_shared>> -> memref<128x64xf32, #tpu.memory_space<vmem_shared>>
      tpu.wait_dma2 semaphore(%run_scoped3A : memref<!tpu.dma_semaphore, #tpu.memory_space<semaphore_mem>>) src(%arg9 : memref<128x64xf32, #tpu.memory_space<vmem>>) dst(%dma_wait3A_52 : memref<128x64xf32, #tpu.memory_space<vmem_shared>>)
      tpu.yield
    }) : () -> ()
    %barrier3A = arith.constant 0 : index
    tpu.barrier barrier_id(%barrier3A)
    %scan3A = arith.constant 0 : i32
    %scan3A_21 = arith.constant 0 : i32
    %scan3A_22 = arith.constant 79 : i32
    %scan3A_23 = arith.addi %scan3A_21, %scan3A_22 : i32
    %scan3A_24 = arith.constant 1 : i32
    scf.for %scan3A_47 = %scan3A_21 to %scan3A_23 step %scan3A_24  : i32 {
      %mul3A_48 = arith.constant 79 : i32
      %mul3A_49 = arith.muli %add3A, %mul3A_48 : i32
      %add3A_50 = arith.addi %mul3A_49, %scan3A_47 : i32
      "tpu.region"() ({
        %run_scoped3A = tpu.sem_alloc : memref<!tpu.dma_semaphore, #tpu.memory_space<semaphore_mem>>
        %dma_start3A_55 = arith.constant 0 : i32
        %dma_start3A_56 = tpu.memref_slice %arg3[%add3A_50, %dma_start3A_55] : memref<2528x128xi32, #tpu.memory_space<hbm>> -> memref<1x128xi32, #tpu.memory_space<hbm>>
        %dma_start3A_57 = tpu.memref_squeeze %dma_start3A_56 : memref<1x128xi32, #tpu.memory_space<hbm>> -> memref<128xi32, #tpu.memory_space<hbm>>
        %dma_start3A_58 = arith.constant 0 : i32
        %dma_start3A_59 = tpu.memref_slice %arg3[%add3A_50, %dma_start3A_58] : memref<2528x128xi32, #tpu.memory_space<hbm>> -> memref<1x128xi32, #tpu.memory_space<hbm>>
        %dma_start3A_60 = tpu.memref_squeeze %dma_start3A_59 : memref<1x128xi32, #tpu.memory_space<hbm>> -> memref<128xi32, #tpu.memory_space<hbm>>
        tpu.enqueue_dma source(%dma_start3A_60 : memref<128xi32, #tpu.memory_space<hbm>>) target(%arg7 : memref<128xi32, #tpu.memory_space<vmem>>) target_semaphore(%run_scoped3A : memref<!tpu.dma_semaphore, #tpu.memory_space<semaphore_mem>>)
        %dma_wait3A_61 = arith.constant 0 : i32
        %dma_wait3A_62 = tpu.memref_slice %arg3[%add3A_50, %dma_wait3A_61] : memref<2528x128xi32, #tpu.memory_space<hbm>> -> memref<1x128xi32, #tpu.memory_space<hbm>>
        %dma_wait3A_63 = tpu.memref_squeeze %dma_wait3A_62 : memref<1x128xi32, #tpu.memory_space<hbm>> -> memref<128xi32, #tpu.memory_space<hbm>>
        %dma_wait3A_64 = arith.constant 0 : i32
        %dma_wait3A_65 = tpu.memref_slice %arg3[%add3A_50, %dma_wait3A_64] : memref<2528x128xi32, #tpu.memory_space<hbm>> -> memref<1x128xi32, #tpu.memory_space<hbm>>
        %dma_wait3A_66 = tpu.memref_squeeze %dma_wait3A_65 : memref<1x128xi32, #tpu.memory_space<hbm>> -> memref<128xi32, #tpu.memory_space<hbm>>
        tpu.wait_dma2 semaphore(%run_scoped3A : memref<!tpu.dma_semaphore, #tpu.memory_space<semaphore_mem>>) src(%dma_wait3A_66 : memref<128xi32, #tpu.memory_space<hbm>>) dst(%arg7 : memref<128xi32, #tpu.memory_space<vmem>>)
        tpu.yield
      }) : () -> ()
      "tpu.region"() ({
        %run_scoped3A = tpu.sem_alloc : memref<!tpu.dma_semaphore, #tpu.memory_space<semaphore_mem>>
        %dma_start3A_55 = arith.constant 0 : i32
        %dma_start3A_56 = tpu.memref_slice %arg4[%add3A_50, %dma_start3A_55] : memref<2528x128xi32, #tpu.memory_space<hbm>> -> memref<1x128xi32, #tpu.memory_space<hbm>>
        %dma_start3A_57 = tpu.memref_squeeze %dma_start3A_56 : memref<1x128xi32, #tpu.memory_space<hbm>> -> memref<128xi32, #tpu.memory_space<hbm>>
        %dma_start3A_58 = arith.constant 0 : i32
        %dma_start3A_59 = tpu.memref_slice %arg4[%add3A_50, %dma_start3A_58] : memref<2528x128xi32, #tpu.memory_space<hbm>> -> memref<1x128xi32, #tpu.memory_space<hbm>>
        %dma_start3A_60 = tpu.memref_squeeze %dma_start3A_59 : memref<1x128xi32, #tpu.memory_space<hbm>> -> memref<128xi32, #tpu.memory_space<hbm>>
        tpu.enqueue_dma source(%dma_start3A_60 : memref<128xi32, #tpu.memory_space<hbm>>) target(%arg8 : memref<128xi32, #tpu.memory_space<vmem>>) target_semaphore(%run_scoped3A : memref<!tpu.dma_semaphore, #tpu.memory_space<semaphore_mem>>)
        %dma_wait3A_61 = arith.constant 0 : i32
        %dma_wait3A_62 = tpu.memref_slice %arg4[%add3A_50, %dma_wait3A_61] : memref<2528x128xi32, #tpu.memory_space<hbm>> -> memref<1x128xi32, #tpu.memory_space<hbm>>
        %dma_wait3A_63 = tpu.memref_squeeze %dma_wait3A_62 : memref<1x128xi32, #tpu.memory_space<hbm>> -> memref<128xi32, #tpu.memory_space<hbm>>
        %dma_wait3A_64 = arith.constant 0 : i32
        %dma_wait3A_65 = tpu.memref_slice %arg4[%add3A_50, %dma_wait3A_64] : memref<2528x128xi32, #tpu.memory_space<hbm>> -> memref<1x128xi32, #tpu.memory_space<hbm>>
        %dma_wait3A_66 = tpu.memref_squeeze %dma_wait3A_65 : memref<1x128xi32, #tpu.memory_space<hbm>> -> memref<128xi32, #tpu.memory_space<hbm>>
        tpu.wait_dma2 semaphore(%run_scoped3A : memref<!tpu.dma_semaphore, #tpu.memory_space<semaphore_mem>>) src(%dma_wait3A_66 : memref<128xi32, #tpu.memory_space<hbm>>) dst(%arg8 : memref<128xi32, #tpu.memory_space<vmem>>)
        tpu.yield
      }) : () -> ()
      %dma_start3A = arith.constant 0 : i32
      %dma_start3A_51 = arith.constant 0 : i32
      %dma_start3A_52 = tpu.memref_slice %arg2[%dma_start3A, %dma_start3A_51] : memref<10240x64xf32, #tpu.memory_space<hbm>> -> memref<10240x64xf32, #tpu.memory_space<hbm>>
      tpu.enqueue_indirect_dma source(%dma_start3A_52 : memref<10240x64xf32, #tpu.memory_space<hbm>>) target(%arg9 : memref<128x64xf32, #tpu.memory_space<vmem>>) offsets(%arg7 : memref<128xi32, #tpu.memory_space<vmem>>) semaphore(%arg11 : memref<!tpu.dma_semaphore, #tpu.memory_space<semaphore_mem>>)
      %dma_wait3A = arith.constant 0 : i32
      %dma_wait3A_53 = arith.constant 0 : i32
      %dma_wait3A_54 = tpu.memref_slice %arg2[%dma_wait3A, %dma_wait3A_53] : memref<10240x64xf32, #tpu.memory_space<hbm>> -> memref<10240x64xf32, #tpu.memory_space<hbm>>
      tpu.wait_indirect_dma semaphore(%arg11 : memref<!tpu.dma_semaphore, #tpu.memory_space<semaphore_mem>>) src(%dma_wait3A_54 : memref<10240x64xf32, #tpu.memory_space<hbm>>) dst(%arg9 : memref<128x64xf32, #tpu.memory_space<vmem>>)
      "tpu.region"() ({
        %run_scoped3A = tpu.sem_alloc : memref<!tpu.dma_semaphore, #tpu.memory_space<semaphore_mem>>
        %dma_start3A_55 = arith.constant 0 : i32
        %dma_start3A_56 = arith.constant 0 : i32
        %dma_start3A_57 = tpu.memref_slice %arg10[%dma_start3A_55, %dma_start3A_56] : memref<10240x64xf32, #tpu.memory_space<vmem_shared>> -> memref<10240x64xf32, #tpu.memory_space<vmem_shared>>
        tpu.enqueue_indirect_dma source(%arg9 : memref<128x64xf32, #tpu.memory_space<vmem>>) target(%dma_start3A_57 : memref<10240x64xf32, #tpu.memory_space<vmem_shared>>) offsets(%arg8 : memref<128xi32, #tpu.memory_space<vmem>>) semaphore(%run_scoped3A : memref<!tpu.dma_semaphore, #tpu.memory_space<semaphore_mem>>) {add = true}
        %dma_wait3A_58 = arith.constant 0 : i32
        %dma_wait3A_59 = arith.constant 0 : i32
        %dma_wait3A_60 = tpu.memref_slice %arg10[%dma_wait3A_58, %dma_wait3A_59] : memref<10240x64xf32, #tpu.memory_space<vmem_shared>> -> memref<10240x64xf32, #tpu.memory_space<vmem_shared>>
        tpu.wait_indirect_dma semaphore(%run_scoped3A : memref<!tpu.dma_semaphore, #tpu.memory_space<semaphore_mem>>) src(%arg9 : memref<128x64xf32, #tpu.memory_space<vmem>>) dst(%dma_wait3A_60 : memref<10240x64xf32, #tpu.memory_space<vmem_shared>>)
        tpu.yield
      }) : () -> ()
    }
    %scan3A_25 = arith.constant 79 : i32
    %barrier3A_26 = arith.constant 0 : index
    tpu.barrier barrier_id(%barrier3A_26)
    %mul3A_27 = arith.constant 640 : i32
    %mul3A_28 = arith.muli %arg1, %mul3A_27 : i32
    %add3A_29 = arith.constant 0 : i32
    %add3A_30 = arith.addi %mul3A_28, %add3A_29 : i32
    "tpu.region"() ({
      %run_scoped3A = tpu.sem_alloc : memref<!tpu.dma_semaphore, #tpu.memory_space<semaphore_mem>>
      %dma_start3A = arith.constant 0 : i32
      %dma_start3A_47 = tpu.memref_slice %arg10[%add3A_30, %dma_start3A] : memref<10240x64xf32, #tpu.memory_space<vmem_shared>> -> memref<128x64xf32, #tpu.memory_space<vmem_shared>>
      %dma_start3A_48 = arith.constant 0 : i32
      %dma_start3A_49 = tpu.memref_slice %arg10[%add3A_30, %dma_start3A_48] : memref<10240x64xf32, #tpu.memory_space<vmem_shared>> -> memref<128x64xf32, #tpu.memory_space<vmem_shared>>
      tpu.enqueue_dma source(%dma_start3A_49 : memref<128x64xf32, #tpu.memory_space<vmem_shared>>) target(%arg9 : memref<128x64xf32, #tpu.memory_space<vmem>>) target_semaphore(%run_scoped3A : memref<!tpu.dma_semaphore, #tpu.memory_space<semaphore_mem>>)
      %dma_wait3A = arith.constant 0 : i32
      %dma_wait3A_50 = tpu.memref_slice %arg10[%add3A_30, %dma_wait3A] : memref<10240x64xf32, #tpu.memory_space<vmem_shared>> -> memref<128x64xf32, #tpu.memory_space<vmem_shared>>
      %dma_wait3A_51 = arith.constant 0 : i32
      %dma_wait3A_52 = tpu.memref_slice %arg10[%add3A_30, %dma_wait3A_51] : memref<10240x64xf32, #tpu.memory_space<vmem_shared>> -> memref<128x64xf32, #tpu.memory_space<vmem_shared>>
      tpu.wait_dma2 semaphore(%run_scoped3A : memref<!tpu.dma_semaphore, #tpu.memory_space<semaphore_mem>>) src(%dma_wait3A_52 : memref<128x64xf32, #tpu.memory_space<vmem_shared>>) dst(%arg9 : memref<128x64xf32, #tpu.memory_space<vmem>>)
      tpu.yield
    }) : () -> ()
    "tpu.region"() ({
      %run_scoped3A = tpu.sem_alloc : memref<!tpu.dma_semaphore, #tpu.memory_space<semaphore_mem>>
      %dma_start3A = arith.constant 0 : i32
      %dma_start3A_47 = tpu.memref_slice %arg6[%arg0, %add3A_30, %dma_start3A] : memref<2x10240x64xf32, #tpu.memory_space<hbm>> -> memref<1x128x64xf32, #tpu.memory_space<hbm>>
      %dma_start3A_48 = tpu.memref_squeeze %dma_start3A_47 : memref<1x128x64xf32, #tpu.memory_space<hbm>> -> memref<128x64xf32, #tpu.memory_space<hbm>>
      %dma_start3A_49 = arith.constant 0 : i32
      %dma_start3A_50 = tpu.memref_slice %arg6[%arg0, %add3A_30, %dma_start3A_49] : memref<2x10240x64xf32, #tpu.memory_space<hbm>> -> memref<1x128x64xf32, #tpu.memory_space<hbm>>
      %dma_start3A_51 = tpu.memref_squeeze %dma_start3A_50 : memref<1x128x64xf32, #tpu.memory_space<hbm>> -> memref<128x64xf32, #tpu.memory_space<hbm>>
      tpu.enqueue_dma source(%arg9 : memref<128x64xf32, #tpu.memory_space<vmem>>) target(%dma_start3A_51 : memref<128x64xf32, #tpu.memory_space<hbm>>) target_semaphore(%run_scoped3A : memref<!tpu.dma_semaphore, #tpu.memory_space<semaphore_mem>>)
      %dma_wait3A = arith.constant 0 : i32
      %dma_wait3A_52 = tpu.memref_slice %arg6[%arg0, %add3A_30, %dma_wait3A] : memref<2x10240x64xf32, #tpu.memory_space<hbm>> -> memref<1x128x64xf32, #tpu.memory_space<hbm>>
      %dma_wait3A_53 = tpu.memref_squeeze %dma_wait3A_52 : memref<1x128x64xf32, #tpu.memory_space<hbm>> -> memref<128x64xf32, #tpu.memory_space<hbm>>
      %dma_wait3A_54 = arith.constant 0 : i32
      %dma_wait3A_55 = tpu.memref_slice %arg6[%arg0, %add3A_30, %dma_wait3A_54] : memref<2x10240x64xf32, #tpu.memory_space<hbm>> -> memref<1x128x64xf32, #tpu.memory_space<hbm>>
      %dma_wait3A_56 = tpu.memref_squeeze %dma_wait3A_55 : memref<1x128x64xf32, #tpu.memory_space<hbm>> -> memref<128x64xf32, #tpu.memory_space<hbm>>
      tpu.wait_dma2 semaphore(%run_scoped3A : memref<!tpu.dma_semaphore, #tpu.memory_space<semaphore_mem>>) src(%arg9 : memref<128x64xf32, #tpu.memory_space<vmem>>) dst(%dma_wait3A_56 : memref<128x64xf32, #tpu.memory_space<hbm>>)
      tpu.yield
    }) : () -> ()
    %mul3A_31 = arith.constant 640 : i32
    %mul3A_32 = arith.muli %arg1, %mul3A_31 : i32
    %add3A_33 = arith.constant 128 : i32
    %add3A_34 = arith.addi %mul3A_32, %add3A_33 : i32
    "tpu.region"() ({
      %run_scoped3A = tpu.sem_alloc : memref<!tpu.dma_semaphore, #tpu.memory_space<semaphore_mem>>
      %dma_start3A = arith.constant 0 : i32
      %dma_start3A_47 = tpu.memref_slice %arg10[%add3A_34, %dma_start3A] : memref<10240x64xf32, #tpu.memory_space<vmem_shared>> -> memref<128x64xf32, #tpu.memory_space<vmem_shared>>
      %dma_start3A_48 = arith.constant 0 : i32
      %dma_start3A_49 = tpu.memref_slice %arg10[%add3A_34, %dma_start3A_48] : memref<10240x64xf32, #tpu.memory_space<vmem_shared>> -> memref<128x64xf32, #tpu.memory_space<vmem_shared>>
      tpu.enqueue_dma source(%dma_start3A_49 : memref<128x64xf32, #tpu.memory_space<vmem_shared>>) target(%arg9 : memref<128x64xf32, #tpu.memory_space<vmem>>) target_semaphore(%run_scoped3A : memref<!tpu.dma_semaphore, #tpu.memory_space<semaphore_mem>>)
      %dma_wait3A = arith.constant 0 : i32
      %dma_wait3A_50 = tpu.memref_slice %arg10[%add3A_34, %dma_wait3A] : memref<10240x64xf32, #tpu.memory_space<vmem_shared>> -> memref<128x64xf32, #tpu.memory_space<vmem_shared>>
      %dma_wait3A_51 = arith.constant 0 : i32
      %dma_wait3A_52 = tpu.memref_slice %arg10[%add3A_34, %dma_wait3A_51] : memref<10240x64xf32, #tpu.memory_space<vmem_shared>> -> memref<128x64xf32, #tpu.memory_space<vmem_shared>>
      tpu.wait_dma2 semaphore(%run_scoped3A : memref<!tpu.dma_semaphore, #tpu.memory_space<semaphore_mem>>) src(%dma_wait3A_52 : memref<128x64xf32, #tpu.memory_space<vmem_shared>>) dst(%arg9 : memref<128x64xf32, #tpu.memory_space<vmem>>)
      tpu.yield
    }) : () -> ()
    "tpu.region"() ({
      %run_scoped3A = tpu.sem_alloc : memref<!tpu.dma_semaphore, #tpu.memory_space<semaphore_mem>>
      %dma_start3A = arith.constant 0 : i32
      %dma_start3A_47 = tpu.memref_slice %arg6[%arg0, %add3A_34, %dma_start3A] : memref<2x10240x64xf32, #tpu.memory_space<hbm>> -> memref<1x128x64xf32, #tpu.memory_space<hbm>>
      %dma_start3A_48 = tpu.memref_squeeze %dma_start3A_47 : memref<1x128x64xf32, #tpu.memory_space<hbm>> -> memref<128x64xf32, #tpu.memory_space<hbm>>
      %dma_start3A_49 = arith.constant 0 : i32
      %dma_start3A_50 = tpu.memref_slice %arg6[%arg0, %add3A_34, %dma_start3A_49] : memref<2x10240x64xf32, #tpu.memory_space<hbm>> -> memref<1x128x64xf32, #tpu.memory_space<hbm>>
      %dma_start3A_51 = tpu.memref_squeeze %dma_start3A_50 : memref<1x128x64xf32, #tpu.memory_space<hbm>> -> memref<128x64xf32, #tpu.memory_space<hbm>>
      tpu.enqueue_dma source(%arg9 : memref<128x64xf32, #tpu.memory_space<vmem>>) target(%dma_start3A_51 : memref<128x64xf32, #tpu.memory_space<hbm>>) target_semaphore(%run_scoped3A : memref<!tpu.dma_semaphore, #tpu.memory_space<semaphore_mem>>)
      %dma_wait3A = arith.constant 0 : i32
      %dma_wait3A_52 = tpu.memref_slice %arg6[%arg0, %add3A_34, %dma_wait3A] : memref<2x10240x64xf32, #tpu.memory_space<hbm>> -> memref<1x128x64xf32, #tpu.memory_space<hbm>>
      %dma_wait3A_53 = tpu.memref_squeeze %dma_wait3A_52 : memref<1x128x64xf32, #tpu.memory_space<hbm>> -> memref<128x64xf32, #tpu.memory_space<hbm>>
      %dma_wait3A_54 = arith.constant 0 : i32
      %dma_wait3A_55 = tpu.memref_slice %arg6[%arg0, %add3A_34, %dma_wait3A_54] : memref<2x10240x64xf32, #tpu.memory_space<hbm>> -> memref<1x128x64xf32, #tpu.memory_space<hbm>>
      %dma_wait3A_56 = tpu.memref_squeeze %dma_wait3A_55 : memref<1x128x64xf32, #tpu.memory_space<hbm>> -> memref<128x64xf32, #tpu.memory_space<hbm>>
      tpu.wait_dma2 semaphore(%run_scoped3A : memref<!tpu.dma_semaphore, #tpu.memory_space<semaphore_mem>>) src(%arg9 : memref<128x64xf32, #tpu.memory_space<vmem>>) dst(%dma_wait3A_56 : memref<128x64xf32, #tpu.memory_space<hbm>>)
      tpu.yield
    }) : () -> ()
    %mul3A_35 = arith.constant 640 : i32
    %mul3A_36 = arith.muli %arg1, %mul3A_35 : i32
    %add3A_37 = arith.constant 256 : i32
    %add3A_38 = arith.addi %mul3A_36, %add3A_37 : i32
    "tpu.region"() ({
      %run_scoped3A = tpu.sem_alloc : memref<!tpu.dma_semaphore, #tpu.memory_space<semaphore_mem>>
      %dma_start3A = arith.constant 0 : i32
      %dma_start3A_47 = tpu.memref_slice %arg10[%add3A_38, %dma_start3A] : memref<10240x64xf32, #tpu.memory_space<vmem_shared>> -> memref<128x64xf32, #tpu.memory_space<vmem_shared>>
      %dma_start3A_48 = arith.constant 0 : i32
      %dma_start3A_49 = tpu.memref_slice %arg10[%add3A_38, %dma_start3A_48] : memref<10240x64xf32, #tpu.memory_space<vmem_shared>> -> memref<128x64xf32, #tpu.memory_space<vmem_shared>>
      tpu.enqueue_dma source(%dma_start3A_49 : memref<128x64xf32, #tpu.memory_space<vmem_shared>>) target(%arg9 : memref<128x64xf32, #tpu.memory_space<vmem>>) target_semaphore(%run_scoped3A : memref<!tpu.dma_semaphore, #tpu.memory_space<semaphore_mem>>)
      %dma_wait3A = arith.constant 0 : i32
      %dma_wait3A_50 = tpu.memref_slice %arg10[%add3A_38, %dma_wait3A] : memref<10240x64xf32, #tpu.memory_space<vmem_shared>> -> memref<128x64xf32, #tpu.memory_space<vmem_shared>>
      %dma_wait3A_51 = arith.constant 0 : i32
      %dma_wait3A_52 = tpu.memref_slice %arg10[%add3A_38, %dma_wait3A_51] : memref<10240x64xf32, #tpu.memory_space<vmem_shared>> -> memref<128x64xf32, #tpu.memory_space<vmem_shared>>
      tpu.wait_dma2 semaphore(%run_scoped3A : memref<!tpu.dma_semaphore, #tpu.memory_space<semaphore_mem>>) src(%dma_wait3A_52 : memref<128x64xf32, #tpu.memory_space<vmem_shared>>) dst(%arg9 : memref<128x64xf32, #tpu.memory_space<vmem>>)
      tpu.yield
    }) : () -> ()
    "tpu.region"() ({
      %run_scoped3A = tpu.sem_alloc : memref<!tpu.dma_semaphore, #tpu.memory_space<semaphore_mem>>
      %dma_start3A = arith.constant 0 : i32
      %dma_start3A_47 = tpu.memref_slice %arg6[%arg0, %add3A_38, %dma_start3A] : memref<2x10240x64xf32, #tpu.memory_space<hbm>> -> memref<1x128x64xf32, #tpu.memory_space<hbm>>
      %dma_start3A_48 = tpu.memref_squeeze %dma_start3A_47 : memref<1x128x64xf32, #tpu.memory_space<hbm>> -> memref<128x64xf32, #tpu.memory_space<hbm>>
      %dma_start3A_49 = arith.constant 0 : i32
      %dma_start3A_50 = tpu.memref_slice %arg6[%arg0, %add3A_38, %dma_start3A_49] : memref<2x10240x64xf32, #tpu.memory_space<hbm>> -> memref<1x128x64xf32, #tpu.memory_space<hbm>>
      %dma_start3A_51 = tpu.memref_squeeze %dma_start3A_50 : memref<1x128x64xf32, #tpu.memory_space<hbm>> -> memref<128x64xf32, #tpu.memory_space<hbm>>
      tpu.enqueue_dma source(%arg9 : memref<128x64xf32, #tpu.memory_space<vmem>>) target(%dma_start3A_51 : memref<128x64xf32, #tpu.memory_space<hbm>>) target_semaphore(%run_scoped3A : memref<!tpu.dma_semaphore, #tpu.memory_space<semaphore_mem>>)
      %dma_wait3A = arith.constant 0 : i32
      %dma_wait3A_52 = tpu.memref_slice %arg6[%arg0, %add3A_38, %dma_wait3A] : memref<2x10240x64xf32, #tpu.memory_space<hbm>> -> memref<1x128x64xf32, #tpu.memory_space<hbm>>
      %dma_wait3A_53 = tpu.memref_squeeze %dma_wait3A_52 : memref<1x128x64xf32, #tpu.memory_space<hbm>> -> memref<128x64xf32, #tpu.memory_space<hbm>>
      %dma_wait3A_54 = arith.constant 0 : i32
      %dma_wait3A_55 = tpu.memref_slice %arg6[%arg0, %add3A_38, %dma_wait3A_54] : memref<2x10240x64xf32, #tpu.memory_space<hbm>> -> memref<1x128x64xf32, #tpu.memory_space<hbm>>
      %dma_wait3A_56 = tpu.memref_squeeze %dma_wait3A_55 : memref<1x128x64xf32, #tpu.memory_space<hbm>> -> memref<128x64xf32, #tpu.memory_space<hbm>>
      tpu.wait_dma2 semaphore(%run_scoped3A : memref<!tpu.dma_semaphore, #tpu.memory_space<semaphore_mem>>) src(%arg9 : memref<128x64xf32, #tpu.memory_space<vmem>>) dst(%dma_wait3A_56 : memref<128x64xf32, #tpu.memory_space<hbm>>)
      tpu.yield
    }) : () -> ()
    %mul3A_39 = arith.constant 640 : i32
    %mul3A_40 = arith.muli %arg1, %mul3A_39 : i32
    %add3A_41 = arith.constant 384 : i32
    %add3A_42 = arith.addi %mul3A_40, %add3A_41 : i32
    "tpu.region"() ({
      %run_scoped3A = tpu.sem_alloc : memref<!tpu.dma_semaphore, #tpu.memory_space<semaphore_mem>>
      %dma_start3A = arith.constant 0 : i32
      %dma_start3A_47 = tpu.memref_slice %arg10[%add3A_42, %dma_start3A] : memref<10240x64xf32, #tpu.memory_space<vmem_shared>> -> memref<128x64xf32, #tpu.memory_space<vmem_shared>>
      %dma_start3A_48 = arith.constant 0 : i32
      %dma_start3A_49 = tpu.memref_slice %arg10[%add3A_42, %dma_start3A_48] : memref<10240x64xf32, #tpu.memory_space<vmem_shared>> -> memref<128x64xf32, #tpu.memory_space<vmem_shared>>
      tpu.enqueue_dma source(%dma_start3A_49 : memref<128x64xf32, #tpu.memory_space<vmem_shared>>) target(%arg9 : memref<128x64xf32, #tpu.memory_space<vmem>>) target_semaphore(%run_scoped3A : memref<!tpu.dma_semaphore, #tpu.memory_space<semaphore_mem>>)
      %dma_wait3A = arith.constant 0 : i32
      %dma_wait3A_50 = tpu.memref_slice %arg10[%add3A_42, %dma_wait3A] : memref<10240x64xf32, #tpu.memory_space<vmem_shared>> -> memref<128x64xf32, #tpu.memory_space<vmem_shared>>
      %dma_wait3A_51 = arith.constant 0 : i32
      %dma_wait3A_52 = tpu.memref_slice %arg10[%add3A_42, %dma_wait3A_51] : memref<10240x64xf32, #tpu.memory_space<vmem_shared>> -> memref<128x64xf32, #tpu.memory_space<vmem_shared>>
      tpu.wait_dma2 semaphore(%run_scoped3A : memref<!tpu.dma_semaphore, #tpu.memory_space<semaphore_mem>>) src(%dma_wait3A_52 : memref<128x64xf32, #tpu.memory_space<vmem_shared>>) dst(%arg9 : memref<128x64xf32, #tpu.memory_space<vmem>>)
      tpu.yield
    }) : () -> ()
    "tpu.region"() ({
      %run_scoped3A = tpu.sem_alloc : memref<!tpu.dma_semaphore, #tpu.memory_space<semaphore_mem>>
      %dma_start3A = arith.constant 0 : i32
      %dma_start3A_47 = tpu.memref_slice %arg6[%arg0, %add3A_42, %dma_start3A] : memref<2x10240x64xf32, #tpu.memory_space<hbm>> -> memref<1x128x64xf32, #tpu.memory_space<hbm>>
      %dma_start3A_48 = tpu.memref_squeeze %dma_start3A_47 : memref<1x128x64xf32, #tpu.memory_space<hbm>> -> memref<128x64xf32, #tpu.memory_space<hbm>>
      %dma_start3A_49 = arith.constant 0 : i32
      %dma_start3A_50 = tpu.memref_slice %arg6[%arg0, %add3A_42, %dma_start3A_49] : memref<2x10240x64xf32, #tpu.memory_space<hbm>> -> memref<1x128x64xf32, #tpu.memory_space<hbm>>
      %dma_start3A_51 = tpu.memref_squeeze %dma_start3A_50 : memref<1x128x64xf32, #tpu.memory_space<hbm>> -> memref<128x64xf32, #tpu.memory_space<hbm>>
      tpu.enqueue_dma source(%arg9 : memref<128x64xf32, #tpu.memory_space<vmem>>) target(%dma_start3A_51 : memref<128x64xf32, #tpu.memory_space<hbm>>) target_semaphore(%run_scoped3A : memref<!tpu.dma_semaphore, #tpu.memory_space<semaphore_mem>>)
      %dma_wait3A = arith.constant 0 : i32
      %dma_wait3A_52 = tpu.memref_slice %arg6[%arg0, %add3A_42, %dma_wait3A] : memref<2x10240x64xf32, #tpu.memory_space<hbm>> -> memref<1x128x64xf32, #tpu.memory_space<hbm>>
      %dma_wait3A_53 = tpu.memref_squeeze %dma_wait3A_52 : memref<1x128x64xf32, #tpu.memory_space<hbm>> -> memref<128x64xf32, #tpu.memory_space<hbm>>
      %dma_wait3A_54 = arith.constant 0 : i32
      %dma_wait3A_55 = tpu.memref_slice %arg6[%arg0, %add3A_42, %dma_wait3A_54] : memref<2x10240x64xf32, #tpu.memory_space<hbm>> -> memref<1x128x64xf32, #tpu.memory_space<hbm>>
      %dma_wait3A_56 = tpu.memref_squeeze %dma_wait3A_55 : memref<1x128x64xf32, #tpu.memory_space<hbm>> -> memref<128x64xf32, #tpu.memory_space<hbm>>
      tpu.wait_dma2 semaphore(%run_scoped3A : memref<!tpu.dma_semaphore, #tpu.memory_space<semaphore_mem>>) src(%arg9 : memref<128x64xf32, #tpu.memory_space<vmem>>) dst(%dma_wait3A_56 : memref<128x64xf32, #tpu.memory_space<hbm>>)
      tpu.yield
    }) : () -> ()
    %mul3A_43 = arith.constant 640 : i32
    %mul3A_44 = arith.muli %arg1, %mul3A_43 : i32
    %add3A_45 = arith.constant 512 : i32
    %add3A_46 = arith.addi %mul3A_44, %add3A_45 : i32
    "tpu.region"() ({
      %run_scoped3A = tpu.sem_alloc : memref<!tpu.dma_semaphore, #tpu.memory_space<semaphore_mem>>
      %dma_start3A = arith.constant 0 : i32
      %dma_start3A_47 = tpu.memref_slice %arg10[%add3A_46, %dma_start3A] : memref<10240x64xf32, #tpu.memory_space<vmem_shared>> -> memref<128x64xf32, #tpu.memory_space<vmem_shared>>
      %dma_start3A_48 = arith.constant 0 : i32
      %dma_start3A_49 = tpu.memref_slice %arg10[%add3A_46, %dma_start3A_48] : memref<10240x64xf32, #tpu.memory_space<vmem_shared>> -> memref<128x64xf32, #tpu.memory_space<vmem_shared>>
      tpu.enqueue_dma source(%dma_start3A_49 : memref<128x64xf32, #tpu.memory_space<vmem_shared>>) target(%arg9 : memref<128x64xf32, #tpu.memory_space<vmem>>) target_semaphore(%run_scoped3A : memref<!tpu.dma_semaphore, #tpu.memory_space<semaphore_mem>>)
      %dma_wait3A = arith.constant 0 : i32
      %dma_wait3A_50 = tpu.memref_slice %arg10[%add3A_46, %dma_wait3A] : memref<10240x64xf32, #tpu.memory_space<vmem_shared>> -> memref<128x64xf32, #tpu.memory_space<vmem_shared>>
      %dma_wait3A_51 = arith.constant 0 : i32
      %dma_wait3A_52 = tpu.memref_slice %arg10[%add3A_46, %dma_wait3A_51] : memref<10240x64xf32, #tpu.memory_space<vmem_shared>> -> memref<128x64xf32, #tpu.memory_space<vmem_shared>>
      tpu.wait_dma2 semaphore(%run_scoped3A : memref<!tpu.dma_semaphore, #tpu.memory_space<semaphore_mem>>) src(%dma_wait3A_52 : memref<128x64xf32, #tpu.memory_space<vmem_shared>>) dst(%arg9 : memref<128x64xf32, #tpu.memory_space<vmem>>)
      tpu.yield
    }) : () -> ()
    "tpu.region"() ({
      %run_scoped3A = tpu.sem_alloc : memref<!tpu.dma_semaphore, #tpu.memory_space<semaphore_mem>>
      %dma_start3A = arith.constant 0 : i32
      %dma_start3A_47 = tpu.memref_slice %arg6[%arg0, %add3A_46, %dma_start3A] : memref<2x10240x64xf32, #tpu.memory_space<hbm>> -> memref<1x128x64xf32, #tpu.memory_space<hbm>>
      %dma_start3A_48 = tpu.memref_squeeze %dma_start3A_47 : memref<1x128x64xf32, #tpu.memory_space<hbm>> -> memref<128x64xf32, #tpu.memory_space<hbm>>
      %dma_start3A_49 = arith.constant 0 : i32
      %dma_start3A_50 = tpu.memref_slice %arg6[%arg0, %add3A_46, %dma_start3A_49] : memref<2x10240x64xf32, #tpu.memory_space<hbm>> -> memref<1x128x64xf32, #tpu.memory_space<hbm>>
      %dma_start3A_51 = tpu.memref_squeeze %dma_start3A_50 : memref<1x128x64xf32, #tpu.memory_space<hbm>> -> memref<128x64xf32, #tpu.memory_space<hbm>>
      tpu.enqueue_dma source(%arg9 : memref<128x64xf32, #tpu.memory_space<vmem>>) target(%dma_start3A_51 : memref<128x64xf32, #tpu.memory_space<hbm>>) target_semaphore(%run_scoped3A : memref<!tpu.dma_semaphore, #tpu.memory_space<semaphore_mem>>)
      %dma_wait3A = arith.constant 0 : i32
      %dma_wait3A_52 = tpu.memref_slice %arg6[%arg0, %add3A_46, %dma_wait3A] : memref<2x10240x64xf32, #tpu.memory_space<hbm>> -> memref<1x128x64xf32, #tpu.memory_space<hbm>>
      %dma_wait3A_53 = tpu.memref_squeeze %dma_wait3A_52 : memref<1x128x64xf32, #tpu.memory_space<hbm>> -> memref<128x64xf32, #tpu.memory_space<hbm>>
      %dma_wait3A_54 = arith.constant 0 : i32
      %dma_wait3A_55 = tpu.memref_slice %arg6[%arg0, %add3A_46, %dma_wait3A_54] : memref<2x10240x64xf32, #tpu.memory_space<hbm>> -> memref<1x128x64xf32, #tpu.memory_space<hbm>>
      %dma_wait3A_56 = tpu.memref_squeeze %dma_wait3A_55 : memref<1x128x64xf32, #tpu.memory_space<hbm>> -> memref<128x64xf32, #tpu.memory_space<hbm>>
      tpu.wait_dma2 semaphore(%run_scoped3A : memref<!tpu.dma_semaphore, #tpu.memory_space<semaphore_mem>>) src(%arg9 : memref<128x64xf32, #tpu.memory_space<vmem>>) dst(%dma_wait3A_56 : memref<128x64xf32, #tpu.memory_space<hbm>>)
      tpu.yield
    }) : () -> ()
    return
  }
}

#map = affine_map<(d0, d1) -> (0, 0)>
#map1 = affine_map<(d0, d1) -> (0, 0, 0)>
module attributes {stable_mosaic.version = 14 : i64} {
  func.func @_sc_scatter(%arg0: i32, %arg1: i32, %arg2: memref<10240x64xf32, #tpu.memory_space<hbm>>, %arg3: memref<2528x128xi32, #tpu.memory_space<hbm>>, %arg4: memref<2528x128xi32, #tpu.memory_space<hbm>>, %arg5: memref<128x64xf32, #tpu.memory_space<hbm>>, %arg6: memref<2x10240x64xf32, #tpu.memory_space<hbm>>, %arg7: memref<128xi32, #tpu.memory_space<vmem>>, %arg8: memref<128xi32, #tpu.memory_space<vmem>>, %arg9: memref<128x64xf32, #tpu.memory_space<vmem>>, %arg10: memref<10240x64xf32, #tpu.memory_space<vmem_shared>>, %arg11: memref<!tpu.dma_semaphore, #tpu.memory_space<semaphore_mem>>) attributes {dimension_semantics = [#tpu.dimension_semantics<core_parallel>, #tpu.dimension_semantics<subcore_parallel>], iteration_bounds = array<i64: 2, 16>, scalar_prefetch = 0 : i64, scratch_operands = 5 : i64, tpu.core_type = #tpu.core_type<sc_vector_subcore>, window_params = [{transform_indices = #map}, {transform_indices = #map}, {transform_indices = #map}, {transform_indices = #map}, {transform_indices = #map1}]} {
    %mul3A = arith.constant 2 : i32
    %mul3A_0 = arith.muli %arg1, %mul3A : i32
    %add3A = arith.addi %mul3A_0, %arg0 : i32
    "tpu.region"() ({
      %run_scoped3A = tpu.sem_alloc : memref<!tpu.dma_semaphore, #tpu.memory_space<semaphore_mem>>
      tpu.enqueue_dma source(%arg5 : memref<128x64xf32, #tpu.memory_space<hbm>>) target(%arg9 : memref<128x64xf32, #tpu.memory_space<vmem>>) target_semaphore(%run_scoped3A : memref<!tpu.dma_semaphore, #tpu.memory_space<semaphore_mem>>)
      tpu.wait_dma2 semaphore(%run_scoped3A : memref<!tpu.dma_semaphore, #tpu.memory_space<semaphore_mem>>) src(%arg5 : memref<128x64xf32, #tpu.memory_space<hbm>>) dst(%arg9 : memref<128x64xf32, #tpu.memory_space<vmem>>)
      tpu.yield
    }) : () -> ()
    %mul3A_1 = arith.constant 640 : i32
    %mul3A_2 = arith.muli %arg1, %mul3A_1 : i32
    %add3A_3 = arith.constant 0 : i32
    %add3A_4 = arith.addi %mul3A_2, %add3A_3 : i32
    "tpu.region"() ({
      %run_scoped3A = tpu.sem_alloc : memref<!tpu.dma_semaphore, #tpu.memory_space<semaphore_mem>>
      %dma_start3A = arith.constant 0 : i32
      %dma_start3A_47 = tpu.memref_slice %arg10[%add3A_4, %dma_start3A] : memref<10240x64xf32, #tpu.memory_space<vmem_shared>> -> memref<128x64xf32, #tpu.memory_space<vmem_shared>>
      %dma_start3A_48 = arith.constant 0 : i32
      %dma_start3A_49 = tpu.memref_slice %arg10[%add3A_4, %dma_start3A_48] : memref<10240x64xf32, #tpu.memory_space<vmem_shared>> -> memref<128x64xf32, #tpu.memory_space<vmem_shared>>
      tpu.enqueue_dma source(%arg9 : memref<128x64xf32, #tpu.memory_space<vmem>>) target(%dma_start3A_49 : memref<128x64xf32, #tpu.memory_space<vmem_shared>>) target_semaphore(%run_scoped3A : memref<!tpu.dma_semaphore, #tpu.memory_space<semaphore_mem>>)
      %dma_wait3A = arith.constant 0 : i32
      %dma_wait3A_50 = tpu.memref_slice %arg10[%add3A_4, %dma_wait3A] : memref<10240x64xf32, #tpu.memory_space<vmem_shared>> -> memref<128x64xf32, #tpu.memory_space<vmem_shared>>
      %dma_wait3A_51 = arith.constant 0 : i32
      %dma_wait3A_52 = tpu.memref_slice %arg10[%add3A_4, %dma_wait3A_51] : memref<10240x64xf32, #tpu.memory_space<vmem_shared>> -> memref<128x64xf32, #tpu.memory_space<vmem_shared>>
      tpu.wait_dma2 semaphore(%run_scoped3A : memref<!tpu.dma_semaphore, #tpu.memory_space<semaphore_mem>>) src(%arg9 : memref<128x64xf32, #tpu.memory_space<vmem>>) dst(%dma_wait3A_52 : memref<128x64xf32, #tpu.memory_space<vmem_shared>>)
      tpu.yield
    }) : () -> ()
    %mul3A_5 = arith.constant 640 : i32
    %mul3A_6 = arith.muli %arg1, %mul3A_5 : i32
    %add3A_7 = arith.constant 128 : i32
    %add3A_8 = arith.addi %mul3A_6, %add3A_7 : i32
    "tpu.region"() ({
      %run_scoped3A = tpu.sem_alloc : memref<!tpu.dma_semaphore, #tpu.memory_space<semaphore_mem>>
      %dma_start3A = arith.constant 0 : i32
      %dma_start3A_47 = tpu.memref_slice %arg10[%add3A_8, %dma_start3A] : memref<10240x64xf32, #tpu.memory_space<vmem_shared>> -> memref<128x64xf32, #tpu.memory_space<vmem_shared>>
      %dma_start3A_48 = arith.constant 0 : i32
      %dma_start3A_49 = tpu.memref_slice %arg10[%add3A_8, %dma_start3A_48] : memref<10240x64xf32, #tpu.memory_space<vmem_shared>> -> memref<128x64xf32, #tpu.memory_space<vmem_shared>>
      tpu.enqueue_dma source(%arg9 : memref<128x64xf32, #tpu.memory_space<vmem>>) target(%dma_start3A_49 : memref<128x64xf32, #tpu.memory_space<vmem_shared>>) target_semaphore(%run_scoped3A : memref<!tpu.dma_semaphore, #tpu.memory_space<semaphore_mem>>)
      %dma_wait3A = arith.constant 0 : i32
      %dma_wait3A_50 = tpu.memref_slice %arg10[%add3A_8, %dma_wait3A] : memref<10240x64xf32, #tpu.memory_space<vmem_shared>> -> memref<128x64xf32, #tpu.memory_space<vmem_shared>>
      %dma_wait3A_51 = arith.constant 0 : i32
      %dma_wait3A_52 = tpu.memref_slice %arg10[%add3A_8, %dma_wait3A_51] : memref<10240x64xf32, #tpu.memory_space<vmem_shared>> -> memref<128x64xf32, #tpu.memory_space<vmem_shared>>
      tpu.wait_dma2 semaphore(%run_scoped3A : memref<!tpu.dma_semaphore, #tpu.memory_space<semaphore_mem>>) src(%arg9 : memref<128x64xf32, #tpu.memory_space<vmem>>) dst(%dma_wait3A_52 : memref<128x64xf32, #tpu.memory_space<vmem_shared>>)
      tpu.yield
    }) : () -> ()
    %mul3A_9 = arith.constant 640 : i32
    %mul3A_10 = arith.muli %arg1, %mul3A_9 : i32
    %add3A_11 = arith.constant 256 : i32
    %add3A_12 = arith.addi %mul3A_10, %add3A_11 : i32
    "tpu.region"() ({
      %run_scoped3A = tpu.sem_alloc : memref<!tpu.dma_semaphore, #tpu.memory_space<semaphore_mem>>
      %dma_start3A = arith.constant 0 : i32
      %dma_start3A_47 = tpu.memref_slice %arg10[%add3A_12, %dma_start3A] : memref<10240x64xf32, #tpu.memory_space<vmem_shared>> -> memref<128x64xf32, #tpu.memory_space<vmem_shared>>
      %dma_start3A_48 = arith.constant 0 : i32
      %dma_start3A_49 = tpu.memref_slice %arg10[%add3A_12, %dma_start3A_48] : memref<10240x64xf32, #tpu.memory_space<vmem_shared>> -> memref<128x64xf32, #tpu.memory_space<vmem_shared>>
      tpu.enqueue_dma source(%arg9 : memref<128x64xf32, #tpu.memory_space<vmem>>) target(%dma_start3A_49 : memref<128x64xf32, #tpu.memory_space<vmem_shared>>) target_semaphore(%run_scoped3A : memref<!tpu.dma_semaphore, #tpu.memory_space<semaphore_mem>>)
      %dma_wait3A = arith.constant 0 : i32
      %dma_wait3A_50 = tpu.memref_slice %arg10[%add3A_12, %dma_wait3A] : memref<10240x64xf32, #tpu.memory_space<vmem_shared>> -> memref<128x64xf32, #tpu.memory_space<vmem_shared>>
      %dma_wait3A_51 = arith.constant 0 : i32
      %dma_wait3A_52 = tpu.memref_slice %arg10[%add3A_12, %dma_wait3A_51] : memref<10240x64xf32, #tpu.memory_space<vmem_shared>> -> memref<128x64xf32, #tpu.memory_space<vmem_shared>>
      tpu.wait_dma2 semaphore(%run_scoped3A : memref<!tpu.dma_semaphore, #tpu.memory_space<semaphore_mem>>) src(%arg9 : memref<128x64xf32, #tpu.memory_space<vmem>>) dst(%dma_wait3A_52 : memref<128x64xf32, #tpu.memory_space<vmem_shared>>)
      tpu.yield
    }) : () -> ()
    %mul3A_13 = arith.constant 640 : i32
    %mul3A_14 = arith.muli %arg1, %mul3A_13 : i32
    %add3A_15 = arith.constant 384 : i32
    %add3A_16 = arith.addi %mul3A_14, %add3A_15 : i32
    "tpu.region"() ({
      %run_scoped3A = tpu.sem_alloc : memref<!tpu.dma_semaphore, #tpu.memory_space<semaphore_mem>>
      %dma_start3A = arith.constant 0 : i32
      %dma_start3A_47 = tpu.memref_slice %arg10[%add3A_16, %dma_start3A] : memref<10240x64xf32, #tpu.memory_space<vmem_shared>> -> memref<128x64xf32, #tpu.memory_space<vmem_shared>>
      %dma_start3A_48 = arith.constant 0 : i32
      %dma_start3A_49 = tpu.memref_slice %arg10[%add3A_16, %dma_start3A_48] : memref<10240x64xf32, #tpu.memory_space<vmem_shared>> -> memref<128x64xf32, #tpu.memory_space<vmem_shared>>
      tpu.enqueue_dma source(%arg9 : memref<128x64xf32, #tpu.memory_space<vmem>>) target(%dma_start3A_49 : memref<128x64xf32, #tpu.memory_space<vmem_shared>>) target_semaphore(%run_scoped3A : memref<!tpu.dma_semaphore, #tpu.memory_space<semaphore_mem>>)
      %dma_wait3A = arith.constant 0 : i32
      %dma_wait3A_50 = tpu.memref_slice %arg10[%add3A_16, %dma_wait3A] : memref<10240x64xf32, #tpu.memory_space<vmem_shared>> -> memref<128x64xf32, #tpu.memory_space<vmem_shared>>
      %dma_wait3A_51 = arith.constant 0 : i32
      %dma_wait3A_52 = tpu.memref_slice %arg10[%add3A_16, %dma_wait3A_51] : memref<10240x64xf32, #tpu.memory_space<vmem_shared>> -> memref<128x64xf32, #tpu.memory_space<vmem_shared>>
      tpu.wait_dma2 semaphore(%run_scoped3A : memref<!tpu.dma_semaphore, #tpu.memory_space<semaphore_mem>>) src(%arg9 : memref<128x64xf32, #tpu.memory_space<vmem>>) dst(%dma_wait3A_52 : memref<128x64xf32, #tpu.memory_space<vmem_shared>>)
      tpu.yield
    }) : () -> ()
    %mul3A_17 = arith.constant 640 : i32
    %mul3A_18 = arith.muli %arg1, %mul3A_17 : i32
    %add3A_19 = arith.constant 512 : i32
    %add3A_20 = arith.addi %mul3A_18, %add3A_19 : i32
    "tpu.region"() ({
      %run_scoped3A = tpu.sem_alloc : memref<!tpu.dma_semaphore, #tpu.memory_space<semaphore_mem>>
      %dma_start3A = arith.constant 0 : i32
      %dma_start3A_47 = tpu.memref_slice %arg10[%add3A_20, %dma_start3A] : memref<10240x64xf32, #tpu.memory_space<vmem_shared>> -> memref<128x64xf32, #tpu.memory_space<vmem_shared>>
      %dma_start3A_48 = arith.constant 0 : i32
      %dma_start3A_49 = tpu.memref_slice %arg10[%add3A_20, %dma_start3A_48] : memref<10240x64xf32, #tpu.memory_space<vmem_shared>> -> memref<128x64xf32, #tpu.memory_space<vmem_shared>>
      tpu.enqueue_dma source(%arg9 : memref<128x64xf32, #tpu.memory_space<vmem>>) target(%dma_start3A_49 : memref<128x64xf32, #tpu.memory_space<vmem_shared>>) target_semaphore(%run_scoped3A : memref<!tpu.dma_semaphore, #tpu.memory_space<semaphore_mem>>)
      %dma_wait3A = arith.constant 0 : i32
      %dma_wait3A_50 = tpu.memref_slice %arg10[%add3A_20, %dma_wait3A] : memref<10240x64xf32, #tpu.memory_space<vmem_shared>> -> memref<128x64xf32, #tpu.memory_space<vmem_shared>>
      %dma_wait3A_51 = arith.constant 0 : i32
      %dma_wait3A_52 = tpu.memref_slice %arg10[%add3A_20, %dma_wait3A_51] : memref<10240x64xf32, #tpu.memory_space<vmem_shared>> -> memref<128x64xf32, #tpu.memory_space<vmem_shared>>
      tpu.wait_dma2 semaphore(%run_scoped3A : memref<!tpu.dma_semaphore, #tpu.memory_space<semaphore_mem>>) src(%arg9 : memref<128x64xf32, #tpu.memory_space<vmem>>) dst(%dma_wait3A_52 : memref<128x64xf32, #tpu.memory_space<vmem_shared>>)
      tpu.yield
    }) : () -> ()
    %barrier3A = arith.constant 0 : index
    tpu.barrier barrier_id(%barrier3A)
    %scan3A = arith.constant 0 : i32
    %scan3A_21 = arith.constant 0 : i32
    %scan3A_22 = arith.constant 79 : i32
    %scan3A_23 = arith.addi %scan3A_21, %scan3A_22 : i32
    %scan3A_24 = arith.constant 1 : i32
    scf.for %scan3A_47 = %scan3A_21 to %scan3A_23 step %scan3A_24  : i32 {
      %mul3A_48 = arith.constant 79 : i32
      %mul3A_49 = arith.muli %add3A, %mul3A_48 : i32
      %add3A_50 = arith.addi %mul3A_49, %scan3A_47 : i32
      "tpu.region"() ({
        %run_scoped3A = tpu.sem_alloc : memref<!tpu.dma_semaphore, #tpu.memory_space<semaphore_mem>>
        %dma_start3A_55 = arith.constant 0 : i32
        %dma_start3A_56 = tpu.memref_slice %arg3[%add3A_50, %dma_start3A_55] : memref<2528x128xi32, #tpu.memory_space<hbm>> -> memref<1x128xi32, #tpu.memory_space<hbm>>
        %dma_start3A_57 = tpu.memref_squeeze %dma_start3A_56 : memref<1x128xi32, #tpu.memory_space<hbm>> -> memref<128xi32, #tpu.memory_space<hbm>>
        %dma_start3A_58 = arith.constant 0 : i32
        %dma_start3A_59 = tpu.memref_slice %arg3[%add3A_50, %dma_start3A_58] : memref<2528x128xi32, #tpu.memory_space<hbm>> -> memref<1x128xi32, #tpu.memory_space<hbm>>
        %dma_start3A_60 = tpu.memref_squeeze %dma_start3A_59 : memref<1x128xi32, #tpu.memory_space<hbm>> -> memref<128xi32, #tpu.memory_space<hbm>>
        tpu.enqueue_dma source(%dma_start3A_60 : memref<128xi32, #tpu.memory_space<hbm>>) target(%arg7 : memref<128xi32, #tpu.memory_space<vmem>>) target_semaphore(%run_scoped3A : memref<!tpu.dma_semaphore, #tpu.memory_space<semaphore_mem>>)
        %dma_wait3A_61 = arith.constant 0 : i32
        %dma_wait3A_62 = tpu.memref_slice %arg3[%add3A_50, %dma_wait3A_61] : memref<2528x128xi32, #tpu.memory_space<hbm>> -> memref<1x128xi32, #tpu.memory_space<hbm>>
        %dma_wait3A_63 = tpu.memref_squeeze %dma_wait3A_62 : memref<1x128xi32, #tpu.memory_space<hbm>> -> memref<128xi32, #tpu.memory_space<hbm>>
        %dma_wait3A_64 = arith.constant 0 : i32
        %dma_wait3A_65 = tpu.memref_slice %arg3[%add3A_50, %dma_wait3A_64] : memref<2528x128xi32, #tpu.memory_space<hbm>> -> memref<1x128xi32, #tpu.memory_space<hbm>>
        %dma_wait3A_66 = tpu.memref_squeeze %dma_wait3A_65 : memref<1x128xi32, #tpu.memory_space<hbm>> -> memref<128xi32, #tpu.memory_space<hbm>>
        tpu.wait_dma2 semaphore(%run_scoped3A : memref<!tpu.dma_semaphore, #tpu.memory_space<semaphore_mem>>) src(%dma_wait3A_66 : memref<128xi32, #tpu.memory_space<hbm>>) dst(%arg7 : memref<128xi32, #tpu.memory_space<vmem>>)
        tpu.yield
      }) : () -> ()
      "tpu.region"() ({
        %run_scoped3A = tpu.sem_alloc : memref<!tpu.dma_semaphore, #tpu.memory_space<semaphore_mem>>
        %dma_start3A_55 = arith.constant 0 : i32
        %dma_start3A_56 = tpu.memref_slice %arg4[%add3A_50, %dma_start3A_55] : memref<2528x128xi32, #tpu.memory_space<hbm>> -> memref<1x128xi32, #tpu.memory_space<hbm>>
        %dma_start3A_57 = tpu.memref_squeeze %dma_start3A_56 : memref<1x128xi32, #tpu.memory_space<hbm>> -> memref<128xi32, #tpu.memory_space<hbm>>
        %dma_start3A_58 = arith.constant 0 : i32
        %dma_start3A_59 = tpu.memref_slice %arg4[%add3A_50, %dma_start3A_58] : memref<2528x128xi32, #tpu.memory_space<hbm>> -> memref<1x128xi32, #tpu.memory_space<hbm>>
        %dma_start3A_60 = tpu.memref_squeeze %dma_start3A_59 : memref<1x128xi32, #tpu.memory_space<hbm>> -> memref<128xi32, #tpu.memory_space<hbm>>
        tpu.enqueue_dma source(%dma_start3A_60 : memref<128xi32, #tpu.memory_space<hbm>>) target(%arg8 : memref<128xi32, #tpu.memory_space<vmem>>) target_semaphore(%run_scoped3A : memref<!tpu.dma_semaphore, #tpu.memory_space<semaphore_mem>>)
        %dma_wait3A_61 = arith.constant 0 : i32
        %dma_wait3A_62 = tpu.memref_slice %arg4[%add3A_50, %dma_wait3A_61] : memref<2528x128xi32, #tpu.memory_space<hbm>> -> memref<1x128xi32, #tpu.memory_space<hbm>>
        %dma_wait3A_63 = tpu.memref_squeeze %dma_wait3A_62 : memref<1x128xi32, #tpu.memory_space<hbm>> -> memref<128xi32, #tpu.memory_space<hbm>>
        %dma_wait3A_64 = arith.constant 0 : i32
        %dma_wait3A_65 = tpu.memref_slice %arg4[%add3A_50, %dma_wait3A_64] : memref<2528x128xi32, #tpu.memory_space<hbm>> -> memref<1x128xi32, #tpu.memory_space<hbm>>
        %dma_wait3A_66 = tpu.memref_squeeze %dma_wait3A_65 : memref<1x128xi32, #tpu.memory_space<hbm>> -> memref<128xi32, #tpu.memory_space<hbm>>
        tpu.wait_dma2 semaphore(%run_scoped3A : memref<!tpu.dma_semaphore, #tpu.memory_space<semaphore_mem>>) src(%dma_wait3A_66 : memref<128xi32, #tpu.memory_space<hbm>>) dst(%arg8 : memref<128xi32, #tpu.memory_space<vmem>>)
        tpu.yield
      }) : () -> ()
      %dma_start3A = arith.constant 0 : i32
      %dma_start3A_51 = arith.constant 0 : i32
      %dma_start3A_52 = tpu.memref_slice %arg2[%dma_start3A, %dma_start3A_51] : memref<10240x64xf32, #tpu.memory_space<hbm>> -> memref<10240x64xf32, #tpu.memory_space<hbm>>
      tpu.enqueue_indirect_dma source(%dma_start3A_52 : memref<10240x64xf32, #tpu.memory_space<hbm>>) target(%arg9 : memref<128x64xf32, #tpu.memory_space<vmem>>) offsets(%arg7 : memref<128xi32, #tpu.memory_space<vmem>>) semaphore(%arg11 : memref<!tpu.dma_semaphore, #tpu.memory_space<semaphore_mem>>)
      %dma_wait3A = arith.constant 0 : i32
      %dma_wait3A_53 = arith.constant 0 : i32
      %dma_wait3A_54 = tpu.memref_slice %arg2[%dma_wait3A, %dma_wait3A_53] : memref<10240x64xf32, #tpu.memory_space<hbm>> -> memref<10240x64xf32, #tpu.memory_space<hbm>>
      tpu.wait_indirect_dma semaphore(%arg11 : memref<!tpu.dma_semaphore, #tpu.memory_space<semaphore_mem>>) src(%dma_wait3A_54 : memref<10240x64xf32, #tpu.memory_space<hbm>>) dst(%arg9 : memref<128x64xf32, #tpu.memory_space<vmem>>)
      "tpu.region"() ({
        %run_scoped3A = tpu.sem_alloc : memref<!tpu.dma_semaphore, #tpu.memory_space<semaphore_mem>>
        %dma_start3A_55 = arith.constant 0 : i32
        %dma_start3A_56 = arith.constant 0 : i32
        %dma_start3A_57 = tpu.memref_slice %arg10[%dma_start3A_55, %dma_start3A_56] : memref<10240x64xf32, #tpu.memory_space<vmem_shared>> -> memref<10240x64xf32, #tpu.memory_space<vmem_shared>>
        tpu.enqueue_indirect_dma source(%arg9 : memref<128x64xf32, #tpu.memory_space<vmem>>) target(%dma_start3A_57 : memref<10240x64xf32, #tpu.memory_space<vmem_shared>>) offsets(%arg8 : memref<128xi32, #tpu.memory_space<vmem>>) semaphore(%run_scoped3A : memref<!tpu.dma_semaphore, #tpu.memory_space<semaphore_mem>>) {add = true}
        %dma_wait3A_58 = arith.constant 0 : i32
        %dma_wait3A_59 = arith.constant 0 : i32
        %dma_wait3A_60 = tpu.memref_slice %arg10[%dma_wait3A_58, %dma_wait3A_59] : memref<10240x64xf32, #tpu.memory_space<vmem_shared>> -> memref<10240x64xf32, #tpu.memory_space<vmem_shared>>
        tpu.wait_indirect_dma semaphore(%run_scoped3A : memref<!tpu.dma_semaphore, #tpu.memory_space<semaphore_mem>>) src(%arg9 : memref<128x64xf32, #tpu.memory_space<vmem>>) dst(%dma_wait3A_60 : memref<10240x64xf32, #tpu.memory_space<vmem_shared>>)
        tpu.yield
      }) : () -> ()
    }
    %scan3A_25 = arith.constant 79 : i32
    %barrier3A_26 = arith.constant 0 : index
    tpu.barrier barrier_id(%barrier3A_26)
    %mul3A_27 = arith.constant 640 : i32
    %mul3A_28 = arith.muli %arg1, %mul3A_27 : i32
    %add3A_29 = arith.constant 0 : i32
    %add3A_30 = arith.addi %mul3A_28, %add3A_29 : i32
    "tpu.region"() ({
      %run_scoped3A = tpu.sem_alloc : memref<!tpu.dma_semaphore, #tpu.memory_space<semaphore_mem>>
      %dma_start3A = arith.constant 0 : i32
      %dma_start3A_47 = tpu.memref_slice %arg10[%add3A_30, %dma_start3A] : memref<10240x64xf32, #tpu.memory_space<vmem_shared>> -> memref<128x64xf32, #tpu.memory_space<vmem_shared>>
      %dma_start3A_48 = arith.constant 0 : i32
      %dma_start3A_49 = tpu.memref_slice %arg10[%add3A_30, %dma_start3A_48] : memref<10240x64xf32, #tpu.memory_space<vmem_shared>> -> memref<128x64xf32, #tpu.memory_space<vmem_shared>>
      tpu.enqueue_dma source(%dma_start3A_49 : memref<128x64xf32, #tpu.memory_space<vmem_shared>>) target(%arg9 : memref<128x64xf32, #tpu.memory_space<vmem>>) target_semaphore(%run_scoped3A : memref<!tpu.dma_semaphore, #tpu.memory_space<semaphore_mem>>)
      %dma_wait3A = arith.constant 0 : i32
      %dma_wait3A_50 = tpu.memref_slice %arg10[%add3A_30, %dma_wait3A] : memref<10240x64xf32, #tpu.memory_space<vmem_shared>> -> memref<128x64xf32, #tpu.memory_space<vmem_shared>>
      %dma_wait3A_51 = arith.constant 0 : i32
      %dma_wait3A_52 = tpu.memref_slice %arg10[%add3A_30, %dma_wait3A_51] : memref<10240x64xf32, #tpu.memory_space<vmem_shared>> -> memref<128x64xf32, #tpu.memory_space<vmem_shared>>
      tpu.wait_dma2 semaphore(%run_scoped3A : memref<!tpu.dma_semaphore, #tpu.memory_space<semaphore_mem>>) src(%dma_wait3A_52 : memref<128x64xf32, #tpu.memory_space<vmem_shared>>) dst(%arg9 : memref<128x64xf32, #tpu.memory_space<vmem>>)
      tpu.yield
    }) : () -> ()
    "tpu.region"() ({
      %run_scoped3A = tpu.sem_alloc : memref<!tpu.dma_semaphore, #tpu.memory_space<semaphore_mem>>
      %dma_start3A = arith.constant 0 : i32
      %dma_start3A_47 = tpu.memref_slice %arg6[%arg0, %add3A_30, %dma_start3A] : memref<2x10240x64xf32, #tpu.memory_space<hbm>> -> memref<1x128x64xf32, #tpu.memory_space<hbm>>
      %dma_start3A_48 = tpu.memref_squeeze %dma_start3A_47 : memref<1x128x64xf32, #tpu.memory_space<hbm>> -> memref<128x64xf32, #tpu.memory_space<hbm>>
      %dma_start3A_49 = arith.constant 0 : i32
      %dma_start3A_50 = tpu.memref_slice %arg6[%arg0, %add3A_30, %dma_start3A_49] : memref<2x10240x64xf32, #tpu.memory_space<hbm>> -> memref<1x128x64xf32, #tpu.memory_space<hbm>>
      %dma_start3A_51 = tpu.memref_squeeze %dma_start3A_50 : memref<1x128x64xf32, #tpu.memory_space<hbm>> -> memref<128x64xf32, #tpu.memory_space<hbm>>
      tpu.enqueue_dma source(%arg9 : memref<128x64xf32, #tpu.memory_space<vmem>>) target(%dma_start3A_51 : memref<128x64xf32, #tpu.memory_space<hbm>>) target_semaphore(%run_scoped3A : memref<!tpu.dma_semaphore, #tpu.memory_space<semaphore_mem>>)
      %dma_wait3A = arith.constant 0 : i32
      %dma_wait3A_52 = tpu.memref_slice %arg6[%arg0, %add3A_30, %dma_wait3A] : memref<2x10240x64xf32, #tpu.memory_space<hbm>> -> memref<1x128x64xf32, #tpu.memory_space<hbm>>
      %dma_wait3A_53 = tpu.memref_squeeze %dma_wait3A_52 : memref<1x128x64xf32, #tpu.memory_space<hbm>> -> memref<128x64xf32, #tpu.memory_space<hbm>>
      %dma_wait3A_54 = arith.constant 0 : i32
      %dma_wait3A_55 = tpu.memref_slice %arg6[%arg0, %add3A_30, %dma_wait3A_54] : memref<2x10240x64xf32, #tpu.memory_space<hbm>> -> memref<1x128x64xf32, #tpu.memory_space<hbm>>
      %dma_wait3A_56 = tpu.memref_squeeze %dma_wait3A_55 : memref<1x128x64xf32, #tpu.memory_space<hbm>> -> memref<128x64xf32, #tpu.memory_space<hbm>>
      tpu.wait_dma2 semaphore(%run_scoped3A : memref<!tpu.dma_semaphore, #tpu.memory_space<semaphore_mem>>) src(%arg9 : memref<128x64xf32, #tpu.memory_space<vmem>>) dst(%dma_wait3A_56 : memref<128x64xf32, #tpu.memory_space<hbm>>)
      tpu.yield
    }) : () -> ()
    %mul3A_31 = arith.constant 640 : i32
    %mul3A_32 = arith.muli %arg1, %mul3A_31 : i32
    %add3A_33 = arith.constant 128 : i32
    %add3A_34 = arith.addi %mul3A_32, %add3A_33 : i32
    "tpu.region"() ({
      %run_scoped3A = tpu.sem_alloc : memref<!tpu.dma_semaphore, #tpu.memory_space<semaphore_mem>>
      %dma_start3A = arith.constant 0 : i32
      %dma_start3A_47 = tpu.memref_slice %arg10[%add3A_34, %dma_start3A] : memref<10240x64xf32, #tpu.memory_space<vmem_shared>> -> memref<128x64xf32, #tpu.memory_space<vmem_shared>>
      %dma_start3A_48 = arith.constant 0 : i32
      %dma_start3A_49 = tpu.memref_slice %arg10[%add3A_34, %dma_start3A_48] : memref<10240x64xf32, #tpu.memory_space<vmem_shared>> -> memref<128x64xf32, #tpu.memory_space<vmem_shared>>
      tpu.enqueue_dma source(%dma_start3A_49 : memref<128x64xf32, #tpu.memory_space<vmem_shared>>) target(%arg9 : memref<128x64xf32, #tpu.memory_space<vmem>>) target_semaphore(%run_scoped3A : memref<!tpu.dma_semaphore, #tpu.memory_space<semaphore_mem>>)
      %dma_wait3A = arith.constant 0 : i32
      %dma_wait3A_50 = tpu.memref_slice %arg10[%add3A_34, %dma_wait3A] : memref<10240x64xf32, #tpu.memory_space<vmem_shared>> -> memref<128x64xf32, #tpu.memory_space<vmem_shared>>
      %dma_wait3A_51 = arith.constant 0 : i32
      %dma_wait3A_52 = tpu.memref_slice %arg10[%add3A_34, %dma_wait3A_51] : memref<10240x64xf32, #tpu.memory_space<vmem_shared>> -> memref<128x64xf32, #tpu.memory_space<vmem_shared>>
      tpu.wait_dma2 semaphore(%run_scoped3A : memref<!tpu.dma_semaphore, #tpu.memory_space<semaphore_mem>>) src(%dma_wait3A_52 : memref<128x64xf32, #tpu.memory_space<vmem_shared>>) dst(%arg9 : memref<128x64xf32, #tpu.memory_space<vmem>>)
      tpu.yield
    }) : () -> ()
    "tpu.region"() ({
      %run_scoped3A = tpu.sem_alloc : memref<!tpu.dma_semaphore, #tpu.memory_space<semaphore_mem>>
      %dma_start3A = arith.constant 0 : i32
      %dma_start3A_47 = tpu.memref_slice %arg6[%arg0, %add3A_34, %dma_start3A] : memref<2x10240x64xf32, #tpu.memory_space<hbm>> -> memref<1x128x64xf32, #tpu.memory_space<hbm>>
      %dma_start3A_48 = tpu.memref_squeeze %dma_start3A_47 : memref<1x128x64xf32, #tpu.memory_space<hbm>> -> memref<128x64xf32, #tpu.memory_space<hbm>>
      %dma_start3A_49 = arith.constant 0 : i32
      %dma_start3A_50 = tpu.memref_slice %arg6[%arg0, %add3A_34, %dma_start3A_49] : memref<2x10240x64xf32, #tpu.memory_space<hbm>> -> memref<1x128x64xf32, #tpu.memory_space<hbm>>
      %dma_start3A_51 = tpu.memref_squeeze %dma_start3A_50 : memref<1x128x64xf32, #tpu.memory_space<hbm>> -> memref<128x64xf32, #tpu.memory_space<hbm>>
      tpu.enqueue_dma source(%arg9 : memref<128x64xf32, #tpu.memory_space<vmem>>) target(%dma_start3A_51 : memref<128x64xf32, #tpu.memory_space<hbm>>) target_semaphore(%run_scoped3A : memref<!tpu.dma_semaphore, #tpu.memory_space<semaphore_mem>>)
      %dma_wait3A = arith.constant 0 : i32
      %dma_wait3A_52 = tpu.memref_slice %arg6[%arg0, %add3A_34, %dma_wait3A] : memref<2x10240x64xf32, #tpu.memory_space<hbm>> -> memref<1x128x64xf32, #tpu.memory_space<hbm>>
      %dma_wait3A_53 = tpu.memref_squeeze %dma_wait3A_52 : memref<1x128x64xf32, #tpu.memory_space<hbm>> -> memref<128x64xf32, #tpu.memory_space<hbm>>
      %dma_wait3A_54 = arith.constant 0 : i32
      %dma_wait3A_55 = tpu.memref_slice %arg6[%arg0, %add3A_34, %dma_wait3A_54] : memref<2x10240x64xf32, #tpu.memory_space<hbm>> -> memref<1x128x64xf32, #tpu.memory_space<hbm>>
      %dma_wait3A_56 = tpu.memref_squeeze %dma_wait3A_55 : memref<1x128x64xf32, #tpu.memory_space<hbm>> -> memref<128x64xf32, #tpu.memory_space<hbm>>
      tpu.wait_dma2 semaphore(%run_scoped3A : memref<!tpu.dma_semaphore, #tpu.memory_space<semaphore_mem>>) src(%arg9 : memref<128x64xf32, #tpu.memory_space<vmem>>) dst(%dma_wait3A_56 : memref<128x64xf32, #tpu.memory_space<hbm>>)
      tpu.yield
    }) : () -> ()
    %mul3A_35 = arith.constant 640 : i32
    %mul3A_36 = arith.muli %arg1, %mul3A_35 : i32
    %add3A_37 = arith.constant 256 : i32
    %add3A_38 = arith.addi %mul3A_36, %add3A_37 : i32
    "tpu.region"() ({
      %run_scoped3A = tpu.sem_alloc : memref<!tpu.dma_semaphore, #tpu.memory_space<semaphore_mem>>
      %dma_start3A = arith.constant 0 : i32
      %dma_start3A_47 = tpu.memref_slice %arg10[%add3A_38, %dma_start3A] : memref<10240x64xf32, #tpu.memory_space<vmem_shared>> -> memref<128x64xf32, #tpu.memory_space<vmem_shared>>
      %dma_start3A_48 = arith.constant 0 : i32
      %dma_start3A_49 = tpu.memref_slice %arg10[%add3A_38, %dma_start3A_48] : memref<10240x64xf32, #tpu.memory_space<vmem_shared>> -> memref<128x64xf32, #tpu.memory_space<vmem_shared>>
      tpu.enqueue_dma source(%dma_start3A_49 : memref<128x64xf32, #tpu.memory_space<vmem_shared>>) target(%arg9 : memref<128x64xf32, #tpu.memory_space<vmem>>) target_semaphore(%run_scoped3A : memref<!tpu.dma_semaphore, #tpu.memory_space<semaphore_mem>>)
      %dma_wait3A = arith.constant 0 : i32
      %dma_wait3A_50 = tpu.memref_slice %arg10[%add3A_38, %dma_wait3A] : memref<10240x64xf32, #tpu.memory_space<vmem_shared>> -> memref<128x64xf32, #tpu.memory_space<vmem_shared>>
      %dma_wait3A_51 = arith.constant 0 : i32
      %dma_wait3A_52 = tpu.memref_slice %arg10[%add3A_38, %dma_wait3A_51] : memref<10240x64xf32, #tpu.memory_space<vmem_shared>> -> memref<128x64xf32, #tpu.memory_space<vmem_shared>>
      tpu.wait_dma2 semaphore(%run_scoped3A : memref<!tpu.dma_semaphore, #tpu.memory_space<semaphore_mem>>) src(%dma_wait3A_52 : memref<128x64xf32, #tpu.memory_space<vmem_shared>>) dst(%arg9 : memref<128x64xf32, #tpu.memory_space<vmem>>)
      tpu.yield
    }) : () -> ()
    "tpu.region"() ({
      %run_scoped3A = tpu.sem_alloc : memref<!tpu.dma_semaphore, #tpu.memory_space<semaphore_mem>>
      %dma_start3A = arith.constant 0 : i32
      %dma_start3A_47 = tpu.memref_slice %arg6[%arg0, %add3A_38, %dma_start3A] : memref<2x10240x64xf32, #tpu.memory_space<hbm>> -> memref<1x128x64xf32, #tpu.memory_space<hbm>>
      %dma_start3A_48 = tpu.memref_squeeze %dma_start3A_47 : memref<1x128x64xf32, #tpu.memory_space<hbm>> -> memref<128x64xf32, #tpu.memory_space<hbm>>
      %dma_start3A_49 = arith.constant 0 : i32
      %dma_start3A_50 = tpu.memref_slice %arg6[%arg0, %add3A_38, %dma_start3A_49] : memref<2x10240x64xf32, #tpu.memory_space<hbm>> -> memref<1x128x64xf32, #tpu.memory_space<hbm>>
      %dma_start3A_51 = tpu.memref_squeeze %dma_start3A_50 : memref<1x128x64xf32, #tpu.memory_space<hbm>> -> memref<128x64xf32, #tpu.memory_space<hbm>>
      tpu.enqueue_dma source(%arg9 : memref<128x64xf32, #tpu.memory_space<vmem>>) target(%dma_start3A_51 : memref<128x64xf32, #tpu.memory_space<hbm>>) target_semaphore(%run_scoped3A : memref<!tpu.dma_semaphore, #tpu.memory_space<semaphore_mem>>)
      %dma_wait3A = arith.constant 0 : i32
      %dma_wait3A_52 = tpu.memref_slice %arg6[%arg0, %add3A_38, %dma_wait3A] : memref<2x10240x64xf32, #tpu.memory_space<hbm>> -> memref<1x128x64xf32, #tpu.memory_space<hbm>>
      %dma_wait3A_53 = tpu.memref_squeeze %dma_wait3A_52 : memref<1x128x64xf32, #tpu.memory_space<hbm>> -> memref<128x64xf32, #tpu.memory_space<hbm>>
      %dma_wait3A_54 = arith.constant 0 : i32
      %dma_wait3A_55 = tpu.memref_slice %arg6[%arg0, %add3A_38, %dma_wait3A_54] : memref<2x10240x64xf32, #tpu.memory_space<hbm>> -> memref<1x128x64xf32, #tpu.memory_space<hbm>>
      %dma_wait3A_56 = tpu.memref_squeeze %dma_wait3A_55 : memref<1x128x64xf32, #tpu.memory_space<hbm>> -> memref<128x64xf32, #tpu.memory_space<hbm>>
      tpu.wait_dma2 semaphore(%run_scoped3A : memref<!tpu.dma_semaphore, #tpu.memory_space<semaphore_mem>>) src(%arg9 : memref<128x64xf32, #tpu.memory_space<vmem>>) dst(%dma_wait3A_56 : memref<128x64xf32, #tpu.memory_space<hbm>>)
      tpu.yield
    }) : () -> ()
    %mul3A_39 = arith.constant 640 : i32
    %mul3A_40 = arith.muli %arg1, %mul3A_39 : i32
    %add3A_41 = arith.constant 384 : i32
    %add3A_42 = arith.addi %mul3A_40, %add3A_41 : i32
    "tpu.region"() ({
      %run_scoped3A = tpu.sem_alloc : memref<!tpu.dma_semaphore, #tpu.memory_space<semaphore_mem>>
      %dma_start3A = arith.constant 0 : i32
      %dma_start3A_47 = tpu.memref_slice %arg10[%add3A_42, %dma_start3A] : memref<10240x64xf32, #tpu.memory_space<vmem_shared>> -> memref<128x64xf32, #tpu.memory_space<vmem_shared>>
      %dma_start3A_48 = arith.constant 0 : i32
      %dma_start3A_49 = tpu.memref_slice %arg10[%add3A_42, %dma_start3A_48] : memref<10240x64xf32, #tpu.memory_space<vmem_shared>> -> memref<128x64xf32, #tpu.memory_space<vmem_shared>>
      tpu.enqueue_dma source(%dma_start3A_49 : memref<128x64xf32, #tpu.memory_space<vmem_shared>>) target(%arg9 : memref<128x64xf32, #tpu.memory_space<vmem>>) target_semaphore(%run_scoped3A : memref<!tpu.dma_semaphore, #tpu.memory_space<semaphore_mem>>)
      %dma_wait3A = arith.constant 0 : i32
      %dma_wait3A_50 = tpu.memref_slice %arg10[%add3A_42, %dma_wait3A] : memref<10240x64xf32, #tpu.memory_space<vmem_shared>> -> memref<128x64xf32, #tpu.memory_space<vmem_shared>>
      %dma_wait3A_51 = arith.constant 0 : i32
      %dma_wait3A_52 = tpu.memref_slice %arg10[%add3A_42, %dma_wait3A_51] : memref<10240x64xf32, #tpu.memory_space<vmem_shared>> -> memref<128x64xf32, #tpu.memory_space<vmem_shared>>
      tpu.wait_dma2 semaphore(%run_scoped3A : memref<!tpu.dma_semaphore, #tpu.memory_space<semaphore_mem>>) src(%dma_wait3A_52 : memref<128x64xf32, #tpu.memory_space<vmem_shared>>) dst(%arg9 : memref<128x64xf32, #tpu.memory_space<vmem>>)
      tpu.yield
    }) : () -> ()
    "tpu.region"() ({
      %run_scoped3A = tpu.sem_alloc : memref<!tpu.dma_semaphore, #tpu.memory_space<semaphore_mem>>
      %dma_start3A = arith.constant 0 : i32
      %dma_start3A_47 = tpu.memref_slice %arg6[%arg0, %add3A_42, %dma_start3A] : memref<2x10240x64xf32, #tpu.memory_space<hbm>> -> memref<1x128x64xf32, #tpu.memory_space<hbm>>
      %dma_start3A_48 = tpu.memref_squeeze %dma_start3A_47 : memref<1x128x64xf32, #tpu.memory_space<hbm>> -> memref<128x64xf32, #tpu.memory_space<hbm>>
      %dma_start3A_49 = arith.constant 0 : i32
      %dma_start3A_50 = tpu.memref_slice %arg6[%arg0, %add3A_42, %dma_start3A_49] : memref<2x10240x64xf32, #tpu.memory_space<hbm>> -> memref<1x128x64xf32, #tpu.memory_space<hbm>>
      %dma_start3A_51 = tpu.memref_squeeze %dma_start3A_50 : memref<1x128x64xf32, #tpu.memory_space<hbm>> -> memref<128x64xf32, #tpu.memory_space<hbm>>
      tpu.enqueue_dma source(%arg9 : memref<128x64xf32, #tpu.memory_space<vmem>>) target(%dma_start3A_51 : memref<128x64xf32, #tpu.memory_space<hbm>>) target_semaphore(%run_scoped3A : memref<!tpu.dma_semaphore, #tpu.memory_space<semaphore_mem>>)
      %dma_wait3A = arith.constant 0 : i32
      %dma_wait3A_52 = tpu.memref_slice %arg6[%arg0, %add3A_42, %dma_wait3A] : memref<2x10240x64xf32, #tpu.memory_space<hbm>> -> memref<1x128x64xf32, #tpu.memory_space<hbm>>
      %dma_wait3A_53 = tpu.memref_squeeze %dma_wait3A_52 : memref<1x128x64xf32, #tpu.memory_space<hbm>> -> memref<128x64xf32, #tpu.memory_space<hbm>>
      %dma_wait3A_54 = arith.constant 0 : i32
      %dma_wait3A_55 = tpu.memref_slice %arg6[%arg0, %add3A_42, %dma_wait3A_54] : memref<2x10240x64xf32, #tpu.memory_space<hbm>> -> memref<1x128x64xf32, #tpu.memory_space<hbm>>
      %dma_wait3A_56 = tpu.memref_squeeze %dma_wait3A_55 : memref<1x128x64xf32, #tpu.memory_space<hbm>> -> memref<128x64xf32, #tpu.memory_space<hbm>>
      tpu.wait_dma2 semaphore(%run_scoped3A : memref<!tpu.dma_semaphore, #tpu.memory_space<semaphore_mem>>) src(%arg9 : memref<128x64xf32, #tpu.memory_space<vmem>>) dst(%dma_wait3A_56 : memref<128x64xf32, #tpu.memory_space<hbm>>)
      tpu.yield
    }) : () -> ()
    %mul3A_43 = arith.constant 640 : i32
    %mul3A_44 = arith.muli %arg1, %mul3A_43 : i32
    %add3A_45 = arith.constant 512 : i32
    %add3A_46 = arith.addi %mul3A_44, %add3A_45 : i32
    "tpu.region"() ({
      %run_scoped3A = tpu.sem_alloc : memref<!tpu.dma_semaphore, #tpu.memory_space<semaphore_mem>>
      %dma_start3A = arith.constant 0 : i32
      %dma_start3A_47 = tpu.memref_slice %arg10[%add3A_46, %dma_start3A] : memref<10240x64xf32, #tpu.memory_space<vmem_shared>> -> memref<128x64xf32, #tpu.memory_space<vmem_shared>>
      %dma_start3A_48 = arith.constant 0 : i32
      %dma_start3A_49 = tpu.memref_slice %arg10[%add3A_46, %dma_start3A_48] : memref<10240x64xf32, #tpu.memory_space<vmem_shared>> -> memref<128x64xf32, #tpu.memory_space<vmem_shared>>
      tpu.enqueue_dma source(%dma_start3A_49 : memref<128x64xf32, #tpu.memory_space<vmem_shared>>) target(%arg9 : memref<128x64xf32, #tpu.memory_space<vmem>>) target_semaphore(%run_scoped3A : memref<!tpu.dma_semaphore, #tpu.memory_space<semaphore_mem>>)
      %dma_wait3A = arith.constant 0 : i32
      %dma_wait3A_50 = tpu.memref_slice %arg10[%add3A_46, %dma_wait3A] : memref<10240x64xf32, #tpu.memory_space<vmem_shared>> -> memref<128x64xf32, #tpu.memory_space<vmem_shared>>
      %dma_wait3A_51 = arith.constant 0 : i32
      %dma_wait3A_52 = tpu.memref_slice %arg10[%add3A_46, %dma_wait3A_51] : memref<10240x64xf32, #tpu.memory_space<vmem_shared>> -> memref<128x64xf32, #tpu.memory_space<vmem_shared>>
      tpu.wait_dma2 semaphore(%run_scoped3A : memref<!tpu.dma_semaphore, #tpu.memory_space<semaphore_mem>>) src(%dma_wait3A_52 : memref<128x64xf32, #tpu.memory_space<vmem_shared>>) dst(%arg9 : memref<128x64xf32, #tpu.memory_space<vmem>>)
      tpu.yield
    }) : () -> ()
    "tpu.region"() ({
      %run_scoped3A = tpu.sem_alloc : memref<!tpu.dma_semaphore, #tpu.memory_space<semaphore_mem>>
      %dma_start3A = arith.constant 0 : i32
      %dma_start3A_47 = tpu.memref_slice %arg6[%arg0, %add3A_46, %dma_start3A] : memref<2x10240x64xf32, #tpu.memory_space<hbm>> -> memref<1x128x64xf32, #tpu.memory_space<hbm>>
      %dma_start3A_48 = tpu.memref_squeeze %dma_start3A_47 : memref<1x128x64xf32, #tpu.memory_space<hbm>> -> memref<128x64xf32, #tpu.memory_space<hbm>>
      %dma_start3A_49 = arith.constant 0 : i32
      %dma_start3A_50 = tpu.memref_slice %arg6[%arg0, %add3A_46, %dma_start3A_49] : memref<2x10240x64xf32, #tpu.memory_space<hbm>> -> memref<1x128x64xf32, #tpu.memory_space<hbm>>
      %dma_start3A_51 = tpu.memref_squeeze %dma_start3A_50 : memref<1x128x64xf32, #tpu.memory_space<hbm>> -> memref<128x64xf32, #tpu.memory_space<hbm>>
      tpu.enqueue_dma source(%arg9 : memref<128x64xf32, #tpu.memory_space<vmem>>) target(%dma_start3A_51 : memref<128x64xf32, #tpu.memory_space<hbm>>) target_semaphore(%run_scoped3A : memref<!tpu.dma_semaphore, #tpu.memory_space<semaphore_mem>>)
      %dma_wait3A = arith.constant 0 : i32
      %dma_wait3A_52 = tpu.memref_slice %arg6[%arg0, %add3A_46, %dma_wait3A] : memref<2x10240x64xf32, #tpu.memory_space<hbm>> -> memref<1x128x64xf32, #tpu.memory_space<hbm>>
      %dma_wait3A_53 = tpu.memref_squeeze %dma_wait3A_52 : memref<1x128x64xf32, #tpu.memory_space<hbm>> -> memref<128x64xf32, #tpu.memory_space<hbm>>
      %dma_wait3A_54 = arith.constant 0 : i32
      %dma_wait3A_55 = tpu.memref_slice %arg6[%arg0, %add3A_46, %dma_wait3A_54] : memref<2x10240x64xf32, #tpu.memory_space<hbm>> -> memref<1x128x64xf32, #tpu.memory_space<hbm>>
      %dma_wait3A_56 = tpu.memref_squeeze %dma_wait3A_55 : memref<1x128x64xf32, #tpu.memory_space<hbm>> -> memref<128x64xf32, #tpu.memory_space<hbm>>
      tpu.wait_dma2 semaphore(%run_scoped3A : memref<!tpu.dma_semaphore, #tpu.memory_space<semaphore_mem>>) src(%arg9 : memref<128x64xf32, #tpu.memory_space<vmem>>) dst(%dma_wait3A_56 : memref<128x64xf32, #tpu.memory_space<hbm>>)
      tpu.yield
    }) : () -> ()
    return
  }
}

module attributes {stable_mosaic.version = 14 : i64} {
  func.func @_tc_in_body(%arg0: i32, %arg1: memref<2000x128xf32, #tpu.memory_space<vmem>>, %arg2: memref<128x64xf32, #tpu.memory_space<vmem>>, %arg3: memref<1x2000x16xf32, #tpu.memory_space<vmem>>, %arg4: memref<1x2000x16xf32, #tpu.memory_space<vmem>>, %arg5: memref<2000x64xf32, #tpu.memory_space<vmem>>) attributes {dimension_semantics = [#tpu.dimension_semantics<arbitrary>], iteration_bounds = array<i64: 5>, scalar_prefetch = 0 : i64, scratch_operands = 0 : i64, tpu.core_type = #tpu.core_type<tc>, window_params = [{transform_indices = @transform_0, window_bounds = array<i64: 2000, 128>}, {pipeline_mode = #tpu.pipeline_mode<synchronous>, transform_indices = @transform_1, window_bounds = array<i64: 128, 64>}, {transform_indices = @transform_2, window_bounds = array<i64: 1, 2000, 16>}, {transform_indices = @transform_3, window_bounds = array<i64: 1, 2000, 16>}, {transform_indices = @transform_4, window_bounds = array<i64: 2000, 64>}]} {
    %get3A = arith.constant 0 : index
    %get3A_0 = arith.constant 0 : index
    %get3A_1 = arith.constant 0 : index
    %get3A_2 = vector.load %arg3[%get3A, %get3A_0, %get3A_1] : memref<1x2000x16xf32, #tpu.memory_space<vmem>>, vector<1x2000x1xf32>
    %get3A_3 = vector.shape_cast %get3A_2 : vector<1x2000x1xf32> to vector<2000x1xf32>
    %add3A = arith.constant 1.000000e+00 : f32
    %add3A_4 = vector.broadcast %add3A : f32 to vector<2000x1xf32>
    %add3A_5 = arith.addf %add3A_4, %get3A_3 : vector<2000x1xf32>
    %get3A_6 = arith.constant 0 : index
    %get3A_7 = arith.constant 0 : index
    %get3A_8 = arith.constant 0 : index
    %get3A_9 = vector.load %arg4[%get3A_6, %get3A_7, %get3A_8] : memref<1x2000x16xf32, #tpu.memory_space<vmem>>, vector<1x2000x1xf32>
    %get3A_10 = vector.shape_cast %get3A_9 : vector<1x2000x1xf32> to vector<2000x1xf32>
    %add3A_11 = arith.addf %add3A_5, %get3A_10 : vector<2000x1xf32>
    %rsqrt3A = math.rsqrt %add3A_11 : vector<2000x1xf32>
    %get3A_12 = arith.constant 0 : index
    %get3A_13 = arith.constant 0 : index
    %get3A_14 = vector.load %arg1[%get3A_12, %get3A_13] : memref<2000x128xf32, #tpu.memory_space<vmem>>, vector<2000x128xf32>
    %get3A_15 = arith.constant 0 : index
    %get3A_16 = arith.constant 0 : index
    %get3A_17 = vector.load %arg2[%get3A_15, %get3A_16] : memref<128x64xf32, #tpu.memory_space<vmem>>, vector<128x64xf32>
    %dot_general3A = arith.constant dense<0.000000e+00> : vector<2000x64xf32>
    %dot_general3A_18 = tpu.matmul %get3A_14, %get3A_17, %dot_general3A {dimension_numbers = #tpu.dot_dimension_numbers<[1], [0], [0], [1], [0, 0, 1, 1], [], []>, transpose_lhs_hint = false} : vector<2000x128xf32>, vector<128x64xf32>, vector<2000x64xf32> -> vector<2000x64xf32>
    %mul3A = vector.broadcast %rsqrt3A : vector<2000x1xf32> to vector<2000x64xf32>
    %mul3A_19 = arith.mulf %dot_general3A_18, %mul3A : vector<2000x64xf32>
    %swap3A = arith.constant 0 : index
    %swap3A_20 = arith.constant 0 : index
    %swap3A_21 = vector.load %arg5[%swap3A, %swap3A_20] : memref<2000x64xf32, #tpu.memory_space<vmem>>, vector<2000x64xf32>
    tpu.vector_store %arg5[%swap3A, %swap3A_20], %mul3A_19 {strides = array<i32>} : memref<2000x64xf32, #tpu.memory_space<vmem>>, vector<2000x64xf32>,
    return
  }
  func.func @transform_0(%arg0: i32) -> (i32, i32) {
    %c0_i32 = arith.constant 0 : i32
    %c0_i32_0 = arith.constant 0 : i32
    return %arg0, %c0_i32 : i32, i32
  }
  func.func @transform_1(%arg0: i32) -> (i32, i32) {
    %c0_i32 = arith.constant 0 : i32
    %c0_i32_0 = arith.constant 0 : i32
    %c0_i32_1 = arith.constant 0 : i32
    return %c0_i32, %c0_i32_0 : i32, i32
  }
  func.func @transform_2(%arg0: i32) -> (i32, i32, i32) {
    %c0_i32 = arith.constant 0 : i32
    %c0_i32_0 = arith.constant 0 : i32
    %c0_i32_1 = arith.constant 0 : i32
    return %c0_i32, %arg0, %c0_i32_0 : i32, i32, i32
  }
  func.func @transform_3(%arg0: i32) -> (i32, i32, i32) {
    %c1_i32 = arith.constant 1 : i32
    %c0_i32 = arith.constant 0 : i32
    %c0_i32_0 = arith.constant 0 : i32
    return %c1_i32, %arg0, %c0_i32 : i32, i32, i32
  }
  func.func @transform_4(%arg0: i32) -> (i32, i32) {
    %c0_i32 = arith.constant 0 : i32
    %c0_i32_0 = arith.constant 0 : i32
    return %arg0, %c0_i32 : i32, i32
  }
}

module attributes {stable_mosaic.version = 14 : i64} {
  func.func @_tc_mid_body(%arg0: i32, %arg1: memref<1x2000x64xf32, #tpu.memory_space<vmem>>, %arg2: memref<1x2000x64xf32, #tpu.memory_space<vmem>>, %arg3: memref<2000x64xf32, #tpu.memory_space<vmem>>, %arg4: memref<1x2000x16xf32, #tpu.memory_space<vmem>>, %arg5: memref<1x2000x16xf32, #tpu.memory_space<vmem>>, %arg6: memref<1x64xf32, #tpu.memory_space<vmem>>, %arg7: memref<64x64xf32, #tpu.memory_space<vmem>>, %arg8: memref<2000x64xf32, #tpu.memory_space<vmem>>) attributes {dimension_semantics = [#tpu.dimension_semantics<arbitrary>], iteration_bounds = array<i64: 5>, scalar_prefetch = 0 : i64, scratch_operands = 0 : i64, tpu.core_type = #tpu.core_type<tc>, window_params = [{transform_indices = @transform_0, window_bounds = array<i64: 1, 2000, 64>}, {transform_indices = @transform_1, window_bounds = array<i64: 1, 2000, 64>}, {transform_indices = @transform_2, window_bounds = array<i64: 2000, 64>}, {transform_indices = @transform_3, window_bounds = array<i64: 1, 2000, 16>}, {transform_indices = @transform_4, window_bounds = array<i64: 1, 2000, 16>}, {pipeline_mode = #tpu.pipeline_mode<synchronous>, transform_indices = @transform_5, window_bounds = array<i64: 1, 64>}, {pipeline_mode = #tpu.pipeline_mode<synchronous>, transform_indices = @transform_6, window_bounds = array<i64: 64, 64>}, {transform_indices = @transform_7, window_bounds = array<i64: 2000, 64>}]} {
    %get3A = arith.constant 0 : index
    %get3A_0 = arith.constant 0 : index
    %get3A_1 = arith.constant 0 : index
    %get3A_2 = vector.load %arg4[%get3A, %get3A_0, %get3A_1] : memref<1x2000x16xf32, #tpu.memory_space<vmem>>, vector<1x2000x1xf32>
    %get3A_3 = vector.shape_cast %get3A_2 : vector<1x2000x1xf32> to vector<2000x1xf32>
    %add3A = arith.constant 1.000000e+00 : f32
    %add3A_4 = vector.broadcast %add3A : f32 to vector<2000x1xf32>
    %add3A_5 = arith.addf %add3A_4, %get3A_3 : vector<2000x1xf32>
    %get3A_6 = arith.constant 0 : index
    %get3A_7 = arith.constant 0 : index
    %get3A_8 = arith.constant 0 : index
    %get3A_9 = vector.load %arg5[%get3A_6, %get3A_7, %get3A_8] : memref<1x2000x16xf32, #tpu.memory_space<vmem>>, vector<1x2000x1xf32>
    %get3A_10 = vector.shape_cast %get3A_9 : vector<1x2000x1xf32> to vector<2000x1xf32>
    %add3A_11 = arith.addf %add3A_5, %get3A_10 : vector<2000x1xf32>
    %rsqrt3A = math.rsqrt %add3A_11 : vector<2000x1xf32>
    %get3A_12 = arith.constant 0 : index
    %get3A_13 = arith.constant 0 : index
    %get3A_14 = arith.constant 0 : index
    %get3A_15 = vector.load %arg1[%get3A_12, %get3A_13, %get3A_14] : memref<1x2000x64xf32, #tpu.memory_space<vmem>>, vector<1x2000x64xf32>
    %get3A_16 = vector.shape_cast %get3A_15 : vector<1x2000x64xf32> to vector<2000x64xf32>
    %get3A_17 = arith.constant 0 : index
    %get3A_18 = arith.constant 0 : index
    %get3A_19 = arith.constant 0 : index
    %get3A_20 = vector.load %arg2[%get3A_17, %get3A_18, %get3A_19] : memref<1x2000x64xf32, #tpu.memory_space<vmem>>, vector<1x2000x64xf32>
    %get3A_21 = vector.shape_cast %get3A_20 : vector<1x2000x64xf32> to vector<2000x64xf32>
    %add3A_22 = arith.addf %get3A_16, %get3A_21 : vector<2000x64xf32>
    %get3A_23 = arith.constant 0 : index
    %get3A_24 = arith.constant 0 : index
    %get3A_25 = vector.load %arg3[%get3A_23, %get3A_24] : memref<2000x64xf32, #tpu.memory_space<vmem>>, vector<2000x64xf32>
    %add3A_26 = arith.addf %add3A_22, %get3A_25 : vector<2000x64xf32>
    %mul3A = vector.broadcast %rsqrt3A : vector<2000x1xf32> to vector<2000x64xf32>
    %mul3A_27 = arith.mulf %add3A_26, %mul3A : vector<2000x64xf32>
    %get3A_28 = arith.constant 0 : index
    %get3A_29 = arith.constant 0 : index
    %get3A_30 = vector.load %arg6[%get3A_28, %get3A_29] : memref<1x64xf32, #tpu.memory_space<vmem>>, vector<1x64xf32>
    %add3A_31 = vector.broadcast %get3A_30 : vector<1x64xf32> to vector<2000x64xf32>
    %add3A_32 = arith.addf %mul3A_27, %add3A_31 : vector<2000x64xf32>
    %max3A = arith.constant 0.000000e+00 : f32
    %max3A_33 = vector.broadcast %max3A : f32 to vector<2000x64xf32>
    %max3A_34 = arith.maximumf %add3A_32, %max3A_33 : vector<2000x64xf32>
    %get3A_35 = arith.constant 0 : index
    %get3A_36 = arith.constant 0 : index
    %get3A_37 = vector.load %arg7[%get3A_35, %get3A_36] : memref<64x64xf32, #tpu.memory_space<vmem>>, vector<64x64xf32>
    %dot_general3A = arith.constant dense<0.000000e+00> : vector<2000x64xf32>
    %dot_general3A_38 = tpu.matmul %max3A_34, %get3A_37, %dot_general3A {dimension_numbers = #tpu.dot_dimension_numbers<[1], [0], [0], [1], [0, 0, 1, 1], [], []>, transpose_lhs_hint = false} : vector<2000x64xf32>, vector<64x64xf32>, vector<2000x64xf32> -> vector<2000x64xf32>
    %mul3A_39 = vector.broadcast %rsqrt3A : vector<2000x1xf32> to vector<2000x64xf32>
    %mul3A_40 = arith.mulf %dot_general3A_38, %mul3A_39 : vector<2000x64xf32>
    %swap3A = arith.constant 0 : index
    %swap3A_41 = arith.constant 0 : index
    %swap3A_42 = vector.load %arg8[%swap3A, %swap3A_41] : memref<2000x64xf32, #tpu.memory_space<vmem>>, vector<2000x64xf32>
    tpu.vector_store %arg8[%swap3A, %swap3A_41], %mul3A_40 {strides = array<i32>} : memref<2000x64xf32, #tpu.memory_space<vmem>>, vector<2000x64xf32>,
    return
  }
  func.func @transform_0(%arg0: i32) -> (i32, i32, i32) {
    %c0_i32 = arith.constant 0 : i32
    %c0_i32_0 = arith.constant 0 : i32
    %c0_i32_1 = arith.constant 0 : i32
    return %c0_i32, %arg0, %c0_i32_0 : i32, i32, i32
  }
  func.func @transform_1(%arg0: i32) -> (i32, i32, i32) {
    %c1_i32 = arith.constant 1 : i32
    %c0_i32 = arith.constant 0 : i32
    %c0_i32_0 = arith.constant 0 : i32
    return %c1_i32, %arg0, %c0_i32 : i32, i32, i32
  }
  func.func @transform_2(%arg0: i32) -> (i32, i32) {
    %c0_i32 = arith.constant 0 : i32
    %c0_i32_0 = arith.constant 0 : i32
    return %arg0, %c0_i32 : i32, i32
  }
  func.func @transform_3(%arg0: i32) -> (i32, i32, i32) {
    %c0_i32 = arith.constant 0 : i32
    %c0_i32_0 = arith.constant 0 : i32
    %c0_i32_1 = arith.constant 0 : i32
    return %c0_i32, %arg0, %c0_i32_0 : i32, i32, i32
  }
  func.func @transform_4(%arg0: i32) -> (i32, i32, i32) {
    %c1_i32 = arith.constant 1 : i32
    %c0_i32 = arith.constant 0 : i32
    %c0_i32_0 = arith.constant 0 : i32
    return %c1_i32, %arg0, %c0_i32 : i32, i32, i32
  }
  func.func @transform_5(%arg0: i32) -> (i32, i32) {
    %c0_i32 = arith.constant 0 : i32
    %c0_i32_0 = arith.constant 0 : i32
    %c0_i32_1 = arith.constant 0 : i32
    return %c0_i32, %c0_i32_0 : i32, i32
  }
  func.func @transform_6(%arg0: i32) -> (i32, i32) {
    %c0_i32 = arith.constant 0 : i32
    %c0_i32_0 = arith.constant 0 : i32
    %c0_i32_1 = arith.constant 0 : i32
    return %c0_i32, %c0_i32_0 : i32, i32
  }
  func.func @transform_7(%arg0: i32) -> (i32, i32) {
    %c0_i32 = arith.constant 0 : i32
    %c0_i32_0 = arith.constant 0 : i32
    return %arg0, %c0_i32 : i32, i32
  }
}

module attributes {stable_mosaic.version = 14 : i64} {
  func.func @_tc_final_body(%arg0: i32, %arg1: memref<1x2000x64xf32, #tpu.memory_space<vmem>>, %arg2: memref<1x2000x64xf32, #tpu.memory_space<vmem>>, %arg3: memref<2000x64xf32, #tpu.memory_space<vmem>>, %arg4: memref<1x2000x16xf32, #tpu.memory_space<vmem>>, %arg5: memref<1x2000x16xf32, #tpu.memory_space<vmem>>, %arg6: memref<1x64xf32, #tpu.memory_space<vmem>>, %arg7: memref<1x1x2000xi32, #tpu.memory_space<vmem>>, %arg8: memref<64x16xf32, #tpu.memory_space<vmem>>, %arg9: memref<1x16xf32, #tpu.memory_space<vmem>>, %arg10: memref<64x16xf32, #tpu.memory_space<vmem>>, %arg11: memref<64x64xf32, #tpu.memory_space<vmem>>, %arg12: memref<64x64xf32, #tpu.memory_space<vmem>>) attributes {dimension_semantics = [#tpu.dimension_semantics<arbitrary>], iteration_bounds = array<i64: 5>, scalar_prefetch = 0 : i64, scratch_operands = 2 : i64, tpu.core_type = #tpu.core_type<tc>, window_params = [{transform_indices = @transform_0, window_bounds = array<i64: 1, 2000, 64>}, {transform_indices = @transform_1, window_bounds = array<i64: 1, 2000, 64>}, {transform_indices = @transform_2, window_bounds = array<i64: 2000, 64>}, {transform_indices = @transform_3, window_bounds = array<i64: 1, 2000, 16>}, {transform_indices = @transform_4, window_bounds = array<i64: 1, 2000, 16>}, {pipeline_mode = #tpu.pipeline_mode<synchronous>, transform_indices = @transform_5, window_bounds = array<i64: 1, 64>}, {transform_indices = @transform_6, window_bounds = array<i64: 1, 1, 2000>}, {pipeline_mode = #tpu.pipeline_mode<synchronous>, transform_indices = @transform_7, window_bounds = array<i64: 64, 16>}, {pipeline_mode = #tpu.pipeline_mode<synchronous>, transform_indices = @transform_8, window_bounds = array<i64: 1, 16>}, {pipeline_mode = #tpu.pipeline_mode<synchronous>, transform_indices = @transform_9, window_bounds = array<i64: 64, 16>}]} {
    %get3A = arith.constant 0 : index
    %get3A_0 = arith.constant 0 : index
    %get3A_1 = arith.constant 0 : index
    %get3A_2 = vector.load %arg4[%get3A, %get3A_0, %get3A_1] : memref<1x2000x16xf32, #tpu.memory_space<vmem>>, vector<1x2000x1xf32>
    %get3A_3 = vector.shape_cast %get3A_2 : vector<1x2000x1xf32> to vector<2000x1xf32>
    %add3A = arith.constant 1.000000e+00 : f32
    %add3A_4 = vector.broadcast %add3A : f32 to vector<2000x1xf32>
    %add3A_5 = arith.addf %add3A_4, %get3A_3 : vector<2000x1xf32>
    %get3A_6 = arith.constant 0 : index
    %get3A_7 = arith.constant 0 : index
    %get3A_8 = arith.constant 0 : index
    %get3A_9 = vector.load %arg5[%get3A_6, %get3A_7, %get3A_8] : memref<1x2000x16xf32, #tpu.memory_space<vmem>>, vector<1x2000x1xf32>
    %get3A_10 = vector.shape_cast %get3A_9 : vector<1x2000x1xf32> to vector<2000x1xf32>
    %add3A_11 = arith.addf %add3A_5, %get3A_10 : vector<2000x1xf32>
    %rsqrt3A = math.rsqrt %add3A_11 : vector<2000x1xf32>
    %get3A_12 = arith.constant 0 : index
    %get3A_13 = arith.constant 0 : index
    %get3A_14 = arith.constant 0 : index
    %get3A_15 = vector.load %arg1[%get3A_12, %get3A_13, %get3A_14] : memref<1x2000x64xf32, #tpu.memory_space<vmem>>, vector<1x2000x64xf32>
    %get3A_16 = vector.shape_cast %get3A_15 : vector<1x2000x64xf32> to vector<2000x64xf32>
    %get3A_17 = arith.constant 0 : index
    %get3A_18 = arith.constant 0 : index
    %get3A_19 = arith.constant 0 : index
    %get3A_20 = vector.load %arg2[%get3A_17, %get3A_18, %get3A_19] : memref<1x2000x64xf32, #tpu.memory_space<vmem>>, vector<1x2000x64xf32>
    %get3A_21 = vector.shape_cast %get3A_20 : vector<1x2000x64xf32> to vector<2000x64xf32>
    %add3A_22 = arith.addf %get3A_16, %get3A_21 : vector<2000x64xf32>
    %get3A_23 = arith.constant 0 : index
    %get3A_24 = arith.constant 0 : index
    %get3A_25 = vector.load %arg3[%get3A_23, %get3A_24] : memref<2000x64xf32, #tpu.memory_space<vmem>>, vector<2000x64xf32>
    %add3A_26 = arith.addf %add3A_22, %get3A_25 : vector<2000x64xf32>
    %mul3A = vector.broadcast %rsqrt3A : vector<2000x1xf32> to vector<2000x64xf32>
    %mul3A_27 = arith.mulf %add3A_26, %mul3A : vector<2000x64xf32>
    %get3A_28 = arith.constant 0 : index
    %get3A_29 = arith.constant 0 : index
    %get3A_30 = vector.load %arg6[%get3A_28, %get3A_29] : memref<1x64xf32, #tpu.memory_space<vmem>>, vector<1x64xf32>
    %add3A_31 = vector.broadcast %get3A_30 : vector<1x64xf32> to vector<2000x64xf32>
    %add3A_32 = arith.addf %mul3A_27, %add3A_31 : vector<2000x64xf32>
    %max3A = arith.constant 0.000000e+00 : f32
    %max3A_33 = vector.broadcast %max3A : f32 to vector<2000x64xf32>
    %max3A_34 = arith.maximumf %add3A_32, %max3A_33 : vector<2000x64xf32>
    %get3A_35 = arith.constant 0 : index
    %get3A_36 = arith.constant 0 : index
    %get3A_37 = arith.constant 0 : index
    %get3A_38 = vector.load %arg7[%get3A_35, %get3A_36, %get3A_37] : memref<1x1x2000xi32, #tpu.memory_space<vmem>>, vector<1x1x2000xi32>
    %get3A_39 = vector.shape_cast %get3A_38 : vector<1x1x2000xi32> to vector<2000xi32>
    %iota3A = tpu.iota {dimensions = array<i32: 1>} : vector<2000x64xi32>
    %broadcast_in_dim3A = vector.shape_cast %get3A_39 : vector<2000xi32> to vector<2000x1xi32>
    %eq3A = vector.broadcast %broadcast_in_dim3A : vector<2000x1xi32> to vector<2000x64xi32>
    %eq3A_40 = arith.cmpi eq, %eq3A, %iota3A : vector<2000x64xi32>
    %convert_element_type3A = arith.extui %eq3A_40 : vector<2000x64xi1> to vector<2000x64xi32>
    %convert_element_type3A_41 = arith.sitofp %convert_element_type3A : vector<2000x64xi32> to vector<2000x64xf32>
    %dot_general3A = arith.constant dense<0.000000e+00> : vector<64x64xf32>
    %dot_general3A_42 = tpu.matmul %convert_element_type3A_41, %max3A_34, %dot_general3A {dimension_numbers = #tpu.dot_dimension_numbers<[0], [0], [1], [1], [0, 1, 1, 1], [], []>, transpose_lhs_hint = false} : vector<2000x64xf32>, vector<2000x64xf32>, vector<64x64xf32> -> vector<64x64xf32>
    %broadcast_in_dim3A_43 = arith.constant 1.000000e+00 : f32
    %broadcast_in_dim3A_44 = vector.broadcast %broadcast_in_dim3A_43 : f32 to vector<2000x64xf32>
    %dot_general3A_45 = arith.constant dense<0.000000e+00> : vector<64x64xf32>
    %dot_general3A_46 = tpu.matmul %convert_element_type3A_41, %broadcast_in_dim3A_44, %dot_general3A_45 {dimension_numbers = #tpu.dot_dimension_numbers<[0], [0], [1], [1], [0, 1, 1, 1], [], []>, transpose_lhs_hint = false} : vector<2000x64xf32>, vector<2000x64xf32>, vector<64x64xf32> -> vector<64x64xf32>
    %eq3A_47 = arith.constant 0 : i32
    %eq3A_48 = arith.cmpi eq, %arg0, %eq3A_47 : i32
    %convert_element_type3A_49 = arith.extui %eq3A_48 : i1 to i32
    %cond3A = arith.constant 0 : i32
    %cond3A_50 = arith.cmpi ne, %convert_element_type3A_49, %cond3A : i32
    scf.if %cond3A_50 {
      %broadcast_in_dim3A_86 = arith.constant 0.000000e+00 : f32
      %broadcast_in_dim3A_87 = vector.broadcast %broadcast_in_dim3A_86 : f32 to vector<64x64xf32>
      %swap3A_88 = arith.constant 0 : index
      %swap3A_89 = arith.constant 0 : index
      %swap3A_90 = vector.load %arg11[%swap3A_88, %swap3A_89] : memref<64x64xf32, #tpu.memory_space<vmem>>, vector<64x64xf32>
      tpu.vector_store %arg11[%swap3A_88, %swap3A_89], %broadcast_in_dim3A_87 {strides = array<i32>} : memref<64x64xf32, #tpu.memory_space<vmem>>, vector<64x64xf32>,
      %broadcast_in_dim3A_91 = arith.constant 0.000000e+00 : f32
      %broadcast_in_dim3A_92 = vector.broadcast %broadcast_in_dim3A_91 : f32 to vector<64x64xf32>
      %swap3A_93 = arith.constant 0 : index
      %swap3A_94 = arith.constant 0 : index
      %swap3A_95 = vector.load %arg12[%swap3A_93, %swap3A_94] : memref<64x64xf32, #tpu.memory_space<vmem>>, vector<64x64xf32>
      tpu.vector_store %arg12[%swap3A_93, %swap3A_94], %broadcast_in_dim3A_92 {strides = array<i32>} : memref<64x64xf32, #tpu.memory_space<vmem>>, vector<64x64xf32>,
    } else {
    }
    %get3A_51 = arith.constant 0 : index
    %get3A_52 = arith.constant 0 : index
    %get3A_53 = vector.load %arg11[%get3A_51, %get3A_52] : memref<64x64xf32, #tpu.memory_space<vmem>>, vector<64x64xf32>
    %add3A_54 = arith.addf %get3A_53, %dot_general3A_42 : vector<64x64xf32>
    %swap3A = arith.constant 0 : index
    %swap3A_55 = arith.constant 0 : index
    %swap3A_56 = vector.load %arg11[%swap3A, %swap3A_55] : memref<64x64xf32, #tpu.memory_space<vmem>>, vector<64x64xf32>
    tpu.vector_store %arg11[%swap3A, %swap3A_55], %add3A_54 {strides = array<i32>} : memref<64x64xf32, #tpu.memory_space<vmem>>, vector<64x64xf32>,
    %get3A_57 = arith.constant 0 : index
    %get3A_58 = arith.constant 0 : index
    %get3A_59 = vector.load %arg12[%get3A_57, %get3A_58] : memref<64x64xf32, #tpu.memory_space<vmem>>, vector<64x64xf32>
    %add3A_60 = arith.addf %get3A_59, %dot_general3A_46 : vector<64x64xf32>
    %swap3A_61 = arith.constant 0 : index
    %swap3A_62 = arith.constant 0 : index
    %swap3A_63 = vector.load %arg12[%swap3A_61, %swap3A_62] : memref<64x64xf32, #tpu.memory_space<vmem>>, vector<64x64xf32>
    tpu.vector_store %arg12[%swap3A_61, %swap3A_62], %add3A_60 {strides = array<i32>} : memref<64x64xf32, #tpu.memory_space<vmem>>, vector<64x64xf32>,
    %get3A_64 = arith.constant 0 : index
    %get3A_65 = arith.constant 0 : index
    %get3A_66 = vector.load %arg11[%get3A_64, %get3A_65] : memref<64x64xf32, #tpu.memory_space<vmem>>, vector<64x64xf32>
    %get3A_67 = arith.constant 0 : index
    %get3A_68 = arith.constant 0 : index
    %get3A_69 = vector.load %arg12[%get3A_67, %get3A_68] : memref<64x64xf32, #tpu.memory_space<vmem>>, vector<64x64xf32>
    %max3A_70 = arith.constant 1.000000e+00 : f32
    %max3A_71 = vector.broadcast %max3A_70 : f32 to vector<64x64xf32>
    %max3A_72 = arith.maximumf %get3A_69, %max3A_71 : vector<64x64xf32>
    %div3A = arith.divf %get3A_66, %max3A_72 : vector<64x64xf32>
    %get3A_73 = arith.constant 0 : index
    %get3A_74 = arith.constant 0 : index
    %get3A_75 = vector.load %arg8[%get3A_73, %get3A_74] : memref<64x16xf32, #tpu.memory_space<vmem>>, vector<64x16xf32>
    %dot_general3A_76 = arith.constant dense<0.000000e+00> : vector<64x16xf32>
    %dot_general3A_77 = tpu.matmul %div3A, %get3A_75, %dot_general3A_76 {dimension_numbers = #tpu.dot_dimension_numbers<[1], [0], [0], [1], [0, 0, 1, 1], [], []>, transpose_lhs_hint = false} : vector<64x64xf32>, vector<64x16xf32>, vector<64x16xf32> -> vector<64x16xf32>
    %get3A_78 = arith.constant 0 : index
    %get3A_79 = arith.constant 0 : index
    %get3A_80 = vector.load %arg9[%get3A_78, %get3A_79] : memref<1x16xf32, #tpu.memory_space<vmem>>, vector<1x16xf32>
    %add3A_81 = vector.broadcast %get3A_80 : vector<1x16xf32> to vector<64x16xf32>
    %add3A_82 = arith.addf %dot_general3A_77, %add3A_81 : vector<64x16xf32>
    %swap3A_83 = arith.constant 0 : index
    %swap3A_84 = arith.constant 0 : index
    %swap3A_85 = vector.load %arg10[%swap3A_83, %swap3A_84] : memref<64x16xf32, #tpu.memory_space<vmem>>, vector<64x16xf32>
    tpu.vector_store %arg10[%swap3A_83, %swap3A_84], %add3A_82 {strides = array<i32>} : memref<64x16xf32, #tpu.memory_space<vmem>>, vector<64x16xf32>,
    return
  }
  func.func @transform_0(%arg0: i32) -> (i32, i32, i32) {
    %c0_i32 = arith.constant 0 : i32
    %c0_i32_0 = arith.constant 0 : i32
    %c0_i32_1 = arith.constant 0 : i32
    return %c0_i32, %arg0, %c0_i32_0 : i32, i32, i32
  }
  func.func @transform_1(%arg0: i32) -> (i32, i32, i32) {
    %c1_i32 = arith.constant 1 : i32
    %c0_i32 = arith.constant 0 : i32
    %c0_i32_0 = arith.constant 0 : i32
    return %c1_i32, %arg0, %c0_i32 : i32, i32, i32
  }
  func.func @transform_2(%arg0: i32) -> (i32, i32) {
    %c0_i32 = arith.constant 0 : i32
    %c0_i32_0 = arith.constant 0 : i32
    return %arg0, %c0_i32 : i32, i32
  }
  func.func @transform_3(%arg0: i32) -> (i32, i32, i32) {
    %c0_i32 = arith.constant 0 : i32
    %c0_i32_0 = arith.constant 0 : i32
    %c0_i32_1 = arith.constant 0 : i32
    return %c0_i32, %arg0, %c0_i32_0 : i32, i32, i32
  }
  func.func @transform_4(%arg0: i32) -> (i32, i32, i32) {
    %c1_i32 = arith.constant 1 : i32
    %c0_i32 = arith.constant 0 : i32
    %c0_i32_0 = arith.constant 0 : i32
    return %c1_i32, %arg0, %c0_i32 : i32, i32, i32
  }
  func.func @transform_5(%arg0: i32) -> (i32, i32) {
    %c0_i32 = arith.constant 0 : i32
    %c0_i32_0 = arith.constant 0 : i32
    %c0_i32_1 = arith.constant 0 : i32
    return %c0_i32, %c0_i32_0 : i32, i32
  }
  func.func @transform_6(%arg0: i32) -> (i32, i32, i32) {
    %c0_i32 = arith.constant 0 : i32
    %c0_i32_0 = arith.constant 0 : i32
    %c0_i32_1 = arith.constant 0 : i32
    return %arg0, %c0_i32, %c0_i32_0 : i32, i32, i32
  }
  func.func @transform_7(%arg0: i32) -> (i32, i32) {
    %c0_i32 = arith.constant 0 : i32
    %c0_i32_0 = arith.constant 0 : i32
    %c0_i32_1 = arith.constant 0 : i32
    return %c0_i32, %c0_i32_0 : i32, i32
  }
  func.func @transform_8(%arg0: i32) -> (i32, i32) {
    %c0_i32 = arith.constant 0 : i32
    %c0_i32_0 = arith.constant 0 : i32
    %c0_i32_1 = arith.constant 0 : i32
    return %c0_i32, %c0_i32_0 : i32, i32
  }
  func.func @transform_9(%arg0: i32) -> (i32, i32) {
    %c0_i32 = arith.constant 0 : i32
    %c0_i32_0 = arith.constant 0 : i32
    %c0_i32_1 = arith.constant 0 : i32
    return %c0_i32, %c0_i32_0 : i32, i32
  }
}

</mosaic_0001>

<sc_bundles>
// kernel: kernel.10.cloned.1.call-start
scs
__scs_entry_jumppad:
0x0: {  	(pc) =	sbr.rel $0x88, $3  }
0x1: {  	(tag) =	ssettag $0x0;
	lr =	simm.s32 $0x1  }
0x2: {  	[smem:$0x3F96] =	sst lr;
	_ =	strace $0xD0000000  }
0x3: {  	_ = 	snop  }
0x4: {  	_ = 	snop  }
0x5: {  	_ = 	snop  }
0x6: {  	_ = 	snop  }
0x7: {  	_ = 	snop  }
__scs_overlays_trampoline_lowered:
0x8: {  	[smem:$0x3FA5] =	sst s0  }
0x9: {  	[smem:$0x3FA6] =	sst s1  }
0xa: {  	[smem:$0x3FA7] =	sst s2  }
0xb: {  	[smem:$0x3FA8] =	sst s3  }
0xc: {  	[smem:$0x3FA9] =	sst s4  }
0xd: {  	[smem:$0x3FAA] =	sst s5  }
0xe: {  	[smem:$0x3FAB] =	sst s6  }
0xf: {  	[smem:$0x3FAC] =	sst s7  }
0x10: {  	[smem:$0x3FAD] =	sst s8  }
0x11: {  	[smem:$0x3FAE] =	sst s9;
	s0 =	simm.s32 @!p0 $0x0  }
0x12: {  	s1 =	sld [smem:$0x3F94];
	s0 =	simm.s32 @p0 $0x1  }
0x13: {  	[smem:$0x3FAF] =	sst s0;
	s0 =	simm.s32 @!p1 $0x0  }
0x14: {  	s2 =	sld [smem:$0x3F93];
	s0 =	simm.s32 @p1 $0x1  }
0x15: {  	[smem:$0x3FB0] =	sst s0;
	s0 =	simm.s32 @!p2 $0x0  }
0x16: {  	s3 =	sld [smem:$0x3FDB];
	s0 =	simm.s32 @p2 $0x1  }
0x17: {  	s4 =	simm.s32 $0x1BF5;
	[smem:$0x3FB2] =	sst s0  }
0x18: {  	s0 =	sld [smem:$0x3F95];
	_ =	swait.ge [sflag:s4], $0x0  }
0x19: {  	s7 =	sld [smem:$0x3F96]  }
0x1a: {  	s8 =	sadd.s32 $0xFFFFE003, lr  }
0x1b: {  	s9 =	sadd.s32 $0xFFFFFEF7, lr;
	s5 =	simm.s32 $0xFFFFFFFF;
	p2 =	slt.u32 s8, $0xFFFFF086  }
0x1c: {  	p1 =	slt.u32 s9, $0xF7A;
	s5 =	simm.s32 @!p2 $0x0  }
0x1d: {  	s5 =	simm.s32 @p1 $0x1;
	p0 =	seq.s32 s7, s2  }
0x1e: {  	s7 =	smul.u32 @!p0 $0xF7A, s2;
	p2 =	seq.s32 @!p0 s5, $0x0  }
0x1f: {  	s9 =	smul.u32 $0xF7A, s1;
	s8 =	simm.s32 @!p0 $0x1BF5;
	p2 =	por !p2, p0  }
0x20: {  	[sflag:s8] =	ssyncset.s32 @!p0 $0xFFFFF086;
	s6 =	sadd.s32 @!p0 s3, s7;
	s7 =	simm.s32 @!p0 $0x108  }
0x21: {  	s3 =	sadd.s32 s3, s9;
	s6 =	sadd.s32 @!p0 $0x88, s6;
	s7 =	simm.s32 @p2 $0x1082  }
0x22: {  	[simem:s7], [sflag:s8] =	dma.local @!p0 [hbm:s6], $0xF7A  }
0x23: {  	s9 =	sor.u32 $0xD0000000, s2;
	s6 =	simm.s32 $0x108;
	_ =	swait.ge @!p0 [sflag:s8], $0x0  }
0x24: {  	s3 =	sadd.s32 $0x88, s3;
	s6 =	simm.s32 @!p1 $0x1082;
	[sflag:s4] =	ssyncset.s32 $0xFFFFF086  }
0x25: {  	[simem:s6], [sflag:s4] =	dma.local [hbm:s3], $0xF7A  }
0x26: {  	[smem:$0x3F96] =	sst s1;
	(tag) =	ssettag s2;
	_ =	strace s9  }
0x27: {  	s1 =	sld [smem:$0x3FA6]  }
0x28: {  	s2 =	sld [smem:$0x3FA7]  }
0x29: {  	s4 =	sld [smem:$0x3FA9]  }
0x2a: {  	p0 =	seq.s32 s5, $0x0;
	s5 =	sld [smem:$0x3FAA]  }
0x2b: {  	s6 =	sld [smem:$0x3FAB]  }
0x2c: {  	s7 =	sld [smem:$0x3FAC]  }
0x2d: {  	s3 =	simm.s32 $0x108;
	s8 =	sld [smem:$0x3FAD]  }
0x2e: {  	s3 =	simm.s32 @!p0 $0x1082;
	s9 =	sld [smem:$0x3FAE]  }
0x2f: {  	lr =	sadd.s32 s0, s3;
	s0 =	sld [smem:$0x3FA5]  }
0x30: {  	s3 =	sld [smem:$0x3FA8]  }
0x31: {  	[smem:$0x3FB1] =	sst s10  }
0x32: {  	s10 =	sld [smem:$0x3FAF];
	_ =	sdelay $0x3  }
0x33: {  	p0 =	seq.s32 s10, $0x1;
	s10 =	sld [smem:$0x3FB1];
	_ =	sdelay $0x3  }
0x34: {  	[smem:$0x3FB1] =	sst s10  }
0x35: {  	s10 =	sld [smem:$0x3FB0];
	_ =	sdelay $0x3  }
0x36: {  	p1 =	seq.s32 s10, $0x1;
	s10 =	sld [smem:$0x3FB1];
	_ =	sdelay $0x3  }
0x37: {  	[smem:$0x3FB1] =	sst s10  }
0x38: {  	s10 =	sld [smem:$0x3FB2]  }
0x39: {  	_ = 	snop;
	(pc) =	sbr.ind lr, $3  }
0x3a: {  	_ = 	snop  }
0x3b: {  	_ = 	snop  }
0x3c: {  	p2 =	seq.s32 s10, $0x1;
	s10 =	sld [smem:$0x3FB1]  }
0x3d: {  	_ =	shalt  }
0x3e: {  	_ =	shalt  }
0x3f: {  	_ =	shalt  }
0x40: {  	_ =	shalt  }
0x41: {  	_ =	shalt  }
0x42: {  	_ =	shalt  }
0x43: {  	_ =	shalt  }
0x44: {  	_ =	shalt  }
0x45: {  	_ =	shalt  }
0x46: {  	_ =	shalt  }
0x47: {  	_ =	shalt  }
0x48: {  	_ =	shalt  }
0x49: {  	_ =	shalt  }
0x4a: {  	_ =	shalt  }
0x4b: {  	_ =	shalt  }
0x4c: {  	_ =	shalt  }
0x4d: {  	_ =	shalt  }
0x4e: {  	_ =	shalt  }
0x4f: {  	_ =	shalt  }
0x50: {  	_ =	shalt  }
0x51: {  	_ =	shalt  }
0x52: {  	_ =	shalt  }
0x53: {  	_ =	shalt  }
0x54: {  	_ =	shalt  }
0x55: {  	_ =	shalt  }
0x56: {  	_ =	shalt  }
0x57: {  	_ =	shalt  }
0x58: {  	_ =	shalt  }
0x59: {  	_ =	shalt  }
0x5a: {  	_ =	shalt  }
0x5b: {  	_ =	shalt  }
0x5c: {  	_ =	shalt  }
0x5d: {  	_ =	shalt  }
0x5e: {  	_ =	shalt  }
0x5f: {  	_ =	shalt  }
0x60: {  	_ =	shalt  }
0x61: {  	_ =	shalt  }
0x62: {  	_ =	shalt  }
0x63: {  	_ =	shalt  }
0x64: {  	_ =	shalt  }
0x65: {  	_ =	shalt  }
0x66: {  	_ =	shalt  }
0x67: {  	_ =	shalt  }
0x68: {  	_ =	shalt  }
0x69: {  	_ =	shalt  }
0x6a: {  	_ =	shalt  }
0x6b: {  	_ =	shalt  }
0x6c: {  	_ =	shalt  }
0x6d: {  	_ =	shalt  }
0x6e: {  	_ =	shalt  }
0x6f: {  	_ =	shalt  }
0x70: {  	_ =	shalt  }
0x71: {  	_ =	shalt  }
0x72: {  	_ =	shalt  }
0x73: {  	_ =	shalt  }
0x74: {  	_ =	shalt  }
0x75: {  	_ =	shalt  }
0x76: {  	_ =	shalt  }
0x77: {  	_ =	shalt  }
0x78: {  	_ =	shalt  }
0x79: {  	_ =	shalt  }
0x7a: {  	_ =	shalt  }
0x7b: {  	_ =	shalt  }
0x7c: {  	_ =	shalt  }
0x7d: {  	_ =	shalt  }
0x7e: {  	_ =	shalt  }
0x7f: {  	_ =	shalt  }
0x80: {  	_ =	shalt  }
0x81: {  	_ =	shalt  }
0x82: {  	_ =	shalt  }
0x83: {  	_ =	shalt  }
0x84: {  	_ =	shalt  }
0x85: {  	_ =	shalt  }
0x86: {  	_ =	shalt  }
0x87: {  	_ =	shalt  }
.Lfunc_end0:
.L_simem_size_0:
called_computation_lowered:
.L_overlay_start_0:
0x88: {  	s2 =	sld [smem:$0x3FD9]  }
0x89: {  	s3 =	sld [smem:$0x3FFE];
	_ =	sdelay $0x1  }
0x8a: {  	s1 =	srdreg.scid  }
0x8b: {  	s0 =	sand.u32 $0x1, s1  }
0x8c: {  	s17 =	sshll.u32 s0, $0xA;
	s2 =	sadd.s32 s3, s2  }
0x8d: {  	s2 =	sadd.s32 s2, s17  }
0x8e: {  	[smem:$0x3FBD] =	sst s2  }
0x8f: {  	_ = 	snop  }
0x90: {  	s2 =	sld [smem:$0x3FD0];
	(tm) =	ssettm $0x1  }
0x91: {  	s18 =	sld [smem:$0x3FFB];
	_ =	sdelay $0x3  }
0x92: {  	_ =	strace s18  }
0x93: {  	s3 =	sld [smem:$0x3FFC];
	_ =	sdelay $0x3  }
0x94: {  	_ =	strace s3  }
0x95: {  	s3 =	sld [smem:$0x3FFD];
	_ =	sdelay $0x3  }
0x96: {  	_ =	strace s3  }
0x97: {  	_ =	strace $0x8FFFFFFF  }
0x98: {  	s19 =	sld [smem:$0x3FDB];
	_ =	sdelay $0x1  }
0x99: {  	s4 =	simm.s32 $_scs_section_size  }
0x9a: {  	s5 =	simm.s32 $_size__tile_overlayer_lowered;
	s6 =	simm.s32 $_tile_overlayer_lowered  }
0x9b: {  	s22 =	simm.s32 $0x1BFF;
	s21 =	sshll.u32 s6, $0x1;
	s3 =	sadd.s32 s4, s19  }
0x9c: {  	s7 =	simm.s32 $0x0;
	s20 =	sshll.u32 s5, $0x1;
	s5 =	sadd.s32 s21, s3  }
0x9d: {  	[timem:s7], [sflag:s22] =	dma.local [hbm:s5], s20  }
0x9e: {  	_ =	swait.ge [sflag:s22], s20  }
0x9f: {  	s4 =	ssub.s32 $0x0, s20;
	[sflag:s22] =	ssyncset.done $0x0  }
0xa0: {  	[sflag:s22] =	ssyncadd.s32 s4;
	_ =	sdelay $0x1  }
0xa1: {  	s23 =	simm.s32 $0x1B8B  }
0xa2: {  	_ =	swait.ge [sflag:s23], $0x1  }
0xa3: {  	[sflag:s23] =	ssyncset.done $0x0  }
0xa4: {  	s25 =	simm.s32 $0x1B8E;
	s24 =	sld [smem:$0x3FFE];
	[sflag:s23] =	ssyncadd.s32 $0xFFFFFFFF  }
0xa5: {  	s26 =	simm.s32 $execute0_lowered;
	[smem:$0x3FD2] =	sst s25  }
0xa6: {  	s5 =	sshll.u32 s26, $0x1;
	_ =	strace $0x80000046;
	[dreg:$0x1] =	wrdreg $0xFFFFFFFF  }
0xa7: {  	s28 =	simm.s32 $_size_execute0_lowered;
	s3 =	sadd.s32 s3, s5;
	[dreg:$0x0] =	wrdreg $0x0  }
0xa8: {  	s5 =	sshll.u32 s28, $0x1;
	[dreg:$0x2] =	wrdreg s3  }
0xa9: {  	[dreg:$0x3] =	wrdreg s5  }
0xaa: {  	[dreg:$0x4] =	wrdreg $0xC0  }
0xab: {  	_ =	task [dreg:s7], $0x5FFFF  }
0xac: {  	[dreg:$0x1] =	wrdreg $0xFFFFFFFF  }
0xad: {  	[dreg:$0x0] =	wrdreg $0x60  }
0xae: {  	[dreg:$0x2] =	wrdreg s24  }
0xaf: {  	[dreg:$0x3] =	wrdreg s2  }
0xb0: {  	[dreg:$0x4] =	wrdreg $0x8800  }
0xb1: {  	[dreg:$0x5] =	wrdreg $0x9  }
0xb2: {  	_ =	task.clear_ibuf [dreg:s7], $0x6FFFF;
	_ =	strace $0x90000046  }
0xb3: {  	s29 =	simm.s32 $0x9;
	_ =	strace $0x80000048  }
0xb4: {  	_ =	swait.ge [sflag:s29], $0x1  }
0xb5: {  	[sflag:s29] =	ssyncadd.s32 $0xFFFFFFFF  }
0xb6: {  	_ =	strace $0x90000048  }
0xb7: {  	_ =	sfence  }
0xb8: {  	s30 =	sld [smem:$0x0];
	_ =	sdelay $0x2  }
0xb9: {  	s31 =	sshll.u32 s1, $0xD;
	s1 =	sshrl.u32 s1, $0x2  }
0xba: {  	s3 =	sand.u32 $0x4000, s31;
	s1 =	sadd.s32 s1, s30  }
0xbb: {  	s0 =	sor.u32 s3, s0;
	s1 =	sshll.u32 s1, $0x11  }
0xbc: {  	s0 =	sor.u32 s1, s0  }
0xbd: {  	s0 =	sadd.s32 $0x8F2B, s0  }
0xbe: {  	[sflag:s0] =	ssyncadd.remote.s32 $0x1  }
0xbf: {  	_ =	sfence.sel $0xFFFF  }
0xc0: {  	[dreg:$0x0] =	wrdreg $0xFFFFFFFF;
	(pc) =	sbr.abs _section_cstart, $3  }
0xc1: {  	[dreg:$0x1] =	wrdreg $0xFFFFFFFF  }
0xc2: {  	_ =	task.clear_ibuf [dreg:s7], $0x2FFFF;
	_ =	strace $0x9FFFFFFF  }
0xc3: {  	(tm) =	ssettm $0x7FFFFFFF  }
tec
execute0_lowered:
.L_overlay_start_1:
0x0: {  	(tag) =	ssettag $0x1  }
0x1: {  	s6 =	rddreg [dreg:$0x0]  }
0x2: {  	s1 =	rddreg [dreg:$0x1]  }
0x3: {  	s3 =	rddreg [dreg:$0x2]  }
0x4: {  	s0 =	rddreg [dreg:$0x3];
	s2 =	stileid.u32  }
0x5: {  	s4 =	simm.s32 $0x0;
	s7 =	srdreg.scid;
	s5 =	smul.u32 $0x9E0, s2  }
0x6: {  	[smem:$0x7FF] =	sst s4;
	s13 =	sand.u32 $0x1, s7;
	s10 =	smul.u32 $0x2800, s2  }
0x7: {  	s16 =	sadd.s32 $0xC400, s6;
	_ =	strace $0x80000047;
	s19 =	smul.u32 $0x28000, s13  }
0x8: {  	s7 =	ssub.s32 $0x2, s13;
	s28 =	smul.u32 $0x4F0, s13;
	s15 =	sadd.s32 s5, s6  }
0x9: {  	s5 =	sadd.s32 $0xC200, s6;
	s26 =	sshrl.u32 s7, $0x1;
	s6 =	sadd.s32 s10, s3  }
0xa: {  	s11 =	sadd.s32 $0x800, s10;
	s14 =	sadd.s32 $0x1000, s10;
	s18 =	sadd.s32 $0x1800, s10  }
0xb: {  	s20 =	sadd.s32 $0x2000, s10;
	s17 =	ssub.s32 s7, s26;
	s7 =	sadd.s32 s11, s3  }
0xc: {  	s8 =	sadd.s32 s14, s3;
	s9 =	sadd.s32 s18, s3;
	s12 =	sadd.s32 s10, s19  }
0xd: {  	s11 =	sadd.s32 s19, s11;
	s10 =	sadd.s32 s20, s3;
	s14 =	sadd.s32 s19, s14  }
0xe: {  	s18 =	sadd.s32 s19, s18;
	s30 =	sadd.s32 s19, s20;
	s31 =	sadd.s32 s28, s15  }
0xf: {  	s19 =	simm.s32 $0x1;
	s20 =	simm.s32 $0x0;
	s12 =	sshrl.u32 s12, $0x3  }
0x10: {  	s21 =	sshrl.u32 s11, $0x3;
	s14 =	sshrl.u32 s14, $0x3;
	s29 =	sshrl.u32 s18, $0x3  }
0x11: {  	s18 =	sshrl.u32 s30, $0x3;
	s11 =	sadd.s32 s16, s12;
	s12 =	sadd.s32 s16, s21  }
0x12: {  	s13 =	sadd.s32 s16, s14;
	s14 =	sadd.s32 s16, s29;
	s15 =	sadd.s32 s16, s18  }
0x13: {  	s16 =	smax.u32 s17, $0x1;
	s17 =	sadd.s32 $0x2400, s31;
	s18 =	simm.s32 $0x80  }
.LBB2_1:
0x14: {  	[tilespmem:s18], [sflag:$0x1] =	stream.linear.gather [hbm4b:s5+s4], $0x800, $0x38;
	[tilespmem:$0x3080] =	vst v63  }
0x15: {  	_ =	swait.ge [sflag:s19], $0x800  }
0x16: {  	[sflag:s19] =	ssyncset.done $0x0  }
0x17: {  	[sflag:s19] =	ssyncadd.s32 $0xFFFFF800  }
0x18: {  	[spmem:s6] =	stream.linear.scatter [tilespmem:s18], [sflag:$0x1], $0x800, $0x38;
	[tilespmem:$0x3080] =	vst v63  }
0x19: {  	_ =	swait.ge [sflag:s19], $0x800  }
0x1a: {  	[sflag:s19] =	ssyncset.done $0x0  }
0x1b: {  	[sflag:s19] =	ssyncadd.s32 $0xFFFFF800  }
0x1c: {  	[spmem:s7] =	stream.linear.scatter [tilespmem:s18], [sflag:$0x1], $0x800, $0x38;
	[tilespmem:$0x3080] =	vst v63  }
0x1d: {  	_ =	swait.ge [sflag:s19], $0x800  }
0x1e: {  	[sflag:s19] =	ssyncset.done $0x0  }
0x1f: {  	[sflag:s19] =	ssyncadd.s32 $0xFFFFF800  }
0x20: {  	[spmem:s8] =	stream.linear.scatter [tilespmem:s18], [sflag:$0x1], $0x800, $0x38;
	[tilespmem:$0x3080] =	vst v63  }
0x21: {  	_ =	swait.ge [sflag:s19], $0x800  }
0x22: {  	[sflag:s19] =	ssyncset.done $0x0  }
0x23: {  	[sflag:s19] =	ssyncadd.s32 $0xFFFFF800  }
0x24: {  	[spmem:s9] =	stream.linear.scatter [tilespmem:s18], [sflag:$0x1], $0x800, $0x38;
	[tilespmem:$0x3080] =	vst v63  }
0x25: {  	_ =	swait.ge [sflag:s19], $0x800  }
0x26: {  	[sflag:s19] =	ssyncset.done $0x0  }
0x27: {  	[sflag:s19] =	ssyncadd.s32 $0xFFFFF800  }
0x28: {  	[spmem:s10] =	stream.linear.scatter [tilespmem:s18], [sflag:$0x1], $0x800, $0x38;
	[tilespmem:$0x3080] =	vst v63  }
0x29: {  	_ =	swait.ge [sflag:s19], $0x800  }
0x2a: {  	[sflag:s19] =	ssyncset.done $0x0  }
0x2b: {  	[sflag:s19] =	ssyncadd.s32 $0xFFFFF800  }
0x2c: {  	[tilespmem:s18], [sflag:$0x1] =	stream.linear.gather [hbm4b:s1+s4], $0x800, $0x38;
	[tilespmem:$0x3080] =	vst v63  }
0x2d: {  	_ =	swait.ge [sflag:s19], $0x800  }
0x2e: {  	[sflag:s19] =	ssyncset.done $0x0  }
0x2f: {  	[sflag:s19] =	ssyncadd.s32 $0xFFFFF800  }
0x30: {  	s21 =	sadd.s32 $0x0, s17;
	[bflag:$0x0] =	sbarrier.arrive $0xFFFF  }
0x31: {  	[tilespmem:s4], [sflag:$0x1] =	stream.linear.gather [hbm4b:s21+s4], $0x80, $0x38;
	[tilespmem:$0x3080] =	vst v63  }
0x32: {  	_ =	swait.ge [sflag:s19], $0x80  }
0x33: {  	[sflag:s19] =	ssyncset.done $0x0  }
0x34: {  	[sflag:s19] =	ssyncadd.s32 $0xFFFFFF80  }
0x35: {  	[spmem:s3] =	stream.indirect.scatter.add.f32 [tilespmem:s18], [sflag:$0x1], $0x10, s4, s18, $0xb8;
	[tilespmem:$0x3080] =	vst v63  }
0x36: {  	_ =	swait.ge [sflag:s19], $0x800  }
0x37: {  	s22 =	simm.s32 $0x20;
	s21 =	simm.s32 $0x10;
	[sflag:s19] =	ssyncset.done $0x0  }
.LBB2_2:
0x38: {  	s23 =	sadd.s32 s21, s17  }
0x39: {  	[sflag:s19] =	ssyncadd.s32 $0xFFFFF800;
	s21 =	smov.u32 s22;
	s24 =	sadd.s32 $0x10, s22  }
0x3a: {  	[tilespmem:s4], [sflag:$0x1] =	stream.linear.gather [hbm4b:s23+s4], $0x80, $0x38;
	[tilespmem:$0x3080] =	vst v63  }
0x3b: {  	p0 =	sne.s32 s22, $0x4E0;
	_ =	swait.ge [sflag:s19], $0x80  }
.Ltmp0:
0x3c: {  	[sflag:s19] =	ssyncset.done $0x0;
	(pc) =	sbr.rel @p0 .LBB2_2-.Ltmp0, $4  }
0x3d: {  	[sflag:s19] =	ssyncadd.s32 $0xFFFFFF80  }
0x3e: {  	[spmem:s3] =	stream.indirect.scatter.add.f32 [tilespmem:s18], [sflag:$0x1], $0x10, s4, s18, $0xb8;
	[tilespmem:$0x3080] =	vst v63  }
0x3f: {  	_ =	swait.ge [sflag:s19], $0x800  }
0x40: {  	s22 =	smov.u32 s24;
	[sflag:s19] =	ssyncset.done $0x0  }
0x41: {  	s21 =	sadd.s32 s21, s17;
	[sflag:s19] =	ssyncadd.s32 $0xFFFFF800  }
0x42: {  	[tilespmem:s4], [sflag:$0x1] =	stream.linear.gather [hbm4b:s21+s4], $0x80, $0x38;
	[tilespmem:$0x3080] =	vst v63  }
0x43: {  	_ =	swait.ge [sflag:s19], $0x80  }
0x44: {  	[sflag:s19] =	ssyncset.done $0x0  }
0x45: {  	[sflag:s19] =	ssyncadd.s32 $0xFFFFFF80  }
0x46: {  	[spmem:s3] =	stream.indirect.scatter.add.f32 [tilespmem:s18], [sflag:$0x1], $0x10, s4, s18, $0xb8;
	[tilespmem:$0x3080] =	vst v63  }
0x47: {  	_ =	swait.ge [sflag:s19], $0x800  }
0x48: {  	[sflag:s19] =	ssyncset.done $0x0  }
0x49: {  	[sflag:s19] =	ssyncadd.s32 $0xFFFFF800  }
0x4a: {  	[bflag:$0x0] =	sbarrier.arrive $0xFFFF  }
0x4b: {  	[tilespmem:s18], [sflag:$0x1] =	stream.linear.gather [spmem:s6], $0x800, $0x38;
	[tilespmem:$0x3080] =	vst v63  }
0x4c: {  	_ =	swait.ge [sflag:s19], $0x800  }
0x4d: {  	[sflag:s19] =	ssyncset.done $0x0  }
0x4e: {  	[sflag:s19] =	ssyncadd.s32 $0xFFFFF800  }
0x4f: {  	[hbm4b:s11+s4] =	stream.linear.scatter [tilespmem:s18], [sflag:$0x1], $0x800, $0x38;
	[tilespmem:$0x3080] =	vst v63  }
0x50: {  	_ =	swait.ge [sflag:s19], $0x800  }
0x51: {  	[sflag:s19] =	ssyncset.done $0x0  }
0x52: {  	[sflag:s19] =	ssyncadd.s32 $0xFFFFF800  }
0x53: {  	[tilespmem:s18], [sflag:$0x1] =	stream.linear.gather [spmem:s7], $0x800, $0x38;
	[tilespmem:$0x3080] =	vst v63  }
0x54: {  	_ =	swait.ge [sflag:s19], $0x800  }
0x55: {  	[sflag:s19] =	ssyncset.done $0x0  }
0x56: {  	[sflag:s19] =	ssyncadd.s32 $0xFFFFF800  }
0x57: {  	[hbm4b:s12+s4] =	stream.linear.scatter [tilespmem:s18], [sflag:$0x1], $0x800, $0x38;
	[tilespmem:$0x3080] =	vst v63  }
0x58: {  	_ =	swait.ge [sflag:s19], $0x800  }
0x59: {  	[sflag:s19] =	ssyncset.done $0x0  }
0x5a: {  	[sflag:s19] =	ssyncadd.s32 $0xFFFFF800  }
0x5b: {  	[tilespmem:s18], [sflag:$0x1] =	stream.linear.gather [spmem:s8], $0x800, $0x38;
	[tilespmem:$0x3080] =	vst v63  }
0x5c: {  	_ =	swait.ge [sflag:s19], $0x800  }
0x5d: {  	[sflag:s19] =	ssyncset.done $0x0  }
0x5e: {  	[sflag:s19] =	ssyncadd.s32 $0xFFFFF800  }
0x5f: {  	[hbm4b:s13+s4] =	stream.linear.scatter [tilespmem:s18], [sflag:$0x1], $0x800, $0x38;
	[tilespmem:$0x3080] =	vst v63  }
0x60: {  	_ =	swait.ge [sflag:s19], $0x800  }
0x61: {  	[sflag:s19] =	ssyncset.done $0x0  }
0x62: {  	[sflag:s19] =	ssyncadd.s32 $0xFFFFF800  }
0x63: {  	[tilespmem:s18], [sflag:$0x1] =	stream.linear.gather [spmem:s9], $0x800, $0x38;
	[tilespmem:$0x3080] =	vst v63  }
0x64: {  	_ =	swait.ge [sflag:s19], $0x800  }
0x65: {  	[sflag:s19] =	ssyncset.done $0x0  }
0x66: {  	[sflag:s19] =	ssyncadd.s32 $0xFFFFF800  }
0x67: {  	[hbm4b:s14+s4] =	stream.linear.scatter [tilespmem:s18], [sflag:$0x1], $0x800, $0x38;
	[tilespmem:$0x3080] =	vst v63  }
0x68: {  	_ =	swait.ge [sflag:s19], $0x800  }
0x69: {  	[sflag:s19] =	ssyncset.done $0x0  }
0x6a: {  	[sflag:s19] =	ssyncadd.s32 $0xFFFFF800  }
0x6b: {  	[tilespmem:s18], [sflag:$0x1] =	stream.linear.gather [spmem:s10], $0x800, $0x38;
	[tilespmem:$0x3080] =	vst v63  }
0x6c: {  	s20 =	sadd.s32 $0x1, s20;
	_ =	swait.ge [sflag:s19], $0x800  }
0x6d: {  	p0 =	sne.s32 s20, s16;
	[sflag:s19] =	ssyncset.done $0x0  }
.Ltmp1:
0x6e: {  	[sflag:s19] =	ssyncadd.s32 $0xFFFFF800;
	(pc) =	sbr.rel @p0 .LBB2_1-.Ltmp1, $4  }
0x6f: {  	[hbm4b:s15+s4] =	stream.linear.scatter [tilespmem:s18], [sflag:$0x1], $0x800, $0x38;
	[tilespmem:$0x3080] =	vst v63  }
0x70: {  	_ =	swait.ge [sflag:s19], $0x800  }
0x71: {  	[sflag:s19] =	ssyncset.done $0x0  }
0x72: {  	[sflag:s19] =	ssyncadd.s32 $0xFFFFF800  }
0x73: {  	_ =	sfence.sel $0x180000  }
0x74: {  	[bflag:$0x0] =	sbarrier.arrive $0xFFFF  }
0x75: {  	p0 =	sne.s32 s2, $0x0;
	_ =	strace $0x90000047  }
0x76: {  	s0 =	sadd.s32 @!p0 $0x100000, s0;
	[bflag:$0x2] =	sbarrier.arrive $0xFFFF  }
0x77: {  	[sflag:s0] =	ssyncadd.tile.s32 @!p0 $0x1;
	_ =	shalt  }
.Lfunc_end2:
_tile_overlayer_lowered:
.L_overlay_start_2:
0x78: {  	(tag) =	ssettag $0x2  }
0x79: {  	s0 =	rddreg [dreg:$0x0];
	s2 =	stileid.u32  }
0x7a: {  	s1 =	rddreg [dreg:$0x1];
	p0 =	sne.s32 s2, $0x0  }
0x7b: {  	s3 =	rddreg [dreg:$0x2];
	[bflag:$0x3] =	sbarrier.arrive $0xFFFF;
	s2 =	simm.s32 @!p0 $0x1C01  }
0x7c: {  	[timem:s3], [sflag:s2] =	dma.local @!p0 [hbm:s0], s1  }
0x7d: {  	s0 =	simm.s32 @!p0 $0x1  }
0x7e: {  	_ =	swait.ge @!p0 [sflag:s0], s1  }
0x7f: {  	s1 =	ssub.s32 @!p0 $0x0, s1;
	[sflag:s0] =	ssyncset.done @!p0 $0x0  }
0x80: {  	[sflag:s0] =	ssyncadd.s32 @!p0 s1  }
0x81: {  	[bflag:$0x3] =	sbarrier.arrive $0xFFFF  }
0x82: {  	_ =	shalt  }

// kernel: kernel.13.cloned.1.call-start
scs
__scs_entry_jumppad:
0x0: {  	(pc) =	sbr.rel $0x88, $3  }
0x1: {  	(tag) =	ssettag $0x0;
	lr =	simm.s32 $0x1  }
0x2: {  	[smem:$0x3F96] =	sst lr;
	_ =	strace $0xD0000000  }
0x3: {  	_ = 	snop  }
0x4: {  	_ = 	snop  }
0x5: {  	_ = 	snop  }
0x6: {  	_ = 	snop  }
0x7: {  	_ = 	snop  }
__scs_overlays_trampoline_lowered:
0x8: {  	[smem:$0x3FA5] =	sst s0  }
0x9: {  	[smem:$0x3FA6] =	sst s1  }
0xa: {  	[smem:$0x3FA7] =	sst s2  }
0xb: {  	[smem:$0x3FA8] =	sst s3  }
0xc: {  	[smem:$0x3FA9] =	sst s4  }
0xd: {  	[smem:$0x3FAA] =	sst s5  }
0xe: {  	[smem:$0x3FAB] =	sst s6  }
0xf: {  	[smem:$0x3FAC] =	sst s7  }
0x10: {  	[smem:$0x3FAD] =	sst s8  }
0x11: {  	[smem:$0x3FAE] =	sst s9;
	s0 =	simm.s32 @!p0 $0x0  }
0x12: {  	s1 =	sld [smem:$0x3F94];
	s0 =	simm.s32 @p0 $0x1  }
0x13: {  	[smem:$0x3FAF] =	sst s0;
	s0 =	simm.s32 @!p1 $0x0  }
0x14: {  	s2 =	sld [smem:$0x3F93];
	s0 =	simm.s32 @p1 $0x1  }
0x15: {  	[smem:$0x3FB0] =	sst s0;
	s0 =	simm.s32 @!p2 $0x0  }
0x16: {  	s3 =	sld [smem:$0x3FDB];
	s0 =	simm.s32 @p2 $0x1  }
0x17: {  	s4 =	simm.s32 $0x1BF5;
	[smem:$0x3FB2] =	sst s0  }
0x18: {  	s0 =	sld [smem:$0x3F95];
	_ =	swait.ge [sflag:s4], $0x0  }
0x19: {  	s7 =	sld [smem:$0x3F96]  }
0x1a: {  	s8 =	sadd.s32 $0xFFFFE003, lr  }
0x1b: {  	s9 =	sadd.s32 $0xFFFFFEF7, lr;
	s5 =	simm.s32 $0xFFFFFFFF;
	p2 =	slt.u32 s8, $0xFFFFF086  }
0x1c: {  	p1 =	slt.u32 s9, $0xF7A;
	s5 =	simm.s32 @!p2 $0x0  }
0x1d: {  	s5 =	simm.s32 @p1 $0x1;
	p0 =	seq.s32 s7, s2  }
0x1e: {  	s7 =	smul.u32 @!p0 $0xF7A, s2;
	p2 =	seq.s32 @!p0 s5, $0x0  }
0x1f: {  	s9 =	smul.u32 $0xF7A, s1;
	s8 =	simm.s32 @!p0 $0x1BF5;
	p2 =	por !p2, p0  }
0x20: {  	[sflag:s8] =	ssyncset.s32 @!p0 $0xFFFFF086;
	s6 =	sadd.s32 @!p0 s3, s7;
	s7 =	simm.s32 @!p0 $0x108  }
0x21: {  	s3 =	sadd.s32 s3, s9;
	s6 =	sadd.s32 @!p0 $0x88, s6;
	s7 =	simm.s32 @p2 $0x1082  }
0x22: {  	[simem:s7], [sflag:s8] =	dma.local @!p0 [hbm:s6], $0xF7A  }
0x23: {  	s9 =	sor.u32 $0xD0000000, s2;
	s6 =	simm.s32 $0x108;
	_ =	swait.ge @!p0 [sflag:s8], $0x0  }
0x24: {  	s3 =	sadd.s32 $0x88, s3;
	s6 =	simm.s32 @!p1 $0x1082;
	[sflag:s4] =	ssyncset.s32 $0xFFFFF086  }
0x25: {  	[simem:s6], [sflag:s4] =	dma.local [hbm:s3], $0xF7A  }
0x26: {  	[smem:$0x3F96] =	sst s1;
	(tag) =	ssettag s2;
	_ =	strace s9  }
0x27: {  	s1 =	sld [smem:$0x3FA6]  }
0x28: {  	s2 =	sld [smem:$0x3FA7]  }
0x29: {  	s4 =	sld [smem:$0x3FA9]  }
0x2a: {  	p0 =	seq.s32 s5, $0x0;
	s5 =	sld [smem:$0x3FAA]  }
0x2b: {  	s6 =	sld [smem:$0x3FAB]  }
0x2c: {  	s7 =	sld [smem:$0x3FAC]  }
0x2d: {  	s3 =	simm.s32 $0x108;
	s8 =	sld [smem:$0x3FAD]  }
0x2e: {  	s3 =	simm.s32 @!p0 $0x1082;
	s9 =	sld [smem:$0x3FAE]  }
0x2f: {  	lr =	sadd.s32 s0, s3;
	s0 =	sld [smem:$0x3FA5]  }
0x30: {  	s3 =	sld [smem:$0x3FA8]  }
0x31: {  	[smem:$0x3FB1] =	sst s10  }
0x32: {  	s10 =	sld [smem:$0x3FAF];
	_ =	sdelay $0x3  }
0x33: {  	p0 =	seq.s32 s10, $0x1;
	s10 =	sld [smem:$0x3FB1];
	_ =	sdelay $0x3  }
0x34: {  	[smem:$0x3FB1] =	sst s10  }
0x35: {  	s10 =	sld [smem:$0x3FB0];
	_ =	sdelay $0x3  }
0x36: {  	p1 =	seq.s32 s10, $0x1;
	s10 =	sld [smem:$0x3FB1];
	_ =	sdelay $0x3  }
0x37: {  	[smem:$0x3FB1] =	sst s10  }
0x38: {  	s10 =	sld [smem:$0x3FB2]  }
0x39: {  	_ = 	snop;
	(pc) =	sbr.ind lr, $3  }
0x3a: {  	_ = 	snop  }
0x3b: {  	_ = 	snop  }
0x3c: {  	p2 =	seq.s32 s10, $0x1;
	s10 =	sld [smem:$0x3FB1]  }
0x3d: {  	_ =	shalt  }
0x3e: {  	_ =	shalt  }
0x3f: {  	_ =	shalt  }
0x40: {  	_ =	shalt  }
0x41: {  	_ =	shalt  }
0x42: {  	_ =	shalt  }
0x43: {  	_ =	shalt  }
0x44: {  	_ =	shalt  }
0x45: {  	_ =	shalt  }
0x46: {  	_ =	shalt  }
0x47: {  	_ =	shalt  }
0x48: {  	_ =	shalt  }
0x49: {  	_ =	shalt  }
0x4a: {  	_ =	shalt  }
0x4b: {  	_ =	shalt  }
0x4c: {  	_ =	shalt  }
0x4d: {  	_ =	shalt  }
0x4e: {  	_ =	shalt  }
0x4f: {  	_ =	shalt  }
0x50: {  	_ =	shalt  }
0x51: {  	_ =	shalt  }
0x52: {  	_ =	shalt  }
0x53: {  	_ =	shalt  }
0x54: {  	_ =	shalt  }
0x55: {  	_ =	shalt  }
0x56: {  	_ =	shalt  }
0x57: {  	_ =	shalt  }
0x58: {  	_ =	shalt  }
0x59: {  	_ =	shalt  }
0x5a: {  	_ =	shalt  }
0x5b: {  	_ =	shalt  }
0x5c: {  	_ =	shalt  }
0x5d: {  	_ =	shalt  }
0x5e: {  	_ =	shalt  }
0x5f: {  	_ =	shalt  }
0x60: {  	_ =	shalt  }
0x61: {  	_ =	shalt  }
0x62: {  	_ =	shalt  }
0x63: {  	_ =	shalt  }
0x64: {  	_ =	shalt  }
0x65: {  	_ =	shalt  }
0x66: {  	_ =	shalt  }
0x67: {  	_ =	shalt  }
0x68: {  	_ =	shalt  }
0x69: {  	_ =	shalt  }
0x6a: {  	_ =	shalt  }
0x6b: {  	_ =	shalt  }
0x6c: {  	_ =	shalt  }
0x6d: {  	_ =	shalt  }
0x6e: {  	_ =	shalt  }
0x6f: {  	_ =	shalt  }
0x70: {  	_ =	shalt  }
0x71: {  	_ =	shalt  }
0x72: {  	_ =	shalt  }
0x73: {  	_ =	shalt  }
0x74: {  	_ =	shalt  }
0x75: {  	_ =	shalt  }
0x76: {  	_ =	shalt  }
0x77: {  	_ =	shalt  }
0x78: {  	_ =	shalt  }
0x79: {  	_ =	shalt  }
0x7a: {  	_ =	shalt  }
0x7b: {  	_ =	shalt  }
0x7c: {  	_ =	shalt  }
0x7d: {  	_ =	shalt  }
0x7e: {  	_ =	shalt  }
0x7f: {  	_ =	shalt  }
0x80: {  	_ =	shalt  }
0x81: {  	_ =	shalt  }
0x82: {  	_ =	shalt  }
0x83: {  	_ =	shalt  }
0x84: {  	_ =	shalt  }
0x85: {  	_ =	shalt  }
0x86: {  	_ =	shalt  }
0x87: {  	_ =	shalt  }
.Lfunc_end0:
.L_simem_size_0:
called_computation.1_lowered:
.L_overlay_start_0:
0x88: {  	s2 =	sld [smem:$0x3FD9]  }
0x89: {  	s3 =	sld [smem:$0x3FFE];
	_ =	sdelay $0x1  }
0x8a: {  	s1 =	srdreg.scid  }
0x8b: {  	s0 =	sand.u32 $0x1, s1  }
0x8c: {  	s16 =	sshll.u32 s0, $0xA;
	s2 =	sadd.s32 s3, s2  }
0x8d: {  	s2 =	sadd.s32 s2, s16  }
0x8e: {  	[smem:$0x3FBD] =	sst s2  }
0x8f: {  	_ = 	snop  }
0x90: {  	(tm) =	ssettm $0x1  }
0x91: {  	s17 =	sld [smem:$0x3FFB];
	_ =	sdelay $0x3  }
0x92: {  	_ =	strace s17  }
0x93: {  	s2 =	sld [smem:$0x3FFC];
	_ =	sdelay $0x3  }
0x94: {  	_ =	strace s2  }
0x95: {  	s2 =	sld [smem:$0x3FFD];
	_ =	sdelay $0x3  }
0x96: {  	_ =	strace s2  }
0x97: {  	_ =	strace $0x8FFFFFFF  }
0x98: {  	s18 =	sld [smem:$0x3FDB];
	_ =	sdelay $0x1  }
0x99: {  	s19 =	simm.s32 $_scs_section_size  }
0x9a: {  	s4 =	simm.s32 $_size__tile_overlayer_lowered;
	s5 =	simm.s32 $_tile_overlayer_lowered  }
0x9b: {  	s22 =	simm.s32 $0x1BFF;
	s21 =	sshll.u32 s5, $0x1;
	s2 =	sadd.s32 s19, s18  }
0x9c: {  	s6 =	simm.s32 $0x0;
	s20 =	sshll.u32 s4, $0x1;
	s4 =	sadd.s32 s21, s2  }
0x9d: {  	[timem:s6], [sflag:s22] =	dma.local [hbm:s4], s20  }
0x9e: {  	_ =	swait.ge [sflag:s22], s20  }
0x9f: {  	s3 =	ssub.s32 $0x0, s20;
	[sflag:s22] =	ssyncset.done $0x0  }
0xa0: {  	[sflag:s22] =	ssyncadd.s32 s3;
	_ =	sdelay $0x1  }
0xa1: {  	s23 =	simm.s32 $0x1B8B  }
0xa2: {  	_ =	swait.ge [sflag:s23], $0x1  }
0xa3: {  	[sflag:s23] =	ssyncset.done $0x0  }
0xa4: {  	s25 =	simm.s32 $0x1B8E;
	s24 =	sld [smem:$0x3FFE];
	[sflag:s23] =	ssyncadd.s32 $0xFFFFFFFF  }
0xa5: {  	s26 =	simm.s32 $execute0_lowered;
	[smem:$0x3FD2] =	sst s25  }
0xa6: {  	s4 =	sshll.u32 s26, $0x1;
	_ =	strace $0x80000049;
	[dreg:$0x1] =	wrdreg $0xFFFFFFFF  }
0xa7: {  	s28 =	simm.s32 $_size_execute0_lowered;
	s2 =	sadd.s32 s2, s4;
	[dreg:$0x0] =	wrdreg $0x0  }
0xa8: {  	s4 =	sshll.u32 s28, $0x1;
	[dreg:$0x2] =	wrdreg s2  }
0xa9: {  	[dreg:$0x3] =	wrdreg s4  }
0xaa: {  	[dreg:$0x4] =	wrdreg $0xC0  }
0xab: {  	_ =	task [dreg:s6], $0x5FFFF  }
0xac: {  	[dreg:$0x1] =	wrdreg $0xFFFFFFFF  }
0xad: {  	[dreg:$0x0] =	wrdreg $0x60  }
0xae: {  	[dreg:$0x2] =	wrdreg s24  }
0xaf: {  	[dreg:$0x3] =	wrdreg $0x21000  }
0xb0: {  	[dreg:$0x4] =	wrdreg $0x9  }
0xb1: {  	_ =	task.clear_ibuf [dreg:s6], $0x5FFFF;
	_ =	strace $0x90000049  }
0xb2: {  	s29 =	simm.s32 $0x9;
	_ =	strace $0x8000004B  }
0xb3: {  	_ =	swait.ge [sflag:s29], $0x1  }
0xb4: {  	[sflag:s29] =	ssyncadd.s32 $0xFFFFFFFF  }
0xb5: {  	_ =	strace $0x9000004B  }
0xb6: {  	_ =	sfence  }
0xb7: {  	s30 =	sld [smem:$0x0];
	_ =	sdelay $0x2  }
0xb8: {  	s31 =	sshll.u32 s1, $0xD;
	s1 =	sshrl.u32 s1, $0x2  }
0xb9: {  	s3 =	sand.u32 $0x4000, s31;
	s1 =	sadd.s32 s1, s30  }
0xba: {  	s0 =	sor.u32 s3, s0;
	s1 =	sshll.u32 s1, $0x11  }
0xbb: {  	s0 =	sor.u32 s1, s0  }
0xbc: {  	s0 =	sadd.s32 $0x8F2B, s0  }
0xbd: {  	[sflag:s0] =	ssyncadd.remote.s32 $0x1  }
0xbe: {  	_ =	sfence.sel $0xFFFF  }
0xbf: {  	[dreg:$0x0] =	wrdreg $0xFFFFFFFF;
	(pc) =	sbr.abs _section_cstart, $3  }
0xc0: {  	[dreg:$0x1] =	wrdreg $0xFFFFFFFF  }
0xc1: {  	_ =	task.clear_ibuf [dreg:s6], $0x2FFFF;
	_ =	strace $0x9FFFFFFF  }
0xc2: {  	(tm) =	ssettm $0x7FFFFFFF  }
0xc3: {  	_ =	shalt  }
tec
execute0_lowered:
.L_overlay_start_1:
0x0: {  	(tag) =	ssettag $0x1  }
0x1: {  	s6 =	rddreg [dreg:$0x0]  }
0x2: {  	s2 =	rddreg [dreg:$0x1]  }
0x3: {  	s0 =	rddreg [dreg:$0x2];
	s3 =	simm.s32 $0x0;
	s1 =	stileid.u32  }
0x4: {  	s7 =	srdreg.scid;
	s22 =	simm.s32 $0x1;
	s23 =	simm.s32 $0x0  }
0x5: {  	[smem:$0x7FF] =	sst s3;
	s5 =	smul.u32 $0x9E0, s1;
	s4 =	sadd.s32 $0x70200, s6  }
0x6: {  	s13 =	sand.u32 $0x1, s7;
	s10 =	smul.u32 $0xA000, s1;
	s16 =	sadd.s32 $0x84200, s6  }
0x7: {  	_ =	strace $0x8000004A;
	s7 =	ssub.s32 $0x2, s13;
	s19 =	smul.u32 $0xA0000, s13  }
0x8: {  	s28 =	smul.u32 $0x4F0, s13;
	s15 =	sadd.s32 s5, s6;
	s5 =	sadd.s32 $0xC200, s6  }
0x9: {  	s26 =	sshrl.u32 s7, $0x1;
	s6 =	sadd.s32 s10, s2;
	s11 =	sadd.s32 $0x2000, s10  }
0xa: {  	s14 =	sadd.s32 $0x4000, s10;
	s18 =	sadd.s32 $0x6000, s10;
	s20 =	sadd.s32 $0x8000, s10  }
0xb: {  	s17 =	ssub.s32 s7, s26;
	s7 =	sadd.s32 s11, s2;
	s8 =	sadd.s32 s14, s2  }
0xc: {  	s9 =	sadd.s32 s18, s2;
	s12 =	sadd.s32 s10, s19;
	s11 =	sadd.s32 s19, s11  }
0xd: {  	s10 =	sadd.s32 s20, s2;
	s14 =	sadd.s32 s19, s14;
	s18 =	sadd.s32 s19, s18  }
0xe: {  	s30 =	sadd.s32 s19, s20;
	s31 =	sadd.s32 s28, s15;
	s19 =	simm.s32 $0x100  }
0xf: {  	s20 =	simm.s32 $0x2;
	s12 =	sshrl.u32 s12, $0x3;
	s21 =	sshrl.u32 s11, $0x3  }
0x10: {  	s14 =	sshrl.u32 s14, $0x3;
	s29 =	sshrl.u32 s18, $0x3;
	s18 =	sshrl.u32 s30, $0x3  }
0x11: {  	s11 =	sadd.s32 s16, s12;
	s12 =	sadd.s32 s16, s21;
	s13 =	sadd.s32 s16, s14  }
0x12: {  	s14 =	sadd.s32 s16, s29;
	s15 =	sadd.s32 s16, s18;
	s16 =	smax.u32 s17, $0x1  }
0x13: {  	s17 =	sadd.s32 $0x2400, s31;
	s18 =	sadd.s32 $0x16400, s31;
	s21 =	simm.s32 $0x80  }
.LBB2_1:
0x14: {  	[tilespmem:s19], [sflag:$0x2] =	stream.linear.gather [hbm4b:s5+s3], $0x2000, $0x38;
	[tilespmem:$0xC100] =	vst v63  }
0x15: {  	_ =	swait.ge [sflag:s20], $0x2000  }
0x16: {  	[sflag:s20] =	ssyncset.done $0x0  }
0x17: {  	[sflag:s20] =	ssyncadd.s32 $0xFFFFE000  }
0x18: {  	[spmem:s6] =	stream.linear.scatter [tilespmem:s19], [sflag:$0x2], $0x2000, $0x38;
	[tilespmem:$0xC100] =	vst v63  }
0x19: {  	_ =	swait.ge [sflag:s20], $0x2000  }
0x1a: {  	[sflag:s20] =	ssyncset.done $0x0  }
0x1b: {  	[sflag:s20] =	ssyncadd.s32 $0xFFFFE000  }
0x1c: {  	[spmem:s7] =	stream.linear.scatter [tilespmem:s19], [sflag:$0x2], $0x2000, $0x38;
	[tilespmem:$0xC100] =	vst v63  }
0x1d: {  	_ =	swait.ge [sflag:s20], $0x2000  }
0x1e: {  	[sflag:s20] =	ssyncset.done $0x0  }
0x1f: {  	[sflag:s20] =	ssyncadd.s32 $0xFFFFE000  }
0x20: {  	[spmem:s8] =	stream.linear.scatter [tilespmem:s19], [sflag:$0x2], $0x2000, $0x38;
	[tilespmem:$0xC100] =	vst v63  }
0x21: {  	_ =	swait.ge [sflag:s20], $0x2000  }
0x22: {  	[sflag:s20] =	ssyncset.done $0x0  }
0x23: {  	[sflag:s20] =	ssyncadd.s32 $0xFFFFE000  }
0x24: {  	[spmem:s9] =	stream.linear.scatter [tilespmem:s19], [sflag:$0x2], $0x2000, $0x38;
	[tilespmem:$0xC100] =	vst v63  }
0x25: {  	_ =	swait.ge [sflag:s20], $0x2000  }
0x26: {  	[sflag:s20] =	ssyncset.done $0x0  }
0x27: {  	[sflag:s20] =	ssyncadd.s32 $0xFFFFE000  }
0x28: {  	[spmem:s10] =	stream.linear.scatter [tilespmem:s19], [sflag:$0x2], $0x2000, $0x38;
	[tilespmem:$0xC100] =	vst v63  }
0x29: {  	_ =	swait.ge [sflag:s20], $0x2000  }
0x2a: {  	[sflag:s20] =	ssyncset.done $0x0  }
0x2b: {  	[sflag:s20] =	ssyncadd.s32 $0xFFFFE000  }
0x2c: {  	s24 =	sadd.s32 $0x0, s18;
	[bflag:$0x0] =	sbarrier.arrive $0xFFFF  }
0x2d: {  	[tilespmem:s3], [sflag:$0x2] =	stream.linear.gather [hbm4b:s24+s3], $0x80, $0x38;
	[tilespmem:$0xC100] =	vst v63  }
0x2e: {  	_ =	swait.ge [sflag:s20], $0x80  }
0x2f: {  	[sflag:s20] =	ssyncset.done $0x0  }
0x30: {  	s31 =	sadd.s32 $0x0, s17;
	[sflag:s20] =	ssyncadd.s32 $0xFFFFFF80  }
0x31: {  	[tilespmem:s21], [sflag:$0x2] =	stream.linear.gather [hbm4b:s31+s3], $0x80, $0x38;
	[tilespmem:$0xC100] =	vst v63  }
0x32: {  	_ =	swait.ge [sflag:s20], $0x80  }
0x33: {  	[sflag:s20] =	ssyncset.done $0x0  }
0x34: {  	[sflag:s20] =	ssyncadd.s32 $0xFFFFFF80  }
0x35: {  	[tilespmem:s19], [sflag:$0x1] =	stream.indirect.gather [hbm4b:s4+s21], $0x40, s3, s21, $0xb8;
	[tilespmem:$0xC100] =	vst v63  }
0x36: {  	_ =	swait.ge [sflag:s22], $0x2000  }
0x37: {  	[sflag:s22] =	ssyncset.done $0x0  }
0x38: {  	[sflag:s22] =	ssyncadd.s32 $0xFFFFE000  }
0x39: {  	[spmem:s2] =	stream.indirect.scatter.add.f32 [tilespmem:s19], [sflag:$0x2], $0x40, s21, s21, $0xb8;
	[tilespmem:$0xC100] =	vst v63  }
0x3a: {  	_ =	swait.ge [sflag:s20], $0x2000  }
0x3b: {  	s25 =	simm.s32 $0x20;
	s24 =	simm.s32 $0x10;
	[sflag:s20] =	ssyncset.done $0x0  }
.LBB2_2:
0x3c: {  	s26 =	sadd.s32 s24, s18  }
0x3d: {  	[sflag:s20] =	ssyncadd.s32 $0xFFFFE000;
	s28 =	smov.u32 s25;
	s29 =	sadd.s32 $0x10, s25  }
0x3e: {  	[tilespmem:s3], [sflag:$0x2] =	stream.linear.gather [hbm4b:s26+s3], $0x80, $0x38;
	[tilespmem:$0xC100] =	vst v63  }
0x3f: {  	p0 =	sne.s32 s25, $0x4E0;
	_ =	swait.ge [sflag:s20], $0x80  }
0x40: {  	[sflag:s20] =	ssyncset.done $0x0  }
0x41: {  	s25 =	sadd.s32 s24, s17;
	s24 =	smov.u32 s28;
	[sflag:s20] =	ssyncadd.s32 $0xFFFFFF80  }
0x42: {  	[tilespmem:s21], [sflag:$0x2] =	stream.linear.gather [hbm4b:s25+s3], $0x80, $0x38;
	[tilespmem:$0xC100] =	vst v63  }
0x43: {  	_ =	swait.ge [sflag:s20], $0x80  }
0x44: {  	[sflag:s20] =	ssyncset.done $0x0  }
0x45: {  	[sflag:s20] =	ssyncadd.s32 $0xFFFFFF80  }
0x46: {  	[tilespmem:s19], [sflag:$0x1] =	stream.indirect.gather [hbm4b:s4+s21], $0x40, s3, s21, $0xb8;
	[tilespmem:$0xC100] =	vst v63  }
0x47: {  	_ =	swait.ge [sflag:s22], $0x2000  }
.Ltmp0:
0x48: {  	[sflag:s22] =	ssyncset.done $0x0;
	(pc) =	sbr.rel @p0 .LBB2_2-.Ltmp0, $4  }
0x49: {  	[sflag:s22] =	ssyncadd.s32 $0xFFFFE000  }
0x4a: {  	[spmem:s2] =	stream.indirect.scatter.add.f32 [tilespmem:s19], [sflag:$0x2], $0x40, s21, s21, $0xb8;
	[tilespmem:$0xC100] =	vst v63  }
0x4b: {  	_ =	swait.ge [sflag:s20], $0x2000  }
0x4c: {  	s25 =	smov.u32 s29;
	[sflag:s20] =	ssyncset.done $0x0  }
0x4d: {  	s25 =	sadd.s32 s24, s18;
	[sflag:s20] =	ssyncadd.s32 $0xFFFFE000  }
0x4e: {  	[tilespmem:s3], [sflag:$0x2] =	stream.linear.gather [hbm4b:s25+s3], $0x80, $0x38;
	[tilespmem:$0xC100] =	vst v63  }
0x4f: {  	_ =	swait.ge [sflag:s20], $0x80  }
0x50: {  	[sflag:s20] =	ssyncset.done $0x0  }
0x51: {  	s31 =	sadd.s32 s24, s17;
	[sflag:s20] =	ssyncadd.s32 $0xFFFFFF80  }
0x52: {  	[tilespmem:s21], [sflag:$0x2] =	stream.linear.gather [hbm4b:s31+s3], $0x80, $0x38;
	[tilespmem:$0xC100] =	vst v63  }
0x53: {  	_ =	swait.ge [sflag:s20], $0x80  }
0x54: {  	[sflag:s20] =	ssyncset.done $0x0  }
0x55: {  	[sflag:s20] =	ssyncadd.s32 $0xFFFFFF80  }
0x56: {  	[tilespmem:s19], [sflag:$0x1] =	stream.indirect.gather [hbm4b:s4+s21], $0x40, s3, s21, $0xb8;
	[tilespmem:$0xC100] =	vst v63  }
0x57: {  	_ =	swait.ge [sflag:s22], $0x2000  }
0x58: {  	[sflag:s22] =	ssyncset.done $0x0  }
0x59: {  	[sflag:s22] =	ssyncadd.s32 $0xFFFFE000  }
0x5a: {  	[spmem:s2] =	stream.indirect.scatter.add.f32 [tilespmem:s19], [sflag:$0x2], $0x40, s21, s21, $0xb8;
	[tilespmem:$0xC100] =	vst v63  }
0x5b: {  	_ =	swait.ge [sflag:s20], $0x2000  }
0x5c: {  	[sflag:s20] =	ssyncset.done $0x0  }
0x5d: {  	[sflag:s20] =	ssyncadd.s32 $0xFFFFE000  }
0x5e: {  	[bflag:$0x0] =	sbarrier.arrive $0xFFFF  }
0x5f: {  	[tilespmem:s19], [sflag:$0x2] =	stream.linear.gather [spmem:s6], $0x2000, $0x38;
	[tilespmem:$0xC100] =	vst v63  }
0x60: {  	_ =	swait.ge [sflag:s20], $0x2000  }
0x61: {  	[sflag:s20] =	ssyncset.done $0x0  }
0x62: {  	[sflag:s20] =	ssyncadd.s32 $0xFFFFE000  }
0x63: {  	[hbm4b:s11+s3] =	stream.linear.scatter [tilespmem:s19], [sflag:$0x2], $0x2000, $0x38;
	[tilespmem:$0xC100] =	vst v63  }
0x64: {  	_ =	swait.ge [sflag:s20], $0x2000  }
0x65: {  	[sflag:s20] =	ssyncset.done $0x0  }
0x66: {  	[sflag:s20] =	ssyncadd.s32 $0xFFFFE000  }
0x67: {  	[tilespmem:s19], [sflag:$0x2] =	stream.linear.gather [spmem:s7], $0x2000, $0x38;
	[tilespmem:$0xC100] =	vst v63  }
0x68: {  	_ =	swait.ge [sflag:s20], $0x2000  }
0x69: {  	[sflag:s20] =	ssyncset.done $0x0  }
0x6a: {  	[sflag:s20] =	ssyncadd.s32 $0xFFFFE000  }
0x6b: {  	[hbm4b:s12+s3] =	stream.linear.scatter [tilespmem:s19], [sflag:$0x2], $0x2000, $0x38;
	[tilespmem:$0xC100] =	vst v63  }
0x6c: {  	_ =	swait.ge [sflag:s20], $0x2000  }
0x6d: {  	[sflag:s20] =	ssyncset.done $0x0  }
0x6e: {  	[sflag:s20] =	ssyncadd.s32 $0xFFFFE000  }
0x6f: {  	[tilespmem:s19], [sflag:$0x2] =	stream.linear.gather [spmem:s8], $0x2000, $0x38;
	[tilespmem:$0xC100] =	vst v63  }
0x70: {  	_ =	swait.ge [sflag:s20], $0x2000  }
0x71: {  	[sflag:s20] =	ssyncset.done $0x0  }
0x72: {  	[sflag:s20] =	ssyncadd.s32 $0xFFFFE000  }
0x73: {  	[hbm4b:s13+s3] =	stream.linear.scatter [tilespmem:s19], [sflag:$0x2], $0x2000, $0x38;
	[tilespmem:$0xC100] =	vst v63  }
0x74: {  	_ =	swait.ge [sflag:s20], $0x2000  }
0x75: {  	[sflag:s20] =	ssyncset.done $0x0  }
0x76: {  	[sflag:s20] =	ssyncadd.s32 $0xFFFFE000  }
0x77: {  	[tilespmem:s19], [sflag:$0x2] =	stream.linear.gather [spmem:s9], $0x2000, $0x38;
	[tilespmem:$0xC100] =	vst v63  }
0x78: {  	_ =	swait.ge [sflag:s20], $0x2000  }
0x79: {  	[sflag:s20] =	ssyncset.done $0x0  }
0x7a: {  	[sflag:s20] =	ssyncadd.s32 $0xFFFFE000  }
0x7b: {  	[hbm4b:s14+s3] =	stream.linear.scatter [tilespmem:s19], [sflag:$0x2], $0x2000, $0x38;
	[tilespmem:$0xC100] =	vst v63  }
0x7c: {  	_ =	swait.ge [sflag:s20], $0x2000  }
0x7d: {  	[sflag:s20] =	ssyncset.done $0x0  }
0x7e: {  	[sflag:s20] =	ssyncadd.s32 $0xFFFFE000  }
0x7f: {  	[tilespmem:s19], [sflag:$0x2] =	stream.linear.gather [spmem:s10], $0x2000, $0x38;
	[tilespmem:$0xC100] =	vst v63  }
0x80: {  	s23 =	sadd.s32 $0x1, s23;
	_ =	swait.ge [sflag:s20], $0x2000  }
0x81: {  	p0 =	sne.s32 s23, s16;
	[sflag:s20] =	ssyncset.done $0x0  }
.Ltmp1:
0x82: {  	[sflag:s20] =	ssyncadd.s32 $0xFFFFE000;
	(pc) =	sbr.rel @p0 .LBB2_1-.Ltmp1, $4  }
0x83: {  	[hbm4b:s15+s3] =	stream.linear.scatter [tilespmem:s19], [sflag:$0x2], $0x2000, $0x38;
	[tilespmem:$0xC100] =	vst v63  }
0x84: {  	_ =	swait.ge [sflag:s20], $0x2000  }
0x85: {  	[sflag:s20] =	ssyncset.done $0x0  }
0x86: {  	[sflag:s20] =	ssyncadd.s32 $0xFFFFE000  }
0x87: {  	_ =	sfence.sel $0x180000  }
0x88: {  	[bflag:$0x0] =	sbarrier.arrive $0xFFFF  }
0x89: {  	p0 =	sne.s32 s1, $0x0;
	_ =	strace $0x9000004A  }
0x8a: {  	s0 =	sadd.s32 @!p0 $0x100000, s0;
	[bflag:$0x2] =	sbarrier.arrive $0xFFFF  }
0x8b: {  	[sflag:s0] =	ssyncadd.tile.s32 @!p0 $0x1;
	_ =	shalt  }
.Lfunc_end2:
_tile_overlayer_lowered:
.L_overlay_start_2:
0x8c: {  	(tag) =	ssettag $0x2  }
0x8d: {  	s0 =	rddreg [dreg:$0x0];
	s2 =	stileid.u32  }
0x8e: {  	s1 =	rddreg [dreg:$0x1];
	p0 =	sne.s32 s2, $0x0  }
0x8f: {  	s3 =	rddreg [dreg:$0x2];
	[bflag:$0x3] =	sbarrier.arrive $0xFFFF;
	s2 =	simm.s32 @!p0 $0x1C02  }
0x90: {  	[timem:s3], [sflag:s2] =	dma.local @!p0 [hbm:s0], s1  }
0x91: {  	s0 =	simm.s32 @!p0 $0x2  }
0x92: {  	_ =	swait.ge @!p0 [sflag:s0], s1  }
0x93: {  	s1 =	ssub.s32 @!p0 $0x0, s1;
	[sflag:s0] =	ssyncset.done @!p0 $0x0  }
0x94: {  	[sflag:s0] =	ssyncadd.s32 @!p0 s1  }
0x95: {  	[bflag:$0x3] =	sbarrier.arrive $0xFFFF  }
0x96: {  	_ =	shalt  }

// kernel: kernel.16.cloned.1.call-start
scs
__scs_entry_jumppad:
0x0: {  	(pc) =	sbr.rel $0x88, $3  }
0x1: {  	(tag) =	ssettag $0x0;
	lr =	simm.s32 $0x1  }
0x2: {  	[smem:$0x3F96] =	sst lr;
	_ =	strace $0xD0000000  }
0x3: {  	_ = 	snop  }
0x4: {  	_ = 	snop  }
0x5: {  	_ = 	snop  }
0x6: {  	_ = 	snop  }
0x7: {  	_ = 	snop  }
__scs_overlays_trampoline_lowered:
0x8: {  	[smem:$0x3FA5] =	sst s0  }
0x9: {  	[smem:$0x3FA6] =	sst s1  }
0xa: {  	[smem:$0x3FA7] =	sst s2  }
0xb: {  	[smem:$0x3FA8] =	sst s3  }
0xc: {  	[smem:$0x3FA9] =	sst s4  }
0xd: {  	[smem:$0x3FAA] =	sst s5  }
0xe: {  	[smem:$0x3FAB] =	sst s6  }
0xf: {  	[smem:$0x3FAC] =	sst s7  }
0x10: {  	[smem:$0x3FAD] =	sst s8  }
0x11: {  	[smem:$0x3FAE] =	sst s9;
	s0 =	simm.s32 @!p0 $0x0  }
0x12: {  	s1 =	sld [smem:$0x3F94];
	s0 =	simm.s32 @p0 $0x1  }
0x13: {  	[smem:$0x3FAF] =	sst s0;
	s0 =	simm.s32 @!p1 $0x0  }
0x14: {  	s2 =	sld [smem:$0x3F93];
	s0 =	simm.s32 @p1 $0x1  }
0x15: {  	[smem:$0x3FB0] =	sst s0;
	s0 =	simm.s32 @!p2 $0x0  }
0x16: {  	s3 =	sld [smem:$0x3FDB];
	s0 =	simm.s32 @p2 $0x1  }
0x17: {  	s4 =	simm.s32 $0x1BF5;
	[smem:$0x3FB2] =	sst s0  }
0x18: {  	s0 =	sld [smem:$0x3F95];
	_ =	swait.ge [sflag:s4], $0x0  }
0x19: {  	s7 =	sld [smem:$0x3F96]  }
0x1a: {  	s8 =	sadd.s32 $0xFFFFE003, lr  }
0x1b: {  	s9 =	sadd.s32 $0xFFFFFEF7, lr;
	s5 =	simm.s32 $0xFFFFFFFF;
	p2 =	slt.u32 s8, $0xFFFFF086  }
0x1c: {  	p1 =	slt.u32 s9, $0xF7A;
	s5 =	simm.s32 @!p2 $0x0  }
0x1d: {  	s5 =	simm.s32 @p1 $0x1;
	p0 =	seq.s32 s7, s2  }
0x1e: {  	s7 =	smul.u32 @!p0 $0xF7A, s2;
	p2 =	seq.s32 @!p0 s5, $0x0  }
0x1f: {  	s9 =	smul.u32 $0xF7A, s1;
	s8 =	simm.s32 @!p0 $0x1BF5;
	p2 =	por !p2, p0  }
0x20: {  	[sflag:s8] =	ssyncset.s32 @!p0 $0xFFFFF086;
	s6 =	sadd.s32 @!p0 s3, s7;
	s7 =	simm.s32 @!p0 $0x108  }
0x21: {  	s3 =	sadd.s32 s3, s9;
	s6 =	sadd.s32 @!p0 $0x88, s6;
	s7 =	simm.s32 @p2 $0x1082  }
0x22: {  	[simem:s7], [sflag:s8] =	dma.local @!p0 [hbm:s6], $0xF7A  }
0x23: {  	s9 =	sor.u32 $0xD0000000, s2;
	s6 =	simm.s32 $0x108;
	_ =	swait.ge @!p0 [sflag:s8], $0x0  }
0x24: {  	s3 =	sadd.s32 $0x88, s3;
	s6 =	simm.s32 @!p1 $0x1082;
	[sflag:s4] =	ssyncset.s32 $0xFFFFF086  }
0x25: {  	[simem:s6], [sflag:s4] =	dma.local [hbm:s3], $0xF7A  }
0x26: {  	[smem:$0x3F96] =	sst s1;
	(tag) =	ssettag s2;
	_ =	strace s9  }
0x27: {  	s1 =	sld [smem:$0x3FA6]  }
0x28: {  	s2 =	sld [smem:$0x3FA7]  }
0x29: {  	s4 =	sld [smem:$0x3FA9]  }
0x2a: {  	p0 =	seq.s32 s5, $0x0;
	s5 =	sld [smem:$0x3FAA]  }
0x2b: {  	s6 =	sld [smem:$0x3FAB]  }
0x2c: {  	s7 =	sld [smem:$0x3FAC]  }
0x2d: {  	s3 =	simm.s32 $0x108;
	s8 =	sld [smem:$0x3FAD]  }
0x2e: {  	s3 =	simm.s32 @!p0 $0x1082;
	s9 =	sld [smem:$0x3FAE]  }
0x2f: {  	lr =	sadd.s32 s0, s3;
	s0 =	sld [smem:$0x3FA5]  }
0x30: {  	s3 =	sld [smem:$0x3FA8]  }
0x31: {  	[smem:$0x3FB1] =	sst s10  }
0x32: {  	s10 =	sld [smem:$0x3FAF];
	_ =	sdelay $0x3  }
0x33: {  	p0 =	seq.s32 s10, $0x1;
	s10 =	sld [smem:$0x3FB1];
	_ =	sdelay $0x3  }
0x34: {  	[smem:$0x3FB1] =	sst s10  }
0x35: {  	s10 =	sld [smem:$0x3FB0];
	_ =	sdelay $0x3  }
0x36: {  	p1 =	seq.s32 s10, $0x1;
	s10 =	sld [smem:$0x3FB1];
	_ =	sdelay $0x3  }
0x37: {  	[smem:$0x3FB1] =	sst s10  }
0x38: {  	s10 =	sld [smem:$0x3FB2]  }
0x39: {  	_ = 	snop;
	(pc) =	sbr.ind lr, $3  }
0x3a: {  	_ = 	snop  }
0x3b: {  	_ = 	snop  }
0x3c: {  	p2 =	seq.s32 s10, $0x1;
	s10 =	sld [smem:$0x3FB1]  }
0x3d: {  	_ =	shalt  }
0x3e: {  	_ =	shalt  }
0x3f: {  	_ =	shalt  }
0x40: {  	_ =	shalt  }
0x41: {  	_ =	shalt  }
0x42: {  	_ =	shalt  }
0x43: {  	_ =	shalt  }
0x44: {  	_ =	shalt  }
0x45: {  	_ =	shalt  }
0x46: {  	_ =	shalt  }
0x47: {  	_ =	shalt  }
0x48: {  	_ =	shalt  }
0x49: {  	_ =	shalt  }
0x4a: {  	_ =	shalt  }
0x4b: {  	_ =	shalt  }
0x4c: {  	_ =	shalt  }
0x4d: {  	_ =	shalt  }
0x4e: {  	_ =	shalt  }
0x4f: {  	_ =	shalt  }
0x50: {  	_ =	shalt  }
0x51: {  	_ =	shalt  }
0x52: {  	_ =	shalt  }
0x53: {  	_ =	shalt  }
0x54: {  	_ =	shalt  }
0x55: {  	_ =	shalt  }
0x56: {  	_ =	shalt  }
0x57: {  	_ =	shalt  }
0x58: {  	_ =	shalt  }
0x59: {  	_ =	shalt  }
0x5a: {  	_ =	shalt  }
0x5b: {  	_ =	shalt  }
0x5c: {  	_ =	shalt  }
0x5d: {  	_ =	shalt  }
0x5e: {  	_ =	shalt  }
0x5f: {  	_ =	shalt  }
0x60: {  	_ =	shalt  }
0x61: {  	_ =	shalt  }
0x62: {  	_ =	shalt  }
0x63: {  	_ =	shalt  }
0x64: {  	_ =	shalt  }
0x65: {  	_ =	shalt  }
0x66: {  	_ =	shalt  }
0x67: {  	_ =	shalt  }
0x68: {  	_ =	shalt  }
0x69: {  	_ =	shalt  }
0x6a: {  	_ =	shalt  }
0x6b: {  	_ =	shalt  }
0x6c: {  	_ =	shalt  }
0x6d: {  	_ =	shalt  }
0x6e: {  	_ =	shalt  }
0x6f: {  	_ =	shalt  }
0x70: {  	_ =	shalt  }
0x71: {  	_ =	shalt  }
0x72: {  	_ =	shalt  }
0x73: {  	_ =	shalt  }
0x74: {  	_ =	shalt  }
0x75: {  	_ =	shalt  }
0x76: {  	_ =	shalt  }
0x77: {  	_ =	shalt  }
0x78: {  	_ =	shalt  }
0x79: {  	_ =	shalt  }
0x7a: {  	_ =	shalt  }
0x7b: {  	_ =	shalt  }
0x7c: {  	_ =	shalt  }
0x7d: {  	_ =	shalt  }
0x7e: {  	_ =	shalt  }
0x7f: {  	_ =	shalt  }
0x80: {  	_ =	shalt  }
0x81: {  	_ =	shalt  }
0x82: {  	_ =	shalt  }
0x83: {  	_ =	shalt  }
0x84: {  	_ =	shalt  }
0x85: {  	_ =	shalt  }
0x86: {  	_ =	shalt  }
0x87: {  	_ =	shalt  }
.Lfunc_end0:
.L_simem_size_0:
called_computation.2_lowered:
.L_overlay_start_0:
0x88: {  	s2 =	sld [smem:$0x3FD9]  }
0x89: {  	s3 =	sld [smem:$0x3FFE];
	_ =	sdelay $0x1  }
0x8a: {  	s1 =	srdreg.scid  }
0x8b: {  	s0 =	sand.u32 $0x1, s1  }
0x8c: {  	s16 =	sshll.u32 s0, $0xA;
	s2 =	sadd.s32 s3, s2  }
0x8d: {  	s2 =	sadd.s32 s2, s16  }
0x8e: {  	[smem:$0x3FBD] =	sst s2  }
0x8f: {  	_ = 	snop  }
0x90: {  	(tm) =	ssettm $0x1  }
0x91: {  	s17 =	sld [smem:$0x3FFB];
	_ =	sdelay $0x3  }
0x92: {  	_ =	strace s17  }
0x93: {  	s2 =	sld [smem:$0x3FFC];
	_ =	sdelay $0x3  }
0x94: {  	_ =	strace s2  }
0x95: {  	s2 =	sld [smem:$0x3FFD];
	_ =	sdelay $0x3  }
0x96: {  	_ =	strace s2  }
0x97: {  	_ =	strace $0x8FFFFFFF  }
0x98: {  	s18 =	sld [smem:$0x3FDB];
	_ =	sdelay $0x1  }
0x99: {  	s19 =	simm.s32 $_scs_section_size  }
0x9a: {  	s4 =	simm.s32 $_size__tile_overlayer_lowered;
	s5 =	simm.s32 $_tile_overlayer_lowered  }
0x9b: {  	s22 =	simm.s32 $0x1BFF;
	s21 =	sshll.u32 s5, $0x1;
	s2 =	sadd.s32 s19, s18  }
0x9c: {  	s6 =	simm.s32 $0x0;
	s20 =	sshll.u32 s4, $0x1;
	s4 =	sadd.s32 s21, s2  }
0x9d: {  	[timem:s6], [sflag:s22] =	dma.local [hbm:s4], s20  }
0x9e: {  	_ =	swait.ge [sflag:s22], s20  }
0x9f: {  	s3 =	ssub.s32 $0x0, s20;
	[sflag:s22] =	ssyncset.done $0x0  }
0xa0: {  	[sflag:s22] =	ssyncadd.s32 s3;
	_ =	sdelay $0x1  }
0xa1: {  	s23 =	simm.s32 $0x1B8B  }
0xa2: {  	_ =	swait.ge [sflag:s23], $0x1  }
0xa3: {  	[sflag:s23] =	ssyncset.done $0x0  }
0xa4: {  	s25 =	simm.s32 $0x1B8E;
	s24 =	sld [smem:$0x3FFE];
	[sflag:s23] =	ssyncadd.s32 $0xFFFFFFFF  }
0xa5: {  	s26 =	simm.s32 $execute0_lowered;
	[smem:$0x3FD2] =	sst s25  }
0xa6: {  	s4 =	sshll.u32 s26, $0x1;
	_ =	strace $0x8000004C;
	[dreg:$0x1] =	wrdreg $0xFFFFFFFF  }
0xa7: {  	s28 =	simm.s32 $_size_execute0_lowered;
	s2 =	sadd.s32 s2, s4;
	[dreg:$0x0] =	wrdreg $0x0  }
0xa8: {  	s4 =	sshll.u32 s28, $0x1;
	[dreg:$0x2] =	wrdreg s2  }
0xa9: {  	[dreg:$0x3] =	wrdreg s4  }
0xaa: {  	[dreg:$0x4] =	wrdreg $0xC0  }
0xab: {  	_ =	task [dreg:s6], $0x5FFFF  }
0xac: {  	[dreg:$0x1] =	wrdreg $0xFFFFFFFF  }
0xad: {  	[dreg:$0x0] =	wrdreg $0x60  }
0xae: {  	[dreg:$0x2] =	wrdreg s24  }
0xaf: {  	[dreg:$0x3] =	wrdreg $0x21000  }
0xb0: {  	[dreg:$0x4] =	wrdreg $0x9  }
0xb1: {  	_ =	task.clear_ibuf [dreg:s6], $0x5FFFF;
	_ =	strace $0x9000004C  }
0xb2: {  	s29 =	simm.s32 $0x9;
	_ =	strace $0x8000004E  }
0xb3: {  	_ =	swait.ge [sflag:s29], $0x1  }
0xb4: {  	[sflag:s29] =	ssyncadd.s32 $0xFFFFFFFF  }
0xb5: {  	_ =	strace $0x9000004E  }
0xb6: {  	_ =	sfence  }
0xb7: {  	s30 =	sld [smem:$0x0];
	_ =	sdelay $0x2  }
0xb8: {  	s31 =	sshll.u32 s1, $0xD;
	s1 =	sshrl.u32 s1, $0x2  }
0xb9: {  	s3 =	sand.u32 $0x4000, s31;
	s1 =	sadd.s32 s1, s30  }
0xba: {  	s0 =	sor.u32 s3, s0;
	s1 =	sshll.u32 s1, $0x11  }
0xbb: {  	s0 =	sor.u32 s1, s0  }
0xbc: {  	s0 =	sadd.s32 $0x8F2B, s0  }
0xbd: {  	[sflag:s0] =	ssyncadd.remote.s32 $0x1  }
0xbe: {  	_ =	sfence.sel $0xFFFF  }
0xbf: {  	[dreg:$0x0] =	wrdreg $0xFFFFFFFF;
	(pc) =	sbr.abs _section_cstart, $3  }
0xc0: {  	[dreg:$0x1] =	wrdreg $0xFFFFFFFF  }
0xc1: {  	_ =	task.clear_ibuf [dreg:s6], $0x2FFFF;
	_ =	strace $0x9FFFFFFF  }
0xc2: {  	(tm) =	ssettm $0x7FFFFFFF  }
0xc3: {  	_ =	shalt  }
tec
execute0_lowered:
.L_overlay_start_1:
0x0: {  	(tag) =	ssettag $0x1  }
0x1: {  	s6 =	rddreg [dreg:$0x0]  }
0x2: {  	s2 =	rddreg [dreg:$0x1]  }
0x3: {  	s0 =	rddreg [dreg:$0x2];
	s3 =	simm.s32 $0x0;
	s1 =	stileid.u32  }
0x4: {  	s7 =	srdreg.scid;
	s22 =	simm.s32 $0x1;
	s23 =	simm.s32 $0x0  }
0x5: {  	[smem:$0x7FF] =	sst s3;
	s5 =	smul.u32 $0x9E0, s1;
	s4 =	sadd.s32 $0x70200, s6  }
0x6: {  	s13 =	sand.u32 $0x1, s7;
	s10 =	smul.u32 $0xA000, s1;
	s16 =	sadd.s32 $0x84200, s6  }
0x7: {  	_ =	strace $0x8000004D;
	s7 =	ssub.s32 $0x2, s13;
	s19 =	smul.u32 $0xA0000, s13  }
0x8: {  	s28 =	smul.u32 $0x4F0, s13;
	s15 =	sadd.s32 s5, s6;
	s5 =	sadd.s32 $0xC200, s6  }
0x9: {  	s26 =	sshrl.u32 s7, $0x1;
	s6 =	sadd.s32 s10, s2;
	s11 =	sadd.s32 $0x2000, s10  }
0xa: {  	s14 =	sadd.s32 $0x4000, s10;
	s18 =	sadd.s32 $0x6000, s10;
	s20 =	sadd.s32 $0x8000, s10  }
0xb: {  	s17 =	ssub.s32 s7, s26;
	s7 =	sadd.s32 s11, s2;
	s8 =	sadd.s32 s14, s2  }
0xc: {  	s9 =	sadd.s32 s18, s2;
	s12 =	sadd.s32 s10, s19;
	s11 =	sadd.s32 s19, s11  }
0xd: {  	s10 =	sadd.s32 s20, s2;
	s14 =	sadd.s32 s19, s14;
	s18 =	sadd.s32 s19, s18  }
0xe: {  	s30 =	sadd.s32 s19, s20;
	s31 =	sadd.s32 s28, s15;
	s19 =	simm.s32 $0x100  }
0xf: {  	s20 =	simm.s32 $0x2;
	s12 =	sshrl.u32 s12, $0x3;
	s21 =	sshrl.u32 s11, $0x3  }
0x10: {  	s14 =	sshrl.u32 s14, $0x3;
	s29 =	sshrl.u32 s18, $0x3;
	s18 =	sshrl.u32 s30, $0x3  }
0x11: {  	s11 =	sadd.s32 s16, s12;
	s12 =	sadd.s32 s16, s21;
	s13 =	sadd.s32 s16, s14  }
0x12: {  	s14 =	sadd.s32 s16, s29;
	s15 =	sadd.s32 s16, s18;
	s16 =	smax.u32 s17, $0x1  }
0x13: {  	s17 =	sadd.s32 $0x2400, s31;
	s18 =	sadd.s32 $0x16400, s31;
	s21 =	simm.s32 $0x80  }
.LBB2_1:
0x14: {  	[tilespmem:s19], [sflag:$0x2] =	stream.linear.gather [hbm4b:s5+s3], $0x2000, $0x38;
	[tilespmem:$0xC100] =	vst v63  }
0x15: {  	_ =	swait.ge [sflag:s20], $0x2000  }
0x16: {  	[sflag:s20] =	ssyncset.done $0x0  }
0x17: {  	[sflag:s20] =	ssyncadd.s32 $0xFFFFE000  }
0x18: {  	[spmem:s6] =	stream.linear.scatter [tilespmem:s19], [sflag:$0x2], $0x2000, $0x38;
	[tilespmem:$0xC100] =	vst v63  }
0x19: {  	_ =	swait.ge [sflag:s20], $0x2000  }
0x1a: {  	[sflag:s20] =	ssyncset.done $0x0  }
0x1b: {  	[sflag:s20] =	ssyncadd.s32 $0xFFFFE000  }
0x1c: {  	[spmem:s7] =	stream.linear.scatter [tilespmem:s19], [sflag:$0x2], $0x2000, $0x38;
	[tilespmem:$0xC100] =	vst v63  }
0x1d: {  	_ =	swait.ge [sflag:s20], $0x2000  }
0x1e: {  	[sflag:s20] =	ssyncset.done $0x0  }
0x1f: {  	[sflag:s20] =	ssyncadd.s32 $0xFFFFE000  }
0x20: {  	[spmem:s8] =	stream.linear.scatter [tilespmem:s19], [sflag:$0x2], $0x2000, $0x38;
	[tilespmem:$0xC100] =	vst v63  }
0x21: {  	_ =	swait.ge [sflag:s20], $0x2000  }
0x22: {  	[sflag:s20] =	ssyncset.done $0x0  }
0x23: {  	[sflag:s20] =	ssyncadd.s32 $0xFFFFE000  }
0x24: {  	[spmem:s9] =	stream.linear.scatter [tilespmem:s19], [sflag:$0x2], $0x2000, $0x38;
	[tilespmem:$0xC100] =	vst v63  }
0x25: {  	_ =	swait.ge [sflag:s20], $0x2000  }
0x26: {  	[sflag:s20] =	ssyncset.done $0x0  }
0x27: {  	[sflag:s20] =	ssyncadd.s32 $0xFFFFE000  }
0x28: {  	[spmem:s10] =	stream.linear.scatter [tilespmem:s19], [sflag:$0x2], $0x2000, $0x38;
	[tilespmem:$0xC100] =	vst v63  }
0x29: {  	_ =	swait.ge [sflag:s20], $0x2000  }
0x2a: {  	[sflag:s20] =	ssyncset.done $0x0  }
0x2b: {  	[sflag:s20] =	ssyncadd.s32 $0xFFFFE000  }
0x2c: {  	s24 =	sadd.s32 $0x0, s18;
	[bflag:$0x0] =	sbarrier.arrive $0xFFFF  }
0x2d: {  	[tilespmem:s3], [sflag:$0x2] =	stream.linear.gather [hbm4b:s24+s3], $0x80, $0x38;
	[tilespmem:$0xC100] =	vst v63  }
0x2e: {  	_ =	swait.ge [sflag:s20], $0x80  }
0x2f: {  	[sflag:s20] =	ssyncset.done $0x0  }
0x30: {  	s31 =	sadd.s32 $0x0, s17;
	[sflag:s20] =	ssyncadd.s32 $0xFFFFFF80  }
0x31: {  	[tilespmem:s21], [sflag:$0x2] =	stream.linear.gather [hbm4b:s31+s3], $0x80, $0x38;
	[tilespmem:$0xC100] =	vst v63  }
0x32: {  	_ =	swait.ge [sflag:s20], $0x80  }
0x33: {  	[sflag:s20] =	ssyncset.done $0x0  }
0x34: {  	[sflag:s20] =	ssyncadd.s32 $0xFFFFFF80  }
0x35: {  	[tilespmem:s19], [sflag:$0x1] =	stream.indirect.gather [hbm4b:s4+s21], $0x40, s3, s21, $0xb8;
	[tilespmem:$0xC100] =	vst v63  }
0x36: {  	_ =	swait.ge [sflag:s22], $0x2000  }
0x37: {  	[sflag:s22] =	ssyncset.done $0x0  }
0x38: {  	[sflag:s22] =	ssyncadd.s32 $0xFFFFE000  }
0x39: {  	[spmem:s2] =	stream.indirect.scatter.add.f32 [tilespmem:s19], [sflag:$0x2], $0x40, s21, s21, $0xb8;
	[tilespmem:$0xC100] =	vst v63  }
0x3a: {  	_ =	swait.ge [sflag:s20], $0x2000  }
0x3b: {  	s25 =	simm.s32 $0x20;
	s24 =	simm.s32 $0x10;
	[sflag:s20] =	ssyncset.done $0x0  }
.LBB2_2:
0x3c: {  	s26 =	sadd.s32 s24, s18  }
0x3d: {  	[sflag:s20] =	ssyncadd.s32 $0xFFFFE000;
	s28 =	smov.u32 s25;
	s29 =	sadd.s32 $0x10, s25  }
0x3e: {  	[tilespmem:s3], [sflag:$0x2] =	stream.linear.gather [hbm4b:s26+s3], $0x80, $0x38;
	[tilespmem:$0xC100] =	vst v63  }
0x3f: {  	p0 =	sne.s32 s25, $0x4E0;
	_ =	swait.ge [sflag:s20], $0x80  }
0x40: {  	[sflag:s20] =	ssyncset.done $0x0  }
0x41: {  	s25 =	sadd.s32 s24, s17;
	s24 =	smov.u32 s28;
	[sflag:s20] =	ssyncadd.s32 $0xFFFFFF80  }
0x42: {  	[tilespmem:s21], [sflag:$0x2] =	stream.linear.gather [hbm4b:s25+s3], $0x80, $0x38;
	[tilespmem:$0xC100] =	vst v63  }
0x43: {  	_ =	swait.ge [sflag:s20], $0x80  }
0x44: {  	[sflag:s20] =	ssyncset.done $0x0  }
0x45: {  	[sflag:s20] =	ssyncadd.s32 $0xFFFFFF80  }
0x46: {  	[tilespmem:s19], [sflag:$0x1] =	stream.indirect.gather [hbm4b:s4+s21], $0x40, s3, s21, $0xb8;
	[tilespmem:$0xC100] =	vst v63  }
0x47: {  	_ =	swait.ge [sflag:s22], $0x2000  }
.Ltmp0:
0x48: {  	[sflag:s22] =	ssyncset.done $0x0;
	(pc) =	sbr.rel @p0 .LBB2_2-.Ltmp0, $4  }
0x49: {  	[sflag:s22] =	ssyncadd.s32 $0xFFFFE000  }
0x4a: {  	[spmem:s2] =	stream.indirect.scatter.add.f32 [tilespmem:s19], [sflag:$0x2], $0x40, s21, s21, $0xb8;
	[tilespmem:$0xC100] =	vst v63  }
0x4b: {  	_ =	swait.ge [sflag:s20], $0x2000  }
0x4c: {  	s25 =	smov.u32 s29;
	[sflag:s20] =	ssyncset.done $0x0  }
0x4d: {  	s25 =	sadd.s32 s24, s18;
	[sflag:s20] =	ssyncadd.s32 $0xFFFFE000  }
0x4e: {  	[tilespmem:s3], [sflag:$0x2] =	stream.linear.gather [hbm4b:s25+s3], $0x80, $0x38;
	[tilespmem:$0xC100] =	vst v63  }
0x4f: {  	_ =	swait.ge [sflag:s20], $0x80  }
0x50: {  	[sflag:s20] =	ssyncset.done $0x0  }
0x51: {  	s31 =	sadd.s32 s24, s17;
	[sflag:s20] =	ssyncadd.s32 $0xFFFFFF80  }
0x52: {  	[tilespmem:s21], [sflag:$0x2] =	stream.linear.gather [hbm4b:s31+s3], $0x80, $0x38;
	[tilespmem:$0xC100] =	vst v63  }
0x53: {  	_ =	swait.ge [sflag:s20], $0x80  }
0x54: {  	[sflag:s20] =	ssyncset.done $0x0  }
0x55: {  	[sflag:s20] =	ssyncadd.s32 $0xFFFFFF80  }
0x56: {  	[tilespmem:s19], [sflag:$0x1] =	stream.indirect.gather [hbm4b:s4+s21], $0x40, s3, s21, $0xb8;
	[tilespmem:$0xC100] =	vst v63  }
0x57: {  	_ =	swait.ge [sflag:s22], $0x2000  }
0x58: {  	[sflag:s22] =	ssyncset.done $0x0  }
0x59: {  	[sflag:s22] =	ssyncadd.s32 $0xFFFFE000  }
0x5a: {  	[spmem:s2] =	stream.indirect.scatter.add.f32 [tilespmem:s19], [sflag:$0x2], $0x40, s21, s21, $0xb8;
	[tilespmem:$0xC100] =	vst v63  }
0x5b: {  	_ =	swait.ge [sflag:s20], $0x2000  }
0x5c: {  	[sflag:s20] =	ssyncset.done $0x0  }
0x5d: {  	[sflag:s20] =	ssyncadd.s32 $0xFFFFE000  }
0x5e: {  	[bflag:$0x0] =	sbarrier.arrive $0xFFFF  }
0x5f: {  	[tilespmem:s19], [sflag:$0x2] =	stream.linear.gather [spmem:s6], $0x2000, $0x38;
	[tilespmem:$0xC100] =	vst v63  }
0x60: {  	_ =	swait.ge [sflag:s20], $0x2000  }
0x61: {  	[sflag:s20] =	ssyncset.done $0x0  }
0x62: {  	[sflag:s20] =	ssyncadd.s32 $0xFFFFE000  }
0x63: {  	[hbm4b:s11+s3] =	stream.linear.scatter [tilespmem:s19], [sflag:$0x2], $0x2000, $0x38;
	[tilespmem:$0xC100] =	vst v63  }
0x64: {  	_ =	swait.ge [sflag:s20], $0x2000  }
0x65: {  	[sflag:s20] =	ssyncset.done $0x0  }
0x66: {  	[sflag:s20] =	ssyncadd.s32 $0xFFFFE000  }
0x67: {  	[tilespmem:s19], [sflag:$0x2] =	stream.linear.gather [spmem:s7], $0x2000, $0x38;
	[tilespmem:$0xC100] =	vst v63  }
0x68: {  	_ =	swait.ge [sflag:s20], $0x2000  }
0x69: {  	[sflag:s20] =	ssyncset.done $0x0  }
0x6a: {  	[sflag:s20] =	ssyncadd.s32 $0xFFFFE000  }
0x6b: {  	[hbm4b:s12+s3] =	stream.linear.scatter [tilespmem:s19], [sflag:$0x2], $0x2000, $0x38;
	[tilespmem:$0xC100] =	vst v63  }
0x6c: {  	_ =	swait.ge [sflag:s20], $0x2000  }
0x6d: {  	[sflag:s20] =	ssyncset.done $0x0  }
0x6e: {  	[sflag:s20] =	ssyncadd.s32 $0xFFFFE000  }
0x6f: {  	[tilespmem:s19], [sflag:$0x2] =	stream.linear.gather [spmem:s8], $0x2000, $0x38;
	[tilespmem:$0xC100] =	vst v63  }
0x70: {  	_ =	swait.ge [sflag:s20], $0x2000  }
0x71: {  	[sflag:s20] =	ssyncset.done $0x0  }
0x72: {  	[sflag:s20] =	ssyncadd.s32 $0xFFFFE000  }
0x73: {  	[hbm4b:s13+s3] =	stream.linear.scatter [tilespmem:s19], [sflag:$0x2], $0x2000, $0x38;
	[tilespmem:$0xC100] =	vst v63  }
0x74: {  	_ =	swait.ge [sflag:s20], $0x2000  }
0x75: {  	[sflag:s20] =	ssyncset.done $0x0  }
0x76: {  	[sflag:s20] =	ssyncadd.s32 $0xFFFFE000  }
0x77: {  	[tilespmem:s19], [sflag:$0x2] =	stream.linear.gather [spmem:s9], $0x2000, $0x38;
	[tilespmem:$0xC100] =	vst v63  }
0x78: {  	_ =	swait.ge [sflag:s20], $0x2000  }
0x79: {  	[sflag:s20] =	ssyncset.done $0x0  }
0x7a: {  	[sflag:s20] =	ssyncadd.s32 $0xFFFFE000  }
0x7b: {  	[hbm4b:s14+s3] =	stream.linear.scatter [tilespmem:s19], [sflag:$0x2], $0x2000, $0x38;
	[tilespmem:$0xC100] =	vst v63  }
0x7c: {  	_ =	swait.ge [sflag:s20], $0x2000  }
0x7d: {  	[sflag:s20] =	ssyncset.done $0x0  }
0x7e: {  	[sflag:s20] =	ssyncadd.s32 $0xFFFFE000  }
0x7f: {  	[tilespmem:s19], [sflag:$0x2] =	stream.linear.gather [spmem:s10], $0x2000, $0x38;
	[tilespmem:$0xC100] =	vst v63  }
0x80: {  	s23 =	sadd.s32 $0x1, s23;
	_ =	swait.ge [sflag:s20], $0x2000  }
0x81: {  	p0 =	sne.s32 s23, s16;
	[sflag:s20] =	ssyncset.done $0x0  }
.Ltmp1:
0x82: {  	[sflag:s20] =	ssyncadd.s32 $0xFFFFE000;
	(pc) =	sbr.rel @p0 .LBB2_1-.Ltmp1, $4  }
0x83: {  	[hbm4b:s15+s3] =	stream.linear.scatter [tilespmem:s19], [sflag:$0x2], $0x2000, $0x38;
	[tilespmem:$0xC100] =	vst v63  }
0x84: {  	_ =	swait.ge [sflag:s20], $0x2000  }
0x85: {  	[sflag:s20] =	ssyncset.done $0x0  }
0x86: {  	[sflag:s20] =	ssyncadd.s32 $0xFFFFE000  }
0x87: {  	_ =	sfence.sel $0x180000  }
0x88: {  	[bflag:$0x0] =	sbarrier.arrive $0xFFFF  }
0x89: {  	p0 =	sne.s32 s1, $0x0;
	_ =	strace $0x9000004D  }
0x8a: {  	s0 =	sadd.s32 @!p0 $0x100000, s0;
	[bflag:$0x2] =	sbarrier.arrive $0xFFFF  }
0x8b: {  	[sflag:s0] =	ssyncadd.tile.s32 @!p0 $0x1;
	_ =	shalt  }
.Lfunc_end2:
_tile_overlayer_lowered:
.L_overlay_start_2:
0x8c: {  	(tag) =	ssettag $0x2  }
0x8d: {  	s0 =	rddreg [dreg:$0x0];
	s2 =	stileid.u32  }
0x8e: {  	s1 =	rddreg [dreg:$0x1];
	p0 =	sne.s32 s2, $0x0  }
0x8f: {  	s3 =	rddreg [dreg:$0x2];
	[bflag:$0x3] =	sbarrier.arrive $0xFFFF;
	s2 =	simm.s32 @!p0 $0x1C02  }
0x90: {  	[timem:s3], [sflag:s2] =	dma.local @!p0 [hbm:s0], s1  }
0x91: {  	s0 =	simm.s32 @!p0 $0x2  }
0x92: {  	_ =	swait.ge @!p0 [sflag:s0], s1  }
0x93: {  	s1 =	ssub.s32 @!p0 $0x0, s1;
	[sflag:s0] =	ssyncset.done @!p0 $0x0  }
0x94: {  	[sflag:s0] =	ssyncadd.s32 @!p0 s1  }
0x95: {  	[bflag:$0x3] =	sbarrier.arrive $0xFFFF  }
0x96: {  	_ =	shalt  }

// kernel: kernel.19.cloned.1.call-start
scs
__scs_entry_jumppad:
0x0: {  	(pc) =	sbr.rel $0x88, $3  }
0x1: {  	(tag) =	ssettag $0x0;
	lr =	simm.s32 $0x1  }
0x2: {  	[smem:$0x3F96] =	sst lr;
	_ =	strace $0xD0000000  }
0x3: {  	_ = 	snop  }
0x4: {  	_ = 	snop  }
0x5: {  	_ = 	snop  }
0x6: {  	_ = 	snop  }
0x7: {  	_ = 	snop  }
__scs_overlays_trampoline_lowered:
0x8: {  	[smem:$0x3FA5] =	sst s0  }
0x9: {  	[smem:$0x3FA6] =	sst s1  }
0xa: {  	[smem:$0x3FA7] =	sst s2  }
0xb: {  	[smem:$0x3FA8] =	sst s3  }
0xc: {  	[smem:$0x3FA9] =	sst s4  }
0xd: {  	[smem:$0x3FAA] =	sst s5  }
0xe: {  	[smem:$0x3FAB] =	sst s6  }
0xf: {  	[smem:$0x3FAC] =	sst s7  }
0x10: {  	[smem:$0x3FAD] =	sst s8  }
0x11: {  	[smem:$0x3FAE] =	sst s9;
	s0 =	simm.s32 @!p0 $0x0  }
0x12: {  	s1 =	sld [smem:$0x3F94];
	s0 =	simm.s32 @p0 $0x1  }
0x13: {  	[smem:$0x3FAF] =	sst s0;
	s0 =	simm.s32 @!p1 $0x0  }
0x14: {  	s2 =	sld [smem:$0x3F93];
	s0 =	simm.s32 @p1 $0x1  }
0x15: {  	[smem:$0x3FB0] =	sst s0;
	s0 =	simm.s32 @!p2 $0x0  }
0x16: {  	s3 =	sld [smem:$0x3FDB];
	s0 =	simm.s32 @p2 $0x1  }
0x17: {  	s4 =	simm.s32 $0x1BF5;
	[smem:$0x3FB2] =	sst s0  }
0x18: {  	s0 =	sld [smem:$0x3F95];
	_ =	swait.ge [sflag:s4], $0x0  }
0x19: {  	s7 =	sld [smem:$0x3F96]  }
0x1a: {  	s8 =	sadd.s32 $0xFFFFE003, lr  }
0x1b: {  	s9 =	sadd.s32 $0xFFFFFEF7, lr;
	s5 =	simm.s32 $0xFFFFFFFF;
	p2 =	slt.u32 s8, $0xFFFFF086  }
0x1c: {  	p1 =	slt.u32 s9, $0xF7A;
	s5 =	simm.s32 @!p2 $0x0  }
0x1d: {  	s5 =	simm.s32 @p1 $0x1;
	p0 =	seq.s32 s7, s2  }
0x1e: {  	s7 =	smul.u32 @!p0 $0xF7A, s2;
	p2 =	seq.s32 @!p0 s5, $0x0  }
0x1f: {  	s9 =	smul.u32 $0xF7A, s1;
	s8 =	simm.s32 @!p0 $0x1BF5;
	p2 =	por !p2, p0  }
0x20: {  	[sflag:s8] =	ssyncset.s32 @!p0 $0xFFFFF086;
	s6 =	sadd.s32 @!p0 s3, s7;
	s7 =	simm.s32 @!p0 $0x108  }
0x21: {  	s3 =	sadd.s32 s3, s9;
	s6 =	sadd.s32 @!p0 $0x88, s6;
	s7 =	simm.s32 @p2 $0x1082  }
0x22: {  	[simem:s7], [sflag:s8] =	dma.local @!p0 [hbm:s6], $0xF7A  }
0x23: {  	s9 =	sor.u32 $0xD0000000, s2;
	s6 =	simm.s32 $0x108;
	_ =	swait.ge @!p0 [sflag:s8], $0x0  }
0x24: {  	s3 =	sadd.s32 $0x88, s3;
	s6 =	simm.s32 @!p1 $0x1082;
	[sflag:s4] =	ssyncset.s32 $0xFFFFF086  }
0x25: {  	[simem:s6], [sflag:s4] =	dma.local [hbm:s3], $0xF7A  }
0x26: {  	[smem:$0x3F96] =	sst s1;
	(tag) =	ssettag s2;
	_ =	strace s9  }
0x27: {  	s1 =	sld [smem:$0x3FA6]  }
0x28: {  	s2 =	sld [smem:$0x3FA7]  }
0x29: {  	s4 =	sld [smem:$0x3FA9]  }
0x2a: {  	p0 =	seq.s32 s5, $0x0;
	s5 =	sld [smem:$0x3FAA]  }
0x2b: {  	s6 =	sld [smem:$0x3FAB]  }
0x2c: {  	s7 =	sld [smem:$0x3FAC]  }
0x2d: {  	s3 =	simm.s32 $0x108;
	s8 =	sld [smem:$0x3FAD]  }
0x2e: {  	s3 =	simm.s32 @!p0 $0x1082;
	s9 =	sld [smem:$0x3FAE]  }
0x2f: {  	lr =	sadd.s32 s0, s3;
	s0 =	sld [smem:$0x3FA5]  }
0x30: {  	s3 =	sld [smem:$0x3FA8]  }
0x31: {  	[smem:$0x3FB1] =	sst s10  }
0x32: {  	s10 =	sld [smem:$0x3FAF];
	_ =	sdelay $0x3  }
0x33: {  	p0 =	seq.s32 s10, $0x1;
	s10 =	sld [smem:$0x3FB1];
	_ =	sdelay $0x3  }
0x34: {  	[smem:$0x3FB1] =	sst s10  }
0x35: {  	s10 =	sld [smem:$0x3FB0];
	_ =	sdelay $0x3  }
0x36: {  	p1 =	seq.s32 s10, $0x1;
	s10 =	sld [smem:$0x3FB1];
	_ =	sdelay $0x3  }
0x37: {  	[smem:$0x3FB1] =	sst s10  }
0x38: {  	s10 =	sld [smem:$0x3FB2]  }
0x39: {  	_ = 	snop;
	(pc) =	sbr.ind lr, $3  }
0x3a: {  	_ = 	snop  }
0x3b: {  	_ = 	snop  }
0x3c: {  	p2 =	seq.s32 s10, $0x1;
	s10 =	sld [smem:$0x3FB1]  }
0x3d: {  	_ =	shalt  }
0x3e: {  	_ =	shalt  }
0x3f: {  	_ =	shalt  }
0x40: {  	_ =	shalt  }
0x41: {  	_ =	shalt  }
0x42: {  	_ =	shalt  }
0x43: {  	_ =	shalt  }
0x44: {  	_ =	shalt  }
0x45: {  	_ =	shalt  }
0x46: {  	_ =	shalt  }
0x47: {  	_ =	shalt  }
0x48: {  	_ =	shalt  }
0x49: {  	_ =	shalt  }
0x4a: {  	_ =	shalt  }
0x4b: {  	_ =	shalt  }
0x4c: {  	_ =	shalt  }
0x4d: {  	_ =	shalt  }
0x4e: {  	_ =	shalt  }
0x4f: {  	_ =	shalt  }
0x50: {  	_ =	shalt  }
0x51: {  	_ =	shalt  }
0x52: {  	_ =	shalt  }
0x53: {  	_ =	shalt  }
0x54: {  	_ =	shalt  }
0x55: {  	_ =	shalt  }
0x56: {  	_ =	shalt  }
0x57: {  	_ =	shalt  }
0x58: {  	_ =	shalt  }
0x59: {  	_ =	shalt  }
0x5a: {  	_ =	shalt  }
0x5b: {  	_ =	shalt  }
0x5c: {  	_ =	shalt  }
0x5d: {  	_ =	shalt  }
0x5e: {  	_ =	shalt  }
0x5f: {  	_ =	shalt  }
0x60: {  	_ =	shalt  }
0x61: {  	_ =	shalt  }
0x62: {  	_ =	shalt  }
0x63: {  	_ =	shalt  }
0x64: {  	_ =	shalt  }
0x65: {  	_ =	shalt  }
0x66: {  	_ =	shalt  }
0x67: {  	_ =	shalt  }
0x68: {  	_ =	shalt  }
0x69: {  	_ =	shalt  }
0x6a: {  	_ =	shalt  }
0x6b: {  	_ =	shalt  }
0x6c: {  	_ =	shalt  }
0x6d: {  	_ =	shalt  }
0x6e: {  	_ =	shalt  }
0x6f: {  	_ =	shalt  }
0x70: {  	_ =	shalt  }
0x71: {  	_ =	shalt  }
0x72: {  	_ =	shalt  }
0x73: {  	_ =	shalt  }
0x74: {  	_ =	shalt  }
0x75: {  	_ =	shalt  }
0x76: {  	_ =	shalt  }
0x77: {  	_ =	shalt  }
0x78: {  	_ =	shalt  }
0x79: {  	_ =	shalt  }
0x7a: {  	_ =	shalt  }
0x7b: {  	_ =	shalt  }
0x7c: {  	_ =	shalt  }
0x7d: {  	_ =	shalt  }
0x7e: {  	_ =	shalt  }
0x7f: {  	_ =	shalt  }
0x80: {  	_ =	shalt  }
0x81: {  	_ =	shalt  }
0x82: {  	_ =	shalt  }
0x83: {  	_ =	shalt  }
0x84: {  	_ =	shalt  }
0x85: {  	_ =	shalt  }
0x86: {  	_ =	shalt  }
0x87: {  	_ =	shalt  }
.Lfunc_end0:
.L_simem_size_0:
called_computation.3_lowered:
.L_overlay_start_0:
0x88: {  	s2 =	sld [smem:$0x3FD9]  }
0x89: {  	s3 =	sld [smem:$0x3FFE];
	_ =	sdelay $0x1  }
0x8a: {  	s1 =	srdreg.scid  }
0x8b: {  	s0 =	sand.u32 $0x1, s1  }
0x8c: {  	s16 =	sshll.u32 s0, $0xA;
	s2 =	sadd.s32 s3, s2  }
0x8d: {  	s2 =	sadd.s32 s2, s16  }
0x8e: {  	[smem:$0x3FBD] =	sst s2  }
0x8f: {  	_ = 	snop  }
0x90: {  	(tm) =	ssettm $0x1  }
0x91: {  	s17 =	sld [smem:$0x3FFB];
	_ =	sdelay $0x3  }
0x92: {  	_ =	strace s17  }
0x93: {  	s2 =	sld [smem:$0x3FFC];
	_ =	sdelay $0x3  }
0x94: {  	_ =	strace s2  }
0x95: {  	s2 =	sld [smem:$0x3FFD];
	_ =	sdelay $0x3  }
0x96: {  	_ =	strace s2  }
0x97: {  	_ =	strace $0x8FFFFFFF  }
0x98: {  	s18 =	sld [smem:$0x3FDB];
	_ =	sdelay $0x1  }
0x99: {  	s19 =	simm.s32 $_scs_section_size  }
0x9a: {  	s4 =	simm.s32 $_size__tile_overlayer_lowered;
	s5 =	simm.s32 $_tile_overlayer_lowered  }
0x9b: {  	s22 =	simm.s32 $0x1BFF;
	s21 =	sshll.u32 s5, $0x1;
	s2 =	sadd.s32 s19, s18  }
0x9c: {  	s6 =	simm.s32 $0x0;
	s20 =	sshll.u32 s4, $0x1;
	s4 =	sadd.s32 s21, s2  }
0x9d: {  	[timem:s6], [sflag:s22] =	dma.local [hbm:s4], s20  }
0x9e: {  	_ =	swait.ge [sflag:s22], s20  }
0x9f: {  	s3 =	ssub.s32 $0x0, s20;
	[sflag:s22] =	ssyncset.done $0x0  }
0xa0: {  	[sflag:s22] =	ssyncadd.s32 s3;
	_ =	sdelay $0x1  }
0xa1: {  	s23 =	simm.s32 $0x1B8B  }
0xa2: {  	_ =	swait.ge [sflag:s23], $0x1  }
0xa3: {  	[sflag:s23] =	ssyncset.done $0x0  }
0xa4: {  	s25 =	simm.s32 $0x1B8E;
	s24 =	sld [smem:$0x3FFE];
	[sflag:s23] =	ssyncadd.s32 $0xFFFFFFFF  }
0xa5: {  	s26 =	simm.s32 $execute0_lowered;
	[smem:$0x3FD2] =	sst s25  }
0xa6: {  	s4 =	sshll.u32 s26, $0x1;
	_ =	strace $0x8000004F;
	[dreg:$0x1] =	wrdreg $0xFFFFFFFF  }
0xa7: {  	s28 =	simm.s32 $_size_execute0_lowered;
	s2 =	sadd.s32 s2, s4;
	[dreg:$0x0] =	wrdreg $0x0  }
0xa8: {  	s4 =	sshll.u32 s28, $0x1;
	[dreg:$0x2] =	wrdreg s2  }
0xa9: {  	[dreg:$0x3] =	wrdreg s4  }
0xaa: {  	[dreg:$0x4] =	wrdreg $0xC0  }
0xab: {  	_ =	task [dreg:s6], $0x5FFFF  }
0xac: {  	[dreg:$0x1] =	wrdreg $0xFFFFFFFF  }
0xad: {  	[dreg:$0x0] =	wrdreg $0x60  }
0xae: {  	[dreg:$0x2] =	wrdreg s24  }
0xaf: {  	[dreg:$0x3] =	wrdreg $0x21000  }
0xb0: {  	[dreg:$0x4] =	wrdreg $0x9  }
0xb1: {  	_ =	task.clear_ibuf [dreg:s6], $0x5FFFF;
	_ =	strace $0x9000004F  }
0xb2: {  	s29 =	simm.s32 $0x9;
	_ =	strace $0x80000051  }
0xb3: {  	_ =	swait.ge [sflag:s29], $0x1  }
0xb4: {  	[sflag:s29] =	ssyncadd.s32 $0xFFFFFFFF  }
0xb5: {  	_ =	strace $0x90000051  }
0xb6: {  	_ =	sfence  }
0xb7: {  	s30 =	sld [smem:$0x0];
	_ =	sdelay $0x2  }
0xb8: {  	s31 =	sshll.u32 s1, $0xD;
	s1 =	sshrl.u32 s1, $0x2  }
0xb9: {  	s3 =	sand.u32 $0x4000, s31;
	s1 =	sadd.s32 s1, s30  }
0xba: {  	s0 =	sor.u32 s3, s0;
	s1 =	sshll.u32 s1, $0x11  }
0xbb: {  	s0 =	sor.u32 s1, s0  }
0xbc: {  	s0 =	sadd.s32 $0x8F2B, s0  }
0xbd: {  	[sflag:s0] =	ssyncadd.remote.s32 $0x1  }
0xbe: {  	_ =	sfence.sel $0xFFFF  }
0xbf: {  	[dreg:$0x0] =	wrdreg $0xFFFFFFFF;
	(pc) =	sbr.abs _section_cstart, $3  }
0xc0: {  	[dreg:$0x1] =	wrdreg $0xFFFFFFFF  }
0xc1: {  	_ =	task.clear_ibuf [dreg:s6], $0x2FFFF;
	_ =	strace $0x9FFFFFFF  }
0xc2: {  	(tm) =	ssettm $0x7FFFFFFF  }
0xc3: {  	_ =	shalt  }
tec
execute0_lowered:
.L_overlay_start_1:
0x0: {  	(tag) =	ssettag $0x1  }
0x1: {  	s6 =	rddreg [dreg:$0x0]  }
0x2: {  	s2 =	rddreg [dreg:$0x1]  }
0x3: {  	s0 =	rddreg [dreg:$0x2];
	s3 =	simm.s32 $0x0;
	s1 =	stileid.u32  }
0x4: {  	s7 =	srdreg.scid;
	s22 =	simm.s32 $0x1;
	s23 =	simm.s32 $0x0  }
0x5: {  	[smem:$0x7FF] =	sst s3;
	s5 =	smul.u32 $0x9E0, s1;
	s4 =	sadd.s32 $0x70200, s6  }
0x6: {  	s13 =	sand.u32 $0x1, s7;
	s10 =	smul.u32 $0xA000, s1;
	s16 =	sadd.s32 $0x84200, s6  }
0x7: {  	_ =	strace $0x80000050;
	s7 =	ssub.s32 $0x2, s13;
	s19 =	smul.u32 $0xA0000, s13  }
0x8: {  	s28 =	smul.u32 $0x4F0, s13;
	s15 =	sadd.s32 s5, s6;
	s5 =	sadd.s32 $0xC200, s6  }
0x9: {  	s26 =	sshrl.u32 s7, $0x1;
	s6 =	sadd.s32 s10, s2;
	s11 =	sadd.s32 $0x2000, s10  }
0xa: {  	s14 =	sadd.s32 $0x4000, s10;
	s18 =	sadd.s32 $0x6000, s10;
	s20 =	sadd.s32 $0x8000, s10  }
0xb: {  	s17 =	ssub.s32 s7, s26;
	s7 =	sadd.s32 s11, s2;
	s8 =	sadd.s32 s14, s2  }
0xc: {  	s9 =	sadd.s32 s18, s2;
	s12 =	sadd.s32 s10, s19;
	s11 =	sadd.s32 s19, s11  }
0xd: {  	s10 =	sadd.s32 s20, s2;
	s14 =	sadd.s32 s19, s14;
	s18 =	sadd.s32 s19, s18  }
0xe: {  	s30 =	sadd.s32 s19, s20;
	s31 =	sadd.s32 s28, s15;
	s19 =	simm.s32 $0x100  }
0xf: {  	s20 =	simm.s32 $0x2;
	s12 =	sshrl.u32 s12, $0x3;
	s21 =	sshrl.u32 s11, $0x3  }
0x10: {  	s14 =	sshrl.u32 s14, $0x3;
	s29 =	sshrl.u32 s18, $0x3;
	s18 =	sshrl.u32 s30, $0x3  }
0x11: {  	s11 =	sadd.s32 s16, s12;
	s12 =	sadd.s32 s16, s21;
	s13 =	sadd.s32 s16, s14  }
0x12: {  	s14 =	sadd.s32 s16, s29;
	s15 =	sadd.s32 s16, s18;
	s16 =	smax.u32 s17, $0x1  }
0x13: {  	s17 =	sadd.s32 $0x2400, s31;
	s18 =	sadd.s32 $0x16400, s31;
	s21 =	simm.s32 $0x80  }
.LBB2_1:
0x14: {  	[tilespmem:s19], [sflag:$0x2] =	stream.linear.gather [hbm4b:s5+s3], $0x2000, $0x38;
	[tilespmem:$0xC100] =	vst v63  }
0x15: {  	_ =	swait.ge [sflag:s20], $0x2000  }
0x16: {  	[sflag:s20] =	ssyncset.done $0x0  }
0x17: {  	[sflag:s20] =	ssyncadd.s32 $0xFFFFE000  }
0x18: {  	[spmem:s6] =	stream.linear.scatter [tilespmem:s19], [sflag:$0x2], $0x2000, $0x38;
	[tilespmem:$0xC100] =	vst v63  }
0x19: {  	_ =	swait.ge [sflag:s20], $0x2000  }
0x1a: {  	[sflag:s20] =	ssyncset.done $0x0  }
0x1b: {  	[sflag:s20] =	ssyncadd.s32 $0xFFFFE000  }
0x1c: {  	[spmem:s7] =	stream.linear.scatter [tilespmem:s19], [sflag:$0x2], $0x2000, $0x38;
	[tilespmem:$0xC100] =	vst v63  }
0x1d: {  	_ =	swait.ge [sflag:s20], $0x2000  }
0x1e: {  	[sflag:s20] =	ssyncset.done $0x0  }
0x1f: {  	[sflag:s20] =	ssyncadd.s32 $0xFFFFE000  }
0x20: {  	[spmem:s8] =	stream.linear.scatter [tilespmem:s19], [sflag:$0x2], $0x2000, $0x38;
	[tilespmem:$0xC100] =	vst v63  }
0x21: {  	_ =	swait.ge [sflag:s20], $0x2000  }
0x22: {  	[sflag:s20] =	ssyncset.done $0x0  }
0x23: {  	[sflag:s20] =	ssyncadd.s32 $0xFFFFE000  }
0x24: {  	[spmem:s9] =	stream.linear.scatter [tilespmem:s19], [sflag:$0x2], $0x2000, $0x38;
	[tilespmem:$0xC100] =	vst v63  }
0x25: {  	_ =	swait.ge [sflag:s20], $0x2000  }
0x26: {  	[sflag:s20] =	ssyncset.done $0x0  }
0x27: {  	[sflag:s20] =	ssyncadd.s32 $0xFFFFE000  }
0x28: {  	[spmem:s10] =	stream.linear.scatter [tilespmem:s19], [sflag:$0x2], $0x2000, $0x38;
	[tilespmem:$0xC100] =	vst v63  }
0x29: {  	_ =	swait.ge [sflag:s20], $0x2000  }
0x2a: {  	[sflag:s20] =	ssyncset.done $0x0  }
0x2b: {  	[sflag:s20] =	ssyncadd.s32 $0xFFFFE000  }
0x2c: {  	s24 =	sadd.s32 $0x0, s18;
	[bflag:$0x0] =	sbarrier.arrive $0xFFFF  }
0x2d: {  	[tilespmem:s3], [sflag:$0x2] =	stream.linear.gather [hbm4b:s24+s3], $0x80, $0x38;
	[tilespmem:$0xC100] =	vst v63  }
0x2e: {  	_ =	swait.ge [sflag:s20], $0x80  }
0x2f: {  	[sflag:s20] =	ssyncset.done $0x0  }
0x30: {  	s31 =	sadd.s32 $0x0, s17;
	[sflag:s20] =	ssyncadd.s32 $0xFFFFFF80  }
0x31: {  	[tilespmem:s21], [sflag:$0x2] =	stream.linear.gather [hbm4b:s31+s3], $0x80, $0x38;
	[tilespmem:$0xC100] =	vst v63  }
0x32: {  	_ =	swait.ge [sflag:s20], $0x80  }
0x33: {  	[sflag:s20] =	ssyncset.done $0x0  }
0x34: {  	[sflag:s20] =	ssyncadd.s32 $0xFFFFFF80  }
0x35: {  	[tilespmem:s19], [sflag:$0x1] =	stream.indirect.gather [hbm4b:s4+s21], $0x40, s3, s21, $0xb8;
	[tilespmem:$0xC100] =	vst v63  }
0x36: {  	_ =	swait.ge [sflag:s22], $0x2000  }
0x37: {  	[sflag:s22] =	ssyncset.done $0x0  }
0x38: {  	[sflag:s22] =	ssyncadd.s32 $0xFFFFE000  }
0x39: {  	[spmem:s2] =	stream.indirect.scatter.add.f32 [tilespmem:s19], [sflag:$0x2], $0x40, s21, s21, $0xb8;
	[tilespmem:$0xC100] =	vst v63  }
0x3a: {  	_ =	swait.ge [sflag:s20], $0x2000  }
0x3b: {  	s25 =	simm.s32 $0x20;
	s24 =	simm.s32 $0x10;
	[sflag:s20] =	ssyncset.done $0x0  }
.LBB2_2:
0x3c: {  	s26 =	sadd.s32 s24, s18  }
0x3d: {  	[sflag:s20] =	ssyncadd.s32 $0xFFFFE000;
	s28 =	smov.u32 s25;
	s29 =	sadd.s32 $0x10, s25  }
0x3e: {  	[tilespmem:s3], [sflag:$0x2] =	stream.linear.gather [hbm4b:s26+s3], $0x80, $0x38;
	[tilespmem:$0xC100] =	vst v63  }
0x3f: {  	p0 =	sne.s32 s25, $0x4E0;
	_ =	swait.ge [sflag:s20], $0x80  }
0x40: {  	[sflag:s20] =	ssyncset.done $0x0  }
0x41: {  	s25 =	sadd.s32 s24, s17;
	s24 =	smov.u32 s28;
	[sflag:s20] =	ssyncadd.s32 $0xFFFFFF80  }
0x42: {  	[tilespmem:s21], [sflag:$0x2] =	stream.linear.gather [hbm4b:s25+s3], $0x80, $0x38;
	[tilespmem:$0xC100] =	vst v63  }
0x43: {  	_ =	swait.ge [sflag:s20], $0x80  }
0x44: {  	[sflag:s20] =	ssyncset.done $0x0  }
0x45: {  	[sflag:s20] =	ssyncadd.s32 $0xFFFFFF80  }
0x46: {  	[tilespmem:s19], [sflag:$0x1] =	stream.indirect.gather [hbm4b:s4+s21], $0x40, s3, s21, $0xb8;
	[tilespmem:$0xC100] =	vst v63  }
0x47: {  	_ =	swait.ge [sflag:s22], $0x2000  }
.Ltmp0:
0x48: {  	[sflag:s22] =	ssyncset.done $0x0;
	(pc) =	sbr.rel @p0 .LBB2_2-.Ltmp0, $4  }
0x49: {  	[sflag:s22] =	ssyncadd.s32 $0xFFFFE000  }
0x4a: {  	[spmem:s2] =	stream.indirect.scatter.add.f32 [tilespmem:s19], [sflag:$0x2], $0x40, s21, s21, $0xb8;
	[tilespmem:$0xC100] =	vst v63  }
0x4b: {  	_ =	swait.ge [sflag:s20], $0x2000  }
0x4c: {  	s25 =	smov.u32 s29;
	[sflag:s20] =	ssyncset.done $0x0  }
0x4d: {  	s25 =	sadd.s32 s24, s18;
	[sflag:s20] =	ssyncadd.s32 $0xFFFFE000  }
0x4e: {  	[tilespmem:s3], [sflag:$0x2] =	stream.linear.gather [hbm4b:s25+s3], $0x80, $0x38;
	[tilespmem:$0xC100] =	vst v63  }
0x4f: {  	_ =	swait.ge [sflag:s20], $0x80  }
0x50: {  	[sflag:s20] =	ssyncset.done $0x0  }
0x51: {  	s31 =	sadd.s32 s24, s17;
	[sflag:s20] =	ssyncadd.s32 $0xFFFFFF80  }
0x52: {  	[tilespmem:s21], [sflag:$0x2] =	stream.linear.gather [hbm4b:s31+s3], $0x80, $0x38;
	[tilespmem:$0xC100] =	vst v63  }
0x53: {  	_ =	swait.ge [sflag:s20], $0x80  }
0x54: {  	[sflag:s20] =	ssyncset.done $0x0  }
0x55: {  	[sflag:s20] =	ssyncadd.s32 $0xFFFFFF80  }
0x56: {  	[tilespmem:s19], [sflag:$0x1] =	stream.indirect.gather [hbm4b:s4+s21], $0x40, s3, s21, $0xb8;
	[tilespmem:$0xC100] =	vst v63  }
0x57: {  	_ =	swait.ge [sflag:s22], $0x2000  }
0x58: {  	[sflag:s22] =	ssyncset.done $0x0  }
0x59: {  	[sflag:s22] =	ssyncadd.s32 $0xFFFFE000  }
0x5a: {  	[spmem:s2] =	stream.indirect.scatter.add.f32 [tilespmem:s19], [sflag:$0x2], $0x40, s21, s21, $0xb8;
	[tilespmem:$0xC100] =	vst v63  }
0x5b: {  	_ =	swait.ge [sflag:s20], $0x2000  }
0x5c: {  	[sflag:s20] =	ssyncset.done $0x0  }
0x5d: {  	[sflag:s20] =	ssyncadd.s32 $0xFFFFE000  }
0x5e: {  	[bflag:$0x0] =	sbarrier.arrive $0xFFFF  }
0x5f: {  	[tilespmem:s19], [sflag:$0x2] =	stream.linear.gather [spmem:s6], $0x2000, $0x38;
	[tilespmem:$0xC100] =	vst v63  }
0x60: {  	_ =	swait.ge [sflag:s20], $0x2000  }
0x61: {  	[sflag:s20] =	ssyncset.done $0x0  }
0x62: {  	[sflag:s20] =	ssyncadd.s32 $0xFFFFE000  }
0x63: {  	[hbm4b:s11+s3] =	stream.linear.scatter [tilespmem:s19], [sflag:$0x2], $0x2000, $0x38;
	[tilespmem:$0xC100] =	vst v63  }
0x64: {  	_ =	swait.ge [sflag:s20], $0x2000  }
0x65: {  	[sflag:s20] =	ssyncset.done $0x0  }
0x66: {  	[sflag:s20] =	ssyncadd.s32 $0xFFFFE000  }
0x67: {  	[tilespmem:s19], [sflag:$0x2] =	stream.linear.gather [spmem:s7], $0x2000, $0x38;
	[tilespmem:$0xC100] =	vst v63  }
0x68: {  	_ =	swait.ge [sflag:s20], $0x2000  }
0x69: {  	[sflag:s20] =	ssyncset.done $0x0  }
0x6a: {  	[sflag:s20] =	ssyncadd.s32 $0xFFFFE000  }
0x6b: {  	[hbm4b:s12+s3] =	stream.linear.scatter [tilespmem:s19], [sflag:$0x2], $0x2000, $0x38;
	[tilespmem:$0xC100] =	vst v63  }
0x6c: {  	_ =	swait.ge [sflag:s20], $0x2000  }
0x6d: {  	[sflag:s20] =	ssyncset.done $0x0  }
0x6e: {  	[sflag:s20] =	ssyncadd.s32 $0xFFFFE000  }
0x6f: {  	[tilespmem:s19], [sflag:$0x2] =	stream.linear.gather [spmem:s8], $0x2000, $0x38;
	[tilespmem:$0xC100] =	vst v63  }
0x70: {  	_ =	swait.ge [sflag:s20], $0x2000  }
0x71: {  	[sflag:s20] =	ssyncset.done $0x0  }
0x72: {  	[sflag:s20] =	ssyncadd.s32 $0xFFFFE000  }
0x73: {  	[hbm4b:s13+s3] =	stream.linear.scatter [tilespmem:s19], [sflag:$0x2], $0x2000, $0x38;
	[tilespmem:$0xC100] =	vst v63  }
0x74: {  	_ =	swait.ge [sflag:s20], $0x2000  }
0x75: {  	[sflag:s20] =	ssyncset.done $0x0  }
0x76: {  	[sflag:s20] =	ssyncadd.s32 $0xFFFFE000  }
0x77: {  	[tilespmem:s19], [sflag:$0x2] =	stream.linear.gather [spmem:s9], $0x2000, $0x38;
	[tilespmem:$0xC100] =	vst v63  }
0x78: {  	_ =	swait.ge [sflag:s20], $0x2000  }
0x79: {  	[sflag:s20] =	ssyncset.done $0x0  }
0x7a: {  	[sflag:s20] =	ssyncadd.s32 $0xFFFFE000  }
0x7b: {  	[hbm4b:s14+s3] =	stream.linear.scatter [tilespmem:s19], [sflag:$0x2], $0x2000, $0x38;
	[tilespmem:$0xC100] =	vst v63  }
0x7c: {  	_ =	swait.ge [sflag:s20], $0x2000  }
0x7d: {  	[sflag:s20] =	ssyncset.done $0x0  }
0x7e: {  	[sflag:s20] =	ssyncadd.s32 $0xFFFFE000  }
0x7f: {  	[tilespmem:s19], [sflag:$0x2] =	stream.linear.gather [spmem:s10], $0x2000, $0x38;
	[tilespmem:$0xC100] =	vst v63  }
0x80: {  	s23 =	sadd.s32 $0x1, s23;
	_ =	swait.ge [sflag:s20], $0x2000  }
0x81: {  	p0 =	sne.s32 s23, s16;
	[sflag:s20] =	ssyncset.done $0x0  }
.Ltmp1:
0x82: {  	[sflag:s20] =	ssyncadd.s32 $0xFFFFE000;
	(pc) =	sbr.rel @p0 .LBB2_1-.Ltmp1, $4  }
0x83: {  	[hbm4b:s15+s3] =	stream.linear.scatter [tilespmem:s19], [sflag:$0x2], $0x2000, $0x38;
	[tilespmem:$0xC100] =	vst v63  }
0x84: {  	_ =	swait.ge [sflag:s20], $0x2000  }
0x85: {  	[sflag:s20] =	ssyncset.done $0x0  }
0x86: {  	[sflag:s20] =	ssyncadd.s32 $0xFFFFE000  }
0x87: {  	_ =	sfence.sel $0x180000  }
0x88: {  	[bflag:$0x0] =	sbarrier.arrive $0xFFFF  }
0x89: {  	p0 =	sne.s32 s1, $0x0;
	_ =	strace $0x90000050  }
0x8a: {  	s0 =	sadd.s32 @!p0 $0x100000, s0;
	[bflag:$0x2] =	sbarrier.arrive $0xFFFF  }
0x8b: {  	[sflag:s0] =	ssyncadd.tile.s32 @!p0 $0x1;
	_ =	shalt  }
.Lfunc_end2:
_tile_overlayer_lowered:
.L_overlay_start_2:
0x8c: {  	(tag) =	ssettag $0x2  }
0x8d: {  	s0 =	rddreg [dreg:$0x0];
	s2 =	stileid.u32  }
0x8e: {  	s1 =	rddreg [dreg:$0x1];
	p0 =	sne.s32 s2, $0x0  }
0x8f: {  	s3 =	rddreg [dreg:$0x2];
	[bflag:$0x3] =	sbarrier.arrive $0xFFFF;
	s2 =	simm.s32 @!p0 $0x1C02  }
0x90: {  	[timem:s3], [sflag:s2] =	dma.local @!p0 [hbm:s0], s1  }
0x91: {  	s0 =	simm.s32 @!p0 $0x2  }
0x92: {  	_ =	swait.ge @!p0 [sflag:s0], s1  }
0x93: {  	s1 =	ssub.s32 @!p0 $0x0, s1;
	[sflag:s0] =	ssyncset.done @!p0 $0x0  }
0x94: {  	[sflag:s0] =	ssyncadd.s32 @!p0 s1  }
0x95: {  	[bflag:$0x3] =	sbarrier.arrive $0xFFFF  }
0x96: {  	_ =	shalt  }

</sc_bundles>
